<compile_context>
chip_gen: v7x
topology: tpu7x:2x2x1
jax: 0.10.2.dev20260603
libtpu: 0.0.44.dev20260713+nightly
codegen_flags: <defaults>
</compile_context>

<pallas_src>
import functools

import jax
import jax.numpy as jnp
from jax import lax
from jax.experimental import pallas as pl
from jax.experimental.pallas import tpu as pltpu
from jax.experimental.pallas import tpu_sc as plsc

_MOVIES_NUM = 1000000
_K = 64
_BATCH = 16384
_NBUF = 8


def _make_kernel():
    info = plsc.get_sparse_core_info()
    nc = info.num_cores
    nw = nc * info.num_subcores
    b_per_w = _BATCH // nw
    n_groups = b_per_w // 16
    mesh = plsc.VectorSubcoreMesh(core_axis_name="c", subcore_axis_name="s")

    @functools.partial(
        pl.kernel,
        mesh=mesh,
        out_type=(
            jax.ShapeDtypeStruct((_K, _BATCH), jnp.float32),
            jax.ShapeDtypeStruct((_BATCH,), jnp.float32),
        ),
        scratch_types=[
            pltpu.VMEM((b_per_w,), jnp.int32),
            pltpu.VMEM((_NBUF, _K, 128), jnp.float32),
            pltpu.VMEM((_K, b_per_w), jnp.float32),
            pltpu.VMEM((b_per_w,), jnp.float32),
            pltpu.SemaphoreType.DMA,
            pltpu.SemaphoreType.DMA((_NBUF,)),
        ],
        compiler_params=pltpu.CompilerParams(use_tc_tiling_on_sc=True,
                                             needs_layout_passes=False),
    )
    def sc_gather(idx_hbm, table_t_hbm, bias_hbm, emb_out, bias_out,
                  idx_v, slab_v, outt_v, bias_v, bsem, sems):
        wid = lax.axis_index("s") * nc + lax.axis_index("c")
        base = wid * b_per_w
        pltpu.sync_copy(idx_hbm.at[pl.ds(base, b_per_w)], idx_v)
        bias_cp = pltpu.async_copy(bias_hbm.at[idx_v], bias_v, bsem)

        jrow = lax.iota(jnp.int32, 16)

        def issue(buf, col_scalar):
            col = pl.multiple_of(col_scalar, 128)
            pltpu.async_copy(table_t_hbm.at[:, pl.ds(col, 128)],
                             slab_v.at[buf], sems.at[buf])

        def drain(buf):
            pltpu.make_async_copy(table_t_hbm.at[:, pl.ds(0, 128)],
                                  slab_v.at[buf], sems.at[buf]).wait()

        iv0 = idx_v[pl.ds(0, 16)]
        lanes0 = jnp.bitwise_and(iv0, 127)
        cols0 = iv0 - lanes0
        for e in range(_NBUF):
            issue(e, cols0[e])

        def body(g, carry):
            lanes_g, cols_g = carry
            off1 = jnp.minimum((g + 1) * 16, (n_groups - 1) * 16)
            iv1 = idx_v[pl.ds(off1, 16)]
            lanes1 = jnp.bitwise_and(iv1, 127)
            cols1 = iv1 - lanes1
            for e in range(16):
                buf = e % _NBUF
                drain(buf)
                lv = jnp.full((16,), lanes_g[e], jnp.int32)
                kv = jnp.full((16,), g * 16 + e, jnp.int32)
                for q in range(4):
                    vals = plsc.load_gather(slab_v.at[buf],
                                            [jrow + q * 16, lv])
                    plsc.store_scatter(outt_v, [jrow + q * 16, kv], vals)
                if e < 16 - _NBUF:
                    issue(buf, cols_g[e + _NBUF])
                else:
                    issue(buf, cols1[e + _NBUF - 16])
            return (lanes1, cols1)

        lax.fori_loop(0, n_groups, body, (lanes0, cols0))
        for e in range(_NBUF):
            drain(e)

        pltpu.sync_copy(outt_v, emb_out.at[:, pl.ds(base, b_per_w)])
        bias_cp.wait()
        pltpu.sync_copy(bias_v, bias_out.at[pl.ds(base, b_per_w)])

    return sc_gather


_SC_GATHER = _make_kernel()


def kernel(movie_id, movie, bias_movie):
    idx = movie_id.astype(jnp.int32)
    emb_t, bias = _SC_GATHER(idx, movie.T, bias_movie.reshape(_MOVIES_NUM))
    return emb_t.T, bias.reshape(_BATCH, 1)

# --- scband reference (transcript-rebuilt; emitter-appended) ---
"""Pipeline reference for scband-movie-layer-66073776882090 (READ-ONLY COPY).

The authoritative reference and input builder live on the scoring server;
editing this copy changes nothing except your own understanding.
"""

import jax, jax.numpy as jnp
import numpy as np

MOVIES_NUM = 1000000
K = 64
BATCH = 16384

def setup_inputs(seed: int = 0) -> dict:
    key = jax.random.key(seed)
    k1, k2, k3 = jax.random.split(key, 3)
    movie_id = jax.random.randint(k1, (BATCH,), 0, MOVIES_NUM, dtype=jnp.int64 if jax.config.jax_enable_x64 else jnp.int32).astype(jnp.int32)
    movie = jax.random.normal(k2, (MOVIES_NUM, K), dtype=jnp.float32)
    bias_movie = jax.random.normal(k3, (MOVIES_NUM, 1), dtype=jnp.float32)
    return {"movie_id": movie_id, "movie": movie, "bias_movie": bias_movie}

def reference(movie_id, movie, bias_movie):
    idx = movie_id.astype(jnp.int32)
    emb = jnp.take(movie, idx, axis=0)
    bias = jnp.take(bias_movie, idx, axis=0)
    return (emb, bias)

if __name__ == "__main__":
    import jax
    _d = setup_inputs()
    print(jax.jit(kernel)(*tuple(_d.values())))

</pallas_src>

<mosaic_0001>
#map = affine_map<(d0, d1) -> (0)>
#map1 = affine_map<(d0, d1) -> (0, 0)>
module attributes {stable_mosaic.version = 14 : i64} {
  func.func @sc_gather(%arg0: i32, %arg1: i32, %arg2: memref<16384xi32, #tpu.memory_space<hbm>>, %arg3: memref<64x1000000xf32, #tpu.memory_space<hbm>>, %arg4: memref<1000000xf32, #tpu.memory_space<hbm>>, %arg5: memref<64x16384xf32, #tpu.memory_space<hbm>>, %arg6: memref<16384xf32, #tpu.memory_space<hbm>>, %arg7: memref<512xi32, #tpu.memory_space<vmem>>, %arg8: memref<8x64x128xf32, #tpu.memory_space<vmem>>, %arg9: memref<64x512xf32, #tpu.memory_space<vmem>>, %arg10: memref<512xf32, #tpu.memory_space<vmem>>, %arg11: memref<!tpu.dma_semaphore, #tpu.memory_space<semaphore_mem>>, %arg12: memref<8x!tpu.dma_semaphore, #tpu.memory_space<semaphore_mem>>) attributes {dimension_semantics = [#tpu.dimension_semantics<core_parallel>, #tpu.dimension_semantics<subcore_parallel>], iteration_bounds = array<i64: 2, 16>, scalar_prefetch = 0 : i64, scratch_operands = 6 : i64, tpu.core_type = #tpu.core_type<sc_vector_subcore>, window_params = [{transform_indices = #map}, {transform_indices = #map1}, {transform_indices = #map}, {transform_indices = #map1}, {transform_indices = #map}]} {
    %mul3A = arith.constant 2 : i32
    %mul3A_0 = arith.muli %arg1, %mul3A : i32
    %add3A = arith.addi %mul3A_0, %arg0 : i32
    %mul3A_1 = arith.constant 512 : i32
    %mul3A_2 = arith.muli %add3A, %mul3A_1 : i32
    "tpu.region"() ({
      %run_scoped3A = tpu.sem_alloc : memref<!tpu.dma_semaphore, #tpu.memory_space<semaphore_mem>>
      %dma_start3A_306 = tpu.memref_slice %arg2[%mul3A_2] : memref<16384xi32, #tpu.memory_space<hbm>> -> memref<512xi32, #tpu.memory_space<hbm>>
      %dma_start3A_307 = tpu.memref_slice %arg2[%mul3A_2] : memref<16384xi32, #tpu.memory_space<hbm>> -> memref<512xi32, #tpu.memory_space<hbm>>
      tpu.enqueue_dma source(%dma_start3A_307 : memref<512xi32, #tpu.memory_space<hbm>>) target(%arg7 : memref<512xi32, #tpu.memory_space<vmem>>) target_semaphore(%run_scoped3A : memref<!tpu.dma_semaphore, #tpu.memory_space<semaphore_mem>>)
      %dma_wait3A_308 = tpu.memref_slice %arg2[%mul3A_2] : memref<16384xi32, #tpu.memory_space<hbm>> -> memref<512xi32, #tpu.memory_space<hbm>>
      %dma_wait3A_309 = tpu.memref_slice %arg2[%mul3A_2] : memref<16384xi32, #tpu.memory_space<hbm>> -> memref<512xi32, #tpu.memory_space<hbm>>
      tpu.wait_dma2 semaphore(%run_scoped3A : memref<!tpu.dma_semaphore, #tpu.memory_space<semaphore_mem>>) src(%dma_wait3A_309 : memref<512xi32, #tpu.memory_space<hbm>>) dst(%arg7 : memref<512xi32, #tpu.memory_space<vmem>>)
      tpu.yield
    }) : () -> ()
    %dma_start3A = arith.constant 0 : i32
    %dma_start3A_3 = tpu.memref_slice %arg4[%dma_start3A] : memref<1000000xf32, #tpu.memory_space<hbm>> -> memref<1000000xf32, #tpu.memory_space<hbm>>
    tpu.enqueue_indirect_dma source(%dma_start3A_3 : memref<1000000xf32, #tpu.memory_space<hbm>>) target(%arg10 : memref<512xf32, #tpu.memory_space<vmem>>) offsets(%arg7 : memref<512xi32, #tpu.memory_space<vmem>>) semaphore(%arg11 : memref<!tpu.dma_semaphore, #tpu.memory_space<semaphore_mem>>)
    %iota3A = tpu.iota {dimensions = array<i32: 0>} : vector<16xi32>
    %get3A = arith.constant 0 : index
    %get3A_4 = tpu.vector_load %arg7[%get3A] {strides = array<i32>} : memref<512xi32, #tpu.memory_space<vmem>>, vector<16xi32>,
    %and3A = arith.constant 127 : i32
    %and3A_5 = vector.broadcast %and3A : i32 to vector<16xi32>
    %and3A_6 = arith.andi %get3A_4, %and3A_5 : vector<16xi32>
    %sub3A = arith.subi %get3A_4, %and3A_6 : vector<16xi32>
    %slice3A = vector.extract_strided_slice %sub3A {offsets = [0], sizes = [1], strides = [1]} : vector<16xi32> to vector<1xi32>
    %squeeze3A = vector.extract %slice3A[0] : i32 from vector<1xi32>
    %multiple_of3A = tpu.assume_multiple %squeeze3A, 128 : i32
    %dma_start3A_7 = arith.constant 0 : i32
    %dma_start3A_8 = arith.constant 0 : i32
    %dma_start3A_9 = arith.constant 0 : i32
    %dma_start3A_10 = arith.constant 0 : i32
    %dma_start3A_11 = tpu.memref_slice %arg8[%dma_start3A_7, %dma_start3A_9, %dma_start3A_10] : memref<8x64x128xf32, #tpu.memory_space<vmem>> -> memref<1x64x128xf32, #tpu.memory_space<vmem>>
    %dma_start3A_12 = tpu.memref_squeeze %dma_start3A_11 : memref<1x64x128xf32, #tpu.memory_space<vmem>> -> memref<64x128xf32, #tpu.memory_space<vmem>>
    %dma_start3A_13 = arith.constant 0 : i32
    %dma_start3A_14 = tpu.memref_slice %arg3[%dma_start3A_13, %multiple_of3A] : memref<64x1000000xf32, #tpu.memory_space<hbm>> -> memref<64x128xf32, #tpu.memory_space<hbm>>
    %dma_start3A_15 = tpu.memref_slice %arg12[%dma_start3A_8] : memref<8x!tpu.dma_semaphore, #tpu.memory_space<semaphore_mem>> -> memref<1x!tpu.dma_semaphore, #tpu.memory_space<semaphore_mem>>
    %dma_start3A_16 = tpu.memref_squeeze %dma_start3A_15 : memref<1x!tpu.dma_semaphore, #tpu.memory_space<semaphore_mem>> -> memref<!tpu.dma_semaphore, #tpu.memory_space<semaphore_mem>>
    %dma_start3A_17 = arith.constant 0 : i32
    %dma_start3A_18 = arith.constant 0 : i32
    %dma_start3A_19 = tpu.memref_slice %arg8[%dma_start3A_7, %dma_start3A_17, %dma_start3A_18] : memref<8x64x128xf32, #tpu.memory_space<vmem>> -> memref<1x64x128xf32, #tpu.memory_space<vmem>>
    %dma_start3A_20 = tpu.memref_squeeze %dma_start3A_19 : memref<1x64x128xf32, #tpu.memory_space<vmem>> -> memref<64x128xf32, #tpu.memory_space<vmem>>
    %dma_start3A_21 = arith.constant 0 : i32
    %dma_start3A_22 = tpu.memref_slice %arg3[%dma_start3A_21, %multiple_of3A] : memref<64x1000000xf32, #tpu.memory_space<hbm>> -> memref<64x128xf32, #tpu.memory_space<hbm>>
    tpu.enqueue_dma source(%dma_start3A_22 : memref<64x128xf32, #tpu.memory_space<hbm>>) target(%dma_start3A_20 : memref<64x128xf32, #tpu.memory_space<vmem>>) target_semaphore(%dma_start3A_16 : memref<!tpu.dma_semaphore, #tpu.memory_space<semaphore_mem>>)
    %slice3A_23 = vector.extract_strided_slice %sub3A {offsets = [1], sizes = [1], strides = [1]} : vector<16xi32> to vector<1xi32>
    %squeeze3A_24 = vector.extract %slice3A_23[0] : i32 from vector<1xi32>
    %multiple_of3A_25 = tpu.assume_multiple %squeeze3A_24, 128 : i32
    %dma_start3A_26 = arith.constant 1 : i32
    %dma_start3A_27 = arith.constant 1 : i32
    %dma_start3A_28 = arith.constant 0 : i32
    %dma_start3A_29 = arith.constant 0 : i32
    %dma_start3A_30 = tpu.memref_slice %arg8[%dma_start3A_26, %dma_start3A_28, %dma_start3A_29] : memref<8x64x128xf32, #tpu.memory_space<vmem>> -> memref<1x64x128xf32, #tpu.memory_space<vmem>>
    %dma_start3A_31 = tpu.memref_squeeze %dma_start3A_30 : memref<1x64x128xf32, #tpu.memory_space<vmem>> -> memref<64x128xf32, #tpu.memory_space<vmem>>
    %dma_start3A_32 = arith.constant 0 : i32
    %dma_start3A_33 = tpu.memref_slice %arg3[%dma_start3A_32, %multiple_of3A_25] : memref<64x1000000xf32, #tpu.memory_space<hbm>> -> memref<64x128xf32, #tpu.memory_space<hbm>>
    %dma_start3A_34 = tpu.memref_slice %arg12[%dma_start3A_27] : memref<8x!tpu.dma_semaphore, #tpu.memory_space<semaphore_mem>> -> memref<1x!tpu.dma_semaphore, #tpu.memory_space<semaphore_mem>>
    %dma_start3A_35 = tpu.memref_squeeze %dma_start3A_34 : memref<1x!tpu.dma_semaphore, #tpu.memory_space<semaphore_mem>> -> memref<!tpu.dma_semaphore, #tpu.memory_space<semaphore_mem>>
    %dma_start3A_36 = arith.constant 0 : i32
    %dma_start3A_37 = arith.constant 0 : i32
    %dma_start3A_38 = tpu.memref_slice %arg8[%dma_start3A_26, %dma_start3A_36, %dma_start3A_37] : memref<8x64x128xf32, #tpu.memory_space<vmem>> -> memref<1x64x128xf32, #tpu.memory_space<vmem>>
    %dma_start3A_39 = tpu.memref_squeeze %dma_start3A_38 : memref<1x64x128xf32, #tpu.memory_space<vmem>> -> memref<64x128xf32, #tpu.memory_space<vmem>>
    %dma_start3A_40 = arith.constant 0 : i32
    %dma_start3A_41 = tpu.memref_slice %arg3[%dma_start3A_40, %multiple_of3A_25] : memref<64x1000000xf32, #tpu.memory_space<hbm>> -> memref<64x128xf32, #tpu.memory_space<hbm>>
    tpu.enqueue_dma source(%dma_start3A_41 : memref<64x128xf32, #tpu.memory_space<hbm>>) target(%dma_start3A_39 : memref<64x128xf32, #tpu.memory_space<vmem>>) target_semaphore(%dma_start3A_35 : memref<!tpu.dma_semaphore, #tpu.memory_space<semaphore_mem>>)
    %slice3A_42 = vector.extract_strided_slice %sub3A {offsets = [2], sizes = [1], strides = [1]} : vector<16xi32> to vector<1xi32>
    %squeeze3A_43 = vector.extract %slice3A_42[0] : i32 from vector<1xi32>
    %multiple_of3A_44 = tpu.assume_multiple %squeeze3A_43, 128 : i32
    %dma_start3A_45 = arith.constant 2 : i32
    %dma_start3A_46 = arith.constant 2 : i32
    %dma_start3A_47 = arith.constant 0 : i32
    %dma_start3A_48 = arith.constant 0 : i32
    %dma_start3A_49 = tpu.memref_slice %arg8[%dma_start3A_45, %dma_start3A_47, %dma_start3A_48] : memref<8x64x128xf32, #tpu.memory_space<vmem>> -> memref<1x64x128xf32, #tpu.memory_space<vmem>>
    %dma_start3A_50 = tpu.memref_squeeze %dma_start3A_49 : memref<1x64x128xf32, #tpu.memory_space<vmem>> -> memref<64x128xf32, #tpu.memory_space<vmem>>
    %dma_start3A_51 = arith.constant 0 : i32
    %dma_start3A_52 = tpu.memref_slice %arg3[%dma_start3A_51, %multiple_of3A_44] : memref<64x1000000xf32, #tpu.memory_space<hbm>> -> memref<64x128xf32, #tpu.memory_space<hbm>>
    %dma_start3A_53 = tpu.memref_slice %arg12[%dma_start3A_46] : memref<8x!tpu.dma_semaphore, #tpu.memory_space<semaphore_mem>> -> memref<1x!tpu.dma_semaphore, #tpu.memory_space<semaphore_mem>>
    %dma_start3A_54 = tpu.memref_squeeze %dma_start3A_53 : memref<1x!tpu.dma_semaphore, #tpu.memory_space<semaphore_mem>> -> memref<!tpu.dma_semaphore, #tpu.memory_space<semaphore_mem>>
    %dma_start3A_55 = arith.constant 0 : i32
    %dma_start3A_56 = arith.constant 0 : i32
    %dma_start3A_57 = tpu.memref_slice %arg8[%dma_start3A_45, %dma_start3A_55, %dma_start3A_56] : memref<8x64x128xf32, #tpu.memory_space<vmem>> -> memref<1x64x128xf32, #tpu.memory_space<vmem>>
    %dma_start3A_58 = tpu.memref_squeeze %dma_start3A_57 : memref<1x64x128xf32, #tpu.memory_space<vmem>> -> memref<64x128xf32, #tpu.memory_space<vmem>>
    %dma_start3A_59 = arith.constant 0 : i32
    %dma_start3A_60 = tpu.memref_slice %arg3[%dma_start3A_59, %multiple_of3A_44] : memref<64x1000000xf32, #tpu.memory_space<hbm>> -> memref<64x128xf32, #tpu.memory_space<hbm>>
    tpu.enqueue_dma source(%dma_start3A_60 : memref<64x128xf32, #tpu.memory_space<hbm>>) target(%dma_start3A_58 : memref<64x128xf32, #tpu.memory_space<vmem>>) target_semaphore(%dma_start3A_54 : memref<!tpu.dma_semaphore, #tpu.memory_space<semaphore_mem>>)
    %slice3A_61 = vector.extract_strided_slice %sub3A {offsets = [3], sizes = [1], strides = [1]} : vector<16xi32> to vector<1xi32>
    %squeeze3A_62 = vector.extract %slice3A_61[0] : i32 from vector<1xi32>
    %multiple_of3A_63 = tpu.assume_multiple %squeeze3A_62, 128 : i32
    %dma_start3A_64 = arith.constant 3 : i32
    %dma_start3A_65 = arith.constant 3 : i32
    %dma_start3A_66 = arith.constant 0 : i32
    %dma_start3A_67 = arith.constant 0 : i32
    %dma_start3A_68 = tpu.memref_slice %arg8[%dma_start3A_64, %dma_start3A_66, %dma_start3A_67] : memref<8x64x128xf32, #tpu.memory_space<vmem>> -> memref<1x64x128xf32, #tpu.memory_space<vmem>>
    %dma_start3A_69 = tpu.memref_squeeze %dma_start3A_68 : memref<1x64x128xf32, #tpu.memory_space<vmem>> -> memref<64x128xf32, #tpu.memory_space<vmem>>
    %dma_start3A_70 = arith.constant 0 : i32
    %dma_start3A_71 = tpu.memref_slice %arg3[%dma_start3A_70, %multiple_of3A_63] : memref<64x1000000xf32, #tpu.memory_space<hbm>> -> memref<64x128xf32, #tpu.memory_space<hbm>>
    %dma_start3A_72 = tpu.memref_slice %arg12[%dma_start3A_65] : memref<8x!tpu.dma_semaphore, #tpu.memory_space<semaphore_mem>> -> memref<1x!tpu.dma_semaphore, #tpu.memory_space<semaphore_mem>>
    %dma_start3A_73 = tpu.memref_squeeze %dma_start3A_72 : memref<1x!tpu.dma_semaphore, #tpu.memory_space<semaphore_mem>> -> memref<!tpu.dma_semaphore, #tpu.memory_space<semaphore_mem>>
    %dma_start3A_74 = arith.constant 0 : i32
    %dma_start3A_75 = arith.constant 0 : i32
    %dma_start3A_76 = tpu.memref_slice %arg8[%dma_start3A_64, %dma_start3A_74, %dma_start3A_75] : memref<8x64x128xf32, #tpu.memory_space<vmem>> -> memref<1x64x128xf32, #tpu.memory_space<vmem>>
    %dma_start3A_77 = tpu.memref_squeeze %dma_start3A_76 : memref<1x64x128xf32, #tpu.memory_space<vmem>> -> memref<64x128xf32, #tpu.memory_space<vmem>>
    %dma_start3A_78 = arith.constant 0 : i32
    %dma_start3A_79 = tpu.memref_slice %arg3[%dma_start3A_78, %multiple_of3A_63] : memref<64x1000000xf32, #tpu.memory_space<hbm>> -> memref<64x128xf32, #tpu.memory_space<hbm>>
    tpu.enqueue_dma source(%dma_start3A_79 : memref<64x128xf32, #tpu.memory_space<hbm>>) target(%dma_start3A_77 : memref<64x128xf32, #tpu.memory_space<vmem>>) target_semaphore(%dma_start3A_73 : memref<!tpu.dma_semaphore, #tpu.memory_space<semaphore_mem>>)
    %slice3A_80 = vector.extract_strided_slice %sub3A {offsets = [4], sizes = [1], strides = [1]} : vector<16xi32> to vector<1xi32>
    %squeeze3A_81 = vector.extract %slice3A_80[0] : i32 from vector<1xi32>
    %multiple_of3A_82 = tpu.assume_multiple %squeeze3A_81, 128 : i32
    %dma_start3A_83 = arith.constant 4 : i32
    %dma_start3A_84 = arith.constant 4 : i32
    %dma_start3A_85 = arith.constant 0 : i32
    %dma_start3A_86 = arith.constant 0 : i32
    %dma_start3A_87 = tpu.memref_slice %arg8[%dma_start3A_83, %dma_start3A_85, %dma_start3A_86] : memref<8x64x128xf32, #tpu.memory_space<vmem>> -> memref<1x64x128xf32, #tpu.memory_space<vmem>>
    %dma_start3A_88 = tpu.memref_squeeze %dma_start3A_87 : memref<1x64x128xf32, #tpu.memory_space<vmem>> -> memref<64x128xf32, #tpu.memory_space<vmem>>
    %dma_start3A_89 = arith.constant 0 : i32
    %dma_start3A_90 = tpu.memref_slice %arg3[%dma_start3A_89, %multiple_of3A_82] : memref<64x1000000xf32, #tpu.memory_space<hbm>> -> memref<64x128xf32, #tpu.memory_space<hbm>>
    %dma_start3A_91 = tpu.memref_slice %arg12[%dma_start3A_84] : memref<8x!tpu.dma_semaphore, #tpu.memory_space<semaphore_mem>> -> memref<1x!tpu.dma_semaphore, #tpu.memory_space<semaphore_mem>>
    %dma_start3A_92 = tpu.memref_squeeze %dma_start3A_91 : memref<1x!tpu.dma_semaphore, #tpu.memory_space<semaphore_mem>> -> memref<!tpu.dma_semaphore, #tpu.memory_space<semaphore_mem>>
    %dma_start3A_93 = arith.constant 0 : i32
    %dma_start3A_94 = arith.constant 0 : i32
    %dma_start3A_95 = tpu.memref_slice %arg8[%dma_start3A_83, %dma_start3A_93, %dma_start3A_94] : memref<8x64x128xf32, #tpu.memory_space<vmem>> -> memref<1x64x128xf32, #tpu.memory_space<vmem>>
    %dma_start3A_96 = tpu.memref_squeeze %dma_start3A_95 : memref<1x64x128xf32, #tpu.memory_space<vmem>> -> memref<64x128xf32, #tpu.memory_space<vmem>>
    %dma_start3A_97 = arith.constant 0 : i32
    %dma_start3A_98 = tpu.memref_slice %arg3[%dma_start3A_97, %multiple_of3A_82] : memref<64x1000000xf32, #tpu.memory_space<hbm>> -> memref<64x128xf32, #tpu.memory_space<hbm>>
    tpu.enqueue_dma source(%dma_start3A_98 : memref<64x128xf32, #tpu.memory_space<hbm>>) target(%dma_start3A_96 : memref<64x128xf32, #tpu.memory_space<vmem>>) target_semaphore(%dma_start3A_92 : memref<!tpu.dma_semaphore, #tpu.memory_space<semaphore_mem>>)
    %slice3A_99 = vector.extract_strided_slice %sub3A {offsets = [5], sizes = [1], strides = [1]} : vector<16xi32> to vector<1xi32>
    %squeeze3A_100 = vector.extract %slice3A_99[0] : i32 from vector<1xi32>
    %multiple_of3A_101 = tpu.assume_multiple %squeeze3A_100, 128 : i32
    %dma_start3A_102 = arith.constant 5 : i32
    %dma_start3A_103 = arith.constant 5 : i32
    %dma_start3A_104 = arith.constant 0 : i32
    %dma_start3A_105 = arith.constant 0 : i32
    %dma_start3A_106 = tpu.memref_slice %arg8[%dma_start3A_102, %dma_start3A_104, %dma_start3A_105] : memref<8x64x128xf32, #tpu.memory_space<vmem>> -> memref<1x64x128xf32, #tpu.memory_space<vmem>>
    %dma_start3A_107 = tpu.memref_squeeze %dma_start3A_106 : memref<1x64x128xf32, #tpu.memory_space<vmem>> -> memref<64x128xf32, #tpu.memory_space<vmem>>
    %dma_start3A_108 = arith.constant 0 : i32
    %dma_start3A_109 = tpu.memref_slice %arg3[%dma_start3A_108, %multiple_of3A_101] : memref<64x1000000xf32, #tpu.memory_space<hbm>> -> memref<64x128xf32, #tpu.memory_space<hbm>>
    %dma_start3A_110 = tpu.memref_slice %arg12[%dma_start3A_103] : memref<8x!tpu.dma_semaphore, #tpu.memory_space<semaphore_mem>> -> memref<1x!tpu.dma_semaphore, #tpu.memory_space<semaphore_mem>>
    %dma_start3A_111 = tpu.memref_squeeze %dma_start3A_110 : memref<1x!tpu.dma_semaphore, #tpu.memory_space<semaphore_mem>> -> memref<!tpu.dma_semaphore, #tpu.memory_space<semaphore_mem>>
    %dma_start3A_112 = arith.constant 0 : i32
    %dma_start3A_113 = arith.constant 0 : i32
    %dma_start3A_114 = tpu.memref_slice %arg8[%dma_start3A_102, %dma_start3A_112, %dma_start3A_113] : memref<8x64x128xf32, #tpu.memory_space<vmem>> -> memref<1x64x128xf32, #tpu.memory_space<vmem>>
    %dma_start3A_115 = tpu.memref_squeeze %dma_start3A_114 : memref<1x64x128xf32, #tpu.memory_space<vmem>> -> memref<64x128xf32, #tpu.memory_space<vmem>>
    %dma_start3A_116 = arith.constant 0 : i32
    %dma_start3A_117 = tpu.memref_slice %arg3[%dma_start3A_116, %multiple_of3A_101] : memref<64x1000000xf32, #tpu.memory_space<hbm>> -> memref<64x128xf32, #tpu.memory_space<hbm>>
    tpu.enqueue_dma source(%dma_start3A_117 : memref<64x128xf32, #tpu.memory_space<hbm>>) target(%dma_start3A_115 : memref<64x128xf32, #tpu.memory_space<vmem>>) target_semaphore(%dma_start3A_111 : memref<!tpu.dma_semaphore, #tpu.memory_space<semaphore_mem>>)
    %slice3A_118 = vector.extract_strided_slice %sub3A {offsets = [6], sizes = [1], strides = [1]} : vector<16xi32> to vector<1xi32>
    %squeeze3A_119 = vector.extract %slice3A_118[0] : i32 from vector<1xi32>
    %multiple_of3A_120 = tpu.assume_multiple %squeeze3A_119, 128 : i32
    %dma_start3A_121 = arith.constant 6 : i32
    %dma_start3A_122 = arith.constant 6 : i32
    %dma_start3A_123 = arith.constant 0 : i32
    %dma_start3A_124 = arith.constant 0 : i32
    %dma_start3A_125 = tpu.memref_slice %arg8[%dma_start3A_121, %dma_start3A_123, %dma_start3A_124] : memref<8x64x128xf32, #tpu.memory_space<vmem>> -> memref<1x64x128xf32, #tpu.memory_space<vmem>>
    %dma_start3A_126 = tpu.memref_squeeze %dma_start3A_125 : memref<1x64x128xf32, #tpu.memory_space<vmem>> -> memref<64x128xf32, #tpu.memory_space<vmem>>
    %dma_start3A_127 = arith.constant 0 : i32
    %dma_start3A_128 = tpu.memref_slice %arg3[%dma_start3A_127, %multiple_of3A_120] : memref<64x1000000xf32, #tpu.memory_space<hbm>> -> memref<64x128xf32, #tpu.memory_space<hbm>>
    %dma_start3A_129 = tpu.memref_slice %arg12[%dma_start3A_122] : memref<8x!tpu.dma_semaphore, #tpu.memory_space<semaphore_mem>> -> memref<1x!tpu.dma_semaphore, #tpu.memory_space<semaphore_mem>>
    %dma_start3A_130 = tpu.memref_squeeze %dma_start3A_129 : memref<1x!tpu.dma_semaphore, #tpu.memory_space<semaphore_mem>> -> memref<!tpu.dma_semaphore, #tpu.memory_space<semaphore_mem>>
    %dma_start3A_131 = arith.constant 0 : i32
    %dma_start3A_132 = arith.constant 0 : i32
    %dma_start3A_133 = tpu.memref_slice %arg8[%dma_start3A_121, %dma_start3A_131, %dma_start3A_132] : memref<8x64x128xf32, #tpu.memory_space<vmem>> -> memref<1x64x128xf32, #tpu.memory_space<vmem>>
    %dma_start3A_134 = tpu.memref_squeeze %dma_start3A_133 : memref<1x64x128xf32, #tpu.memory_space<vmem>> -> memref<64x128xf32, #tpu.memory_space<vmem>>
    %dma_start3A_135 = arith.constant 0 : i32
    %dma_start3A_136 = tpu.memref_slice %arg3[%dma_start3A_135, %multiple_of3A_120] : memref<64x1000000xf32, #tpu.memory_space<hbm>> -> memref<64x128xf32, #tpu.memory_space<hbm>>
    tpu.enqueue_dma source(%dma_start3A_136 : memref<64x128xf32, #tpu.memory_space<hbm>>) target(%dma_start3A_134 : memref<64x128xf32, #tpu.memory_space<vmem>>) target_semaphore(%dma_start3A_130 : memref<!tpu.dma_semaphore, #tpu.memory_space<semaphore_mem>>)
    %slice3A_137 = vector.extract_strided_slice %sub3A {offsets = [7], sizes = [1], strides = [1]} : vector<16xi32> to vector<1xi32>
    %squeeze3A_138 = vector.extract %slice3A_137[0] : i32 from vector<1xi32>
    %multiple_of3A_139 = tpu.assume_multiple %squeeze3A_138, 128 : i32
    %dma_start3A_140 = arith.constant 7 : i32
    %dma_start3A_141 = arith.constant 7 : i32
    %dma_start3A_142 = arith.constant 0 : i32
    %dma_start3A_143 = arith.constant 0 : i32
    %dma_start3A_144 = tpu.memref_slice %arg8[%dma_start3A_140, %dma_start3A_142, %dma_start3A_143] : memref<8x64x128xf32, #tpu.memory_space<vmem>> -> memref<1x64x128xf32, #tpu.memory_space<vmem>>
    %dma_start3A_145 = tpu.memref_squeeze %dma_start3A_144 : memref<1x64x128xf32, #tpu.memory_space<vmem>> -> memref<64x128xf32, #tpu.memory_space<vmem>>
    %dma_start3A_146 = arith.constant 0 : i32
    %dma_start3A_147 = tpu.memref_slice %arg3[%dma_start3A_146, %multiple_of3A_139] : memref<64x1000000xf32, #tpu.memory_space<hbm>> -> memref<64x128xf32, #tpu.memory_space<hbm>>
    %dma_start3A_148 = tpu.memref_slice %arg12[%dma_start3A_141] : memref<8x!tpu.dma_semaphore, #tpu.memory_space<semaphore_mem>> -> memref<1x!tpu.dma_semaphore, #tpu.memory_space<semaphore_mem>>
    %dma_start3A_149 = tpu.memref_squeeze %dma_start3A_148 : memref<1x!tpu.dma_semaphore, #tpu.memory_space<semaphore_mem>> -> memref<!tpu.dma_semaphore, #tpu.memory_space<semaphore_mem>>
    %dma_start3A_150 = arith.constant 0 : i32
    %dma_start3A_151 = arith.constant 0 : i32
    %dma_start3A_152 = tpu.memref_slice %arg8[%dma_start3A_140, %dma_start3A_150, %dma_start3A_151] : memref<8x64x128xf32, #tpu.memory_space<vmem>> -> memref<1x64x128xf32, #tpu.memory_space<vmem>>
    %dma_start3A_153 = tpu.memref_squeeze %dma_start3A_152 : memref<1x64x128xf32, #tpu.memory_space<vmem>> -> memref<64x128xf32, #tpu.memory_space<vmem>>
    %dma_start3A_154 = arith.constant 0 : i32
    %dma_start3A_155 = tpu.memref_slice %arg3[%dma_start3A_154, %multiple_of3A_139] : memref<64x1000000xf32, #tpu.memory_space<hbm>> -> memref<64x128xf32, #tpu.memory_space<hbm>>
    tpu.enqueue_dma source(%dma_start3A_155 : memref<64x128xf32, #tpu.memory_space<hbm>>) target(%dma_start3A_153 : memref<64x128xf32, #tpu.memory_space<vmem>>) target_semaphore(%dma_start3A_149 : memref<!tpu.dma_semaphore, #tpu.memory_space<semaphore_mem>>)
    %scan3A = arith.constant 0 : i32
    %scan3A_156 = arith.constant 32 : i32
    %scan3A_157 = arith.addi %scan3A, %scan3A_156 : i32
    %scan3A_158 = arith.constant 1 : i32
    %scan3A_159:2 = scf.for %scan3A_306 = %scan3A to %scan3A_157 step %scan3A_158 iter_args(%scan3A_307 = %and3A_6, %scan3A_308 = %sub3A) -> (vector<16xi32>, vector<16xi32>)  : i32 {
      %add3A_309 = arith.constant 1 : i32
      %add3A_310 = arith.addi %scan3A_306, %add3A_309 : i32
      %mul3A_311 = arith.constant 16 : i32
      %mul3A_312 = arith.muli %add3A_310, %mul3A_311 : i32
      %min3A = arith.constant 496 : i32
      %min3A_313 = arith.minsi %mul3A_312, %min3A : i32
      %get3A_314 = arith.index_cast %min3A_313 : i32 to index
      %get3A_315 = tpu.vector_load %arg7[%get3A_314] {strides = array<i32>} : memref<512xi32, #tpu.memory_space<vmem>>, vector<16xi32>,
      %and3A_316 = arith.constant 127 : i32
      %and3A_317 = vector.broadcast %and3A_316 : i32 to vector<16xi32>
      %and3A_318 = arith.andi %get3A_315, %and3A_317 : vector<16xi32>
      %sub3A_319 = arith.subi %get3A_315, %and3A_318 : vector<16xi32>
      %dma_wait3A_320 = arith.constant 0 : i32
      %dma_wait3A_321 = arith.constant 0 : i32
      %dma_wait3A_322 = arith.constant 0 : i32
      %dma_wait3A_323 = arith.constant 0 : i32
      %dma_wait3A_324 = tpu.memref_slice %arg8[%dma_wait3A_320, %dma_wait3A_322, %dma_wait3A_323] : memref<8x64x128xf32, #tpu.memory_space<vmem>> -> memref<1x64x128xf32, #tpu.memory_space<vmem>>
      %dma_wait3A_325 = tpu.memref_squeeze %dma_wait3A_324 : memref<1x64x128xf32, #tpu.memory_space<vmem>> -> memref<64x128xf32, #tpu.memory_space<vmem>>
      %dma_wait3A_326 = arith.constant 0 : i32
      %dma_wait3A_327 = arith.constant 0 : i32
      %dma_wait3A_328 = tpu.memref_slice %arg3[%dma_wait3A_326, %dma_wait3A_327] : memref<64x1000000xf32, #tpu.memory_space<hbm>> -> memref<64x128xf32, #tpu.memory_space<hbm>>
      %dma_wait3A_329 = tpu.memref_slice %arg12[%dma_wait3A_321] : memref<8x!tpu.dma_semaphore, #tpu.memory_space<semaphore_mem>> -> memref<1x!tpu.dma_semaphore, #tpu.memory_space<semaphore_mem>>
      %dma_wait3A_330 = tpu.memref_squeeze %dma_wait3A_329 : memref<1x!tpu.dma_semaphore, #tpu.memory_space<semaphore_mem>> -> memref<!tpu.dma_semaphore, #tpu.memory_space<semaphore_mem>>
      %dma_wait3A_331 = arith.constant 0 : i32
      %dma_wait3A_332 = arith.constant 0 : i32
      %dma_wait3A_333 = tpu.memref_slice %arg8[%dma_wait3A_320, %dma_wait3A_331, %dma_wait3A_332] : memref<8x64x128xf32, #tpu.memory_space<vmem>> -> memref<1x64x128xf32, #tpu.memory_space<vmem>>
      %dma_wait3A_334 = tpu.memref_squeeze %dma_wait3A_333 : memref<1x64x128xf32, #tpu.memory_space<vmem>> -> memref<64x128xf32, #tpu.memory_space<vmem>>
      %dma_wait3A_335 = arith.constant 0 : i32
      %dma_wait3A_336 = arith.constant 0 : i32
      %dma_wait3A_337 = tpu.memref_slice %arg3[%dma_wait3A_335, %dma_wait3A_336] : memref<64x1000000xf32, #tpu.memory_space<hbm>> -> memref<64x128xf32, #tpu.memory_space<hbm>>
      tpu.wait_dma2 semaphore(%dma_wait3A_330 : memref<!tpu.dma_semaphore, #tpu.memory_space<semaphore_mem>>) src(%dma_wait3A_337 : memref<64x128xf32, #tpu.memory_space<hbm>>) dst(%dma_wait3A_334 : memref<64x128xf32, #tpu.memory_space<vmem>>)
      %slice3A_338 = vector.extract_strided_slice %scan3A_307 {offsets = [0], sizes = [1], strides = [1]} : vector<16xi32> to vector<1xi32>
      %squeeze3A_339 = vector.extract %slice3A_338[0] : i32 from vector<1xi32>
      %broadcast_in_dim3A = vector.broadcast %squeeze3A_339 : i32 to vector<16xi32>
      %mul3A_340 = arith.constant 16 : i32
      %mul3A_341 = arith.muli %scan3A_306, %mul3A_340 : i32
      %add3A_342 = arith.constant 0 : i32
      %add3A_343 = arith.addi %mul3A_341, %add3A_342 : i32
      %broadcast_in_dim3A_344 = vector.broadcast %add3A_343 : i32 to vector<16xi32>
      %add3A_345 = arith.constant 0 : i32
      %add3A_346 = vector.broadcast %add3A_345 : i32 to vector<16xi32>
      %add3A_347 = arith.addi %iota3A, %add3A_346 : vector<16xi32>
      %gather3A = arith.constant 0 : i32
      %gather3A_348 = arith.constant 0 : i32
      %gather3A_349 = arith.constant 0 : i32
      %gather3A_350 = tpu.memref_slice %arg8[%gather3A, %gather3A_348, %gather3A_349] : memref<8x64x128xf32, #tpu.memory_space<vmem>> -> memref<1x64x128xf32, #tpu.memory_space<vmem>>
      %gather3A_351 = tpu.memref_squeeze %gather3A_350 : memref<1x64x128xf32, #tpu.memory_space<vmem>> -> memref<64x128xf32, #tpu.memory_space<vmem>>
      %gather3A_352 = tpu.vector_load_idx %gather3A_351[%add3A_347, %broadcast_in_dim3A] : memref<64x128xf32, #tpu.memory_space<vmem>>[vector<16xi32>, vector<16xi32>], vector<16xf32>,
      %add3A_353 = arith.constant 0 : i32
      %add3A_354 = vector.broadcast %add3A_353 : i32 to vector<16xi32>
      %add3A_355 = arith.addi %iota3A, %add3A_354 : vector<16xi32>
      tpu.vector_store_idx %arg9[%add3A_355, %broadcast_in_dim3A_344], %gather3A_352 : memref<64x512xf32, #tpu.memory_space<vmem>>[vector<16xi32>, vector<16xi32>], vector<16xf32>,
      %add3A_356 = arith.constant 16 : i32
      %add3A_357 = vector.broadcast %add3A_356 : i32 to vector<16xi32>
      %add3A_358 = arith.addi %iota3A, %add3A_357 : vector<16xi32>
      %gather3A_359 = arith.constant 0 : i32
      %gather3A_360 = arith.constant 0 : i32
      %gather3A_361 = arith.constant 0 : i32
      %gather3A_362 = tpu.memref_slice %arg8[%gather3A_359, %gather3A_360, %gather3A_361] : memref<8x64x128xf32, #tpu.memory_space<vmem>> -> memref<1x64x128xf32, #tpu.memory_space<vmem>>
      %gather3A_363 = tpu.memref_squeeze %gather3A_362 : memref<1x64x128xf32, #tpu.memory_space<vmem>> -> memref<64x128xf32, #tpu.memory_space<vmem>>
      %gather3A_364 = tpu.vector_load_idx %gather3A_363[%add3A_358, %broadcast_in_dim3A] : memref<64x128xf32, #tpu.memory_space<vmem>>[vector<16xi32>, vector<16xi32>], vector<16xf32>,
      %add3A_365 = arith.constant 16 : i32
      %add3A_366 = vector.broadcast %add3A_365 : i32 to vector<16xi32>
      %add3A_367 = arith.addi %iota3A, %add3A_366 : vector<16xi32>
      tpu.vector_store_idx %arg9[%add3A_367, %broadcast_in_dim3A_344], %gather3A_364 : memref<64x512xf32, #tpu.memory_space<vmem>>[vector<16xi32>, vector<16xi32>], vector<16xf32>,
      %add3A_368 = arith.constant 32 : i32
      %add3A_369 = vector.broadcast %add3A_368 : i32 to vector<16xi32>
      %add3A_370 = arith.addi %iota3A, %add3A_369 : vector<16xi32>
      %gather3A_371 = arith.constant 0 : i32
      %gather3A_372 = arith.constant 0 : i32
      %gather3A_373 = arith.constant 0 : i32
      %gather3A_374 = tpu.memref_slice %arg8[%gather3A_371, %gather3A_372, %gather3A_373] : memref<8x64x128xf32, #tpu.memory_space<vmem>> -> memref<1x64x128xf32, #tpu.memory_space<vmem>>
      %gather3A_375 = tpu.memref_squeeze %gather3A_374 : memref<1x64x128xf32, #tpu.memory_space<vmem>> -> memref<64x128xf32, #tpu.memory_space<vmem>>
      %gather3A_376 = tpu.vector_load_idx %gather3A_375[%add3A_370, %broadcast_in_dim3A] : memref<64x128xf32, #tpu.memory_space<vmem>>[vector<16xi32>, vector<16xi32>], vector<16xf32>,
      %add3A_377 = arith.constant 32 : i32
      %add3A_378 = vector.broadcast %add3A_377 : i32 to vector<16xi32>
      %add3A_379 = arith.addi %iota3A, %add3A_378 : vector<16xi32>
      tpu.vector_store_idx %arg9[%add3A_379, %broadcast_in_dim3A_344], %gather3A_376 : memref<64x512xf32, #tpu.memory_space<vmem>>[vector<16xi32>, vector<16xi32>], vector<16xf32>,
      %add3A_380 = arith.constant 48 : i32
      %add3A_381 = vector.broadcast %add3A_380 : i32 to vector<16xi32>
      %add3A_382 = arith.addi %iota3A, %add3A_381 : vector<16xi32>
      %gather3A_383 = arith.constant 0 : i32
      %gather3A_384 = arith.constant 0 : i32
      %gather3A_385 = arith.constant 0 : i32
      %gather3A_386 = tpu.memref_slice %arg8[%gather3A_383, %gather3A_384, %gather3A_385] : memref<8x64x128xf32, #tpu.memory_space<vmem>> -> memref<1x64x128xf32, #tpu.memory_space<vmem>>
      %gather3A_387 = tpu.memref_squeeze %gather3A_386 : memref<1x64x128xf32, #tpu.memory_space<vmem>> -> memref<64x128xf32, #tpu.memory_space<vmem>>
      %gather3A_388 = tpu.vector_load_idx %gather3A_387[%add3A_382, %broadcast_in_dim3A] : memref<64x128xf32, #tpu.memory_space<vmem>>[vector<16xi32>, vector<16xi32>], vector<16xf32>,
      %add3A_389 = arith.constant 48 : i32
      %add3A_390 = vector.broadcast %add3A_389 : i32 to vector<16xi32>
      %add3A_391 = arith.addi %iota3A, %add3A_390 : vector<16xi32>
      tpu.vector_store_idx %arg9[%add3A_391, %broadcast_in_dim3A_344], %gather3A_388 : memref<64x512xf32, #tpu.memory_space<vmem>>[vector<16xi32>, vector<16xi32>], vector<16xf32>,
      %slice3A_392 = vector.extract_strided_slice %scan3A_308 {offsets = [8], sizes = [1], strides = [1]} : vector<16xi32> to vector<1xi32>
      %squeeze3A_393 = vector.extract %slice3A_392[0] : i32 from vector<1xi32>
      %multiple_of3A_394 = tpu.assume_multiple %squeeze3A_393, 128 : i32
      %dma_start3A_395 = arith.constant 0 : i32
      %dma_start3A_396 = arith.constant 0 : i32
      %dma_start3A_397 = arith.constant 0 : i32
      %dma_start3A_398 = arith.constant 0 : i32
      %dma_start3A_399 = tpu.memref_slice %arg8[%dma_start3A_395, %dma_start3A_397, %dma_start3A_398] : memref<8x64x128xf32, #tpu.memory_space<vmem>> -> memref<1x64x128xf32, #tpu.memory_space<vmem>>
      %dma_start3A_400 = tpu.memref_squeeze %dma_start3A_399 : memref<1x64x128xf32, #tpu.memory_space<vmem>> -> memref<64x128xf32, #tpu.memory_space<vmem>>
      %dma_start3A_401 = arith.constant 0 : i32
      %dma_start3A_402 = tpu.memref_slice %arg3[%dma_start3A_401, %multiple_of3A_394] : memref<64x1000000xf32, #tpu.memory_space<hbm>> -> memref<64x128xf32, #tpu.memory_space<hbm>>
      %dma_start3A_403 = tpu.memref_slice %arg12[%dma_start3A_396] : memref<8x!tpu.dma_semaphore, #tpu.memory_space<semaphore_mem>> -> memref<1x!tpu.dma_semaphore, #tpu.memory_space<semaphore_mem>>
      %dma_start3A_404 = tpu.memref_squeeze %dma_start3A_403 : memref<1x!tpu.dma_semaphore, #tpu.memory_space<semaphore_mem>> -> memref<!tpu.dma_semaphore, #tpu.memory_space<semaphore_mem>>
      %dma_start3A_405 = arith.constant 0 : i32
      %dma_start3A_406 = arith.constant 0 : i32
      %dma_start3A_407 = tpu.memref_slice %arg8[%dma_start3A_395, %dma_start3A_405, %dma_start3A_406] : memref<8x64x128xf32, #tpu.memory_space<vmem>> -> memref<1x64x128xf32, #tpu.memory_space<vmem>>
      %dma_start3A_408 = tpu.memref_squeeze %dma_start3A_407 : memref<1x64x128xf32, #tpu.memory_space<vmem>> -> memref<64x128xf32, #tpu.memory_space<vmem>>
      %dma_start3A_409 = arith.constant 0 : i32
      %dma_start3A_410 = tpu.memref_slice %arg3[%dma_start3A_409, %multiple_of3A_394] : memref<64x1000000xf32, #tpu.memory_space<hbm>> -> memref<64x128xf32, #tpu.memory_space<hbm>>
      tpu.enqueue_dma source(%dma_start3A_410 : memref<64x128xf32, #tpu.memory_space<hbm>>) target(%dma_start3A_408 : memref<64x128xf32, #tpu.memory_space<vmem>>) target_semaphore(%dma_start3A_404 : memref<!tpu.dma_semaphore, #tpu.memory_space<semaphore_mem>>)
      %dma_wait3A_411 = arith.constant 1 : i32
      %dma_wait3A_412 = arith.constant 1 : i32
      %dma_wait3A_413 = arith.constant 0 : i32
      %dma_wait3A_414 = arith.constant 0 : i32
      %dma_wait3A_415 = tpu.memref_slice %arg8[%dma_wait3A_411, %dma_wait3A_413, %dma_wait3A_414] : memref<8x64x128xf32, #tpu.memory_space<vmem>> -> memref<1x64x128xf32, #tpu.memory_space<vmem>>
      %dma_wait3A_416 = tpu.memref_squeeze %dma_wait3A_415 : memref<1x64x128xf32, #tpu.memory_space<vmem>> -> memref<64x128xf32, #tpu.memory_space<vmem>>
      %dma_wait3A_417 = arith.constant 0 : i32
      %dma_wait3A_418 = arith.constant 0 : i32
      %dma_wait3A_419 = tpu.memref_slice %arg3[%dma_wait3A_417, %dma_wait3A_418] : memref<64x1000000xf32, #tpu.memory_space<hbm>> -> memref<64x128xf32, #tpu.memory_space<hbm>>
      %dma_wait3A_420 = tpu.memref_slice %arg12[%dma_wait3A_412] : memref<8x!tpu.dma_semaphore, #tpu.memory_space<semaphore_mem>> -> memref<1x!tpu.dma_semaphore, #tpu.memory_space<semaphore_mem>>
      %dma_wait3A_421 = tpu.memref_squeeze %dma_wait3A_420 : memref<1x!tpu.dma_semaphore, #tpu.memory_space<semaphore_mem>> -> memref<!tpu.dma_semaphore, #tpu.memory_space<semaphore_mem>>
      %dma_wait3A_422 = arith.constant 0 : i32
      %dma_wait3A_423 = arith.constant 0 : i32
      %dma_wait3A_424 = tpu.memref_slice %arg8[%dma_wait3A_411, %dma_wait3A_422, %dma_wait3A_423] : memref<8x64x128xf32, #tpu.memory_space<vmem>> -> memref<1x64x128xf32, #tpu.memory_space<vmem>>
      %dma_wait3A_425 = tpu.memref_squeeze %dma_wait3A_424 : memref<1x64x128xf32, #tpu.memory_space<vmem>> -> memref<64x128xf32, #tpu.memory_space<vmem>>
      %dma_wait3A_426 = arith.constant 0 : i32
      %dma_wait3A_427 = arith.constant 0 : i32
      %dma_wait3A_428 = tpu.memref_slice %arg3[%dma_wait3A_426, %dma_wait3A_427] : memref<64x1000000xf32, #tpu.memory_space<hbm>> -> memref<64x128xf32, #tpu.memory_space<hbm>>
      tpu.wait_dma2 semaphore(%dma_wait3A_421 : memref<!tpu.dma_semaphore, #tpu.memory_space<semaphore_mem>>) src(%dma_wait3A_428 : memref<64x128xf32, #tpu.memory_space<hbm>>) dst(%dma_wait3A_425 : memref<64x128xf32, #tpu.memory_space<vmem>>)
      %slice3A_429 = vector.extract_strided_slice %scan3A_307 {offsets = [1], sizes = [1], strides = [1]} : vector<16xi32> to vector<1xi32>
      %squeeze3A_430 = vector.extract %slice3A_429[0] : i32 from vector<1xi32>
      %broadcast_in_dim3A_431 = vector.broadcast %squeeze3A_430 : i32 to vector<16xi32>
      %mul3A_432 = arith.constant 16 : i32
      %mul3A_433 = arith.muli %scan3A_306, %mul3A_432 : i32
      %add3A_434 = arith.constant 1 : i32
      %add3A_435 = arith.addi %mul3A_433, %add3A_434 : i32
      %broadcast_in_dim3A_436 = vector.broadcast %add3A_435 : i32 to vector<16xi32>
      %add3A_437 = arith.constant 0 : i32
      %add3A_438 = vector.broadcast %add3A_437 : i32 to vector<16xi32>
      %add3A_439 = arith.addi %iota3A, %add3A_438 : vector<16xi32>
      %gather3A_440 = arith.constant 1 : i32
      %gather3A_441 = arith.constant 0 : i32
      %gather3A_442 = arith.constant 0 : i32
      %gather3A_443 = tpu.memref_slice %arg8[%gather3A_440, %gather3A_441, %gather3A_442] : memref<8x64x128xf32, #tpu.memory_space<vmem>> -> memref<1x64x128xf32, #tpu.memory_space<vmem>>
      %gather3A_444 = tpu.memref_squeeze %gather3A_443 : memref<1x64x128xf32, #tpu.memory_space<vmem>> -> memref<64x128xf32, #tpu.memory_space<vmem>>
      %gather3A_445 = tpu.vector_load_idx %gather3A_444[%add3A_439, %broadcast_in_dim3A_431] : memref<64x128xf32, #tpu.memory_space<vmem>>[vector<16xi32>, vector<16xi32>], vector<16xf32>,
      %add3A_446 = arith.constant 0 : i32
      %add3A_447 = vector.broadcast %add3A_446 : i32 to vector<16xi32>
      %add3A_448 = arith.addi %iota3A, %add3A_447 : vector<16xi32>
      tpu.vector_store_idx %arg9[%add3A_448, %broadcast_in_dim3A_436], %gather3A_445 : memref<64x512xf32, #tpu.memory_space<vmem>>[vector<16xi32>, vector<16xi32>], vector<16xf32>,
      %add3A_449 = arith.constant 16 : i32
      %add3A_450 = vector.broadcast %add3A_449 : i32 to vector<16xi32>
      %add3A_451 = arith.addi %iota3A, %add3A_450 : vector<16xi32>
      %gather3A_452 = arith.constant 1 : i32
      %gather3A_453 = arith.constant 0 : i32
      %gather3A_454 = arith.constant 0 : i32
      %gather3A_455 = tpu.memref_slice %arg8[%gather3A_452, %gather3A_453, %gather3A_454] : memref<8x64x128xf32, #tpu.memory_space<vmem>> -> memref<1x64x128xf32, #tpu.memory_space<vmem>>
      %gather3A_456 = tpu.memref_squeeze %gather3A_455 : memref<1x64x128xf32, #tpu.memory_space<vmem>> -> memref<64x128xf32, #tpu.memory_space<vmem>>
      %gather3A_457 = tpu.vector_load_idx %gather3A_456[%add3A_451, %broadcast_in_dim3A_431] : memref<64x128xf32, #tpu.memory_space<vmem>>[vector<16xi32>, vector<16xi32>], vector<16xf32>,
      %add3A_458 = arith.constant 16 : i32
      %add3A_459 = vector.broadcast %add3A_458 : i32 to vector<16xi32>
      %add3A_460 = arith.addi %iota3A, %add3A_459 : vector<16xi32>
      tpu.vector_store_idx %arg9[%add3A_460, %broadcast_in_dim3A_436], %gather3A_457 : memref<64x512xf32, #tpu.memory_space<vmem>>[vector<16xi32>, vector<16xi32>], vector<16xf32>,
      %add3A_461 = arith.constant 32 : i32
      %add3A_462 = vector.broadcast %add3A_461 : i32 to vector<16xi32>
      %add3A_463 = arith.addi %iota3A, %add3A_462 : vector<16xi32>
      %gather3A_464 = arith.constant 1 : i32
      %gather3A_465 = arith.constant 0 : i32
      %gather3A_466 = arith.constant 0 : i32
      %gather3A_467 = tpu.memref_slice %arg8[%gather3A_464, %gather3A_465, %gather3A_466] : memref<8x64x128xf32, #tpu.memory_space<vmem>> -> memref<1x64x128xf32, #tpu.memory_space<vmem>>
      %gather3A_468 = tpu.memref_squeeze %gather3A_467 : memref<1x64x128xf32, #tpu.memory_space<vmem>> -> memref<64x128xf32, #tpu.memory_space<vmem>>
      %gather3A_469 = tpu.vector_load_idx %gather3A_468[%add3A_463, %broadcast_in_dim3A_431] : memref<64x128xf32, #tpu.memory_space<vmem>>[vector<16xi32>, vector<16xi32>], vector<16xf32>,
      %add3A_470 = arith.constant 32 : i32
      %add3A_471 = vector.broadcast %add3A_470 : i32 to vector<16xi32>
      %add3A_472 = arith.addi %iota3A, %add3A_471 : vector<16xi32>
      tpu.vector_store_idx %arg9[%add3A_472, %broadcast_in_dim3A_436], %gather3A_469 : memref<64x512xf32, #tpu.memory_space<vmem>>[vector<16xi32>, vector<16xi32>], vector<16xf32>,
      %add3A_473 = arith.constant 48 : i32
      %add3A_474 = vector.broadcast %add3A_473 : i32 to vector<16xi32>
      %add3A_475 = arith.addi %iota3A, %add3A_474 : vector<16xi32>
      %gather3A_476 = arith.constant 1 : i32
      %gather3A_477 = arith.constant 0 : i32
      %gather3A_478 = arith.constant 0 : i32
      %gather3A_479 = tpu.memref_slice %arg8[%gather3A_476, %gather3A_477, %gather3A_478] : memref<8x64x128xf32, #tpu.memory_space<vmem>> -> memref<1x64x128xf32, #tpu.memory_space<vmem>>
      %gather3A_480 = tpu.memref_squeeze %gather3A_479 : memref<1x64x128xf32, #tpu.memory_space<vmem>> -> memref<64x128xf32, #tpu.memory_space<vmem>>
      %gather3A_481 = tpu.vector_load_idx %gather3A_480[%add3A_475, %broadcast_in_dim3A_431] : memref<64x128xf32, #tpu.memory_space<vmem>>[vector<16xi32>, vector<16xi32>], vector<16xf32>,
      %add3A_482 = arith.constant 48 : i32
      %add3A_483 = vector.broadcast %add3A_482 : i32 to vector<16xi32>
      %add3A_484 = arith.addi %iota3A, %add3A_483 : vector<16xi32>
      tpu.vector_store_idx %arg9[%add3A_484, %broadcast_in_dim3A_436], %gather3A_481 : memref<64x512xf32, #tpu.memory_space<vmem>>[vector<16xi32>, vector<16xi32>], vector<16xf32>,
      %slice3A_485 = vector.extract_strided_slice %scan3A_308 {offsets = [9], sizes = [1], strides = [1]} : vector<16xi32> to vector<1xi32>
      %squeeze3A_486 = vector.extract %slice3A_485[0] : i32 from vector<1xi32>
      %multiple_of3A_487 = tpu.assume_multiple %squeeze3A_486, 128 : i32
      %dma_start3A_488 = arith.constant 1 : i32
      %dma_start3A_489 = arith.constant 1 : i32
      %dma_start3A_490 = arith.constant 0 : i32
      %dma_start3A_491 = arith.constant 0 : i32
      %dma_start3A_492 = tpu.memref_slice %arg8[%dma_start3A_488, %dma_start3A_490, %dma_start3A_491] : memref<8x64x128xf32, #tpu.memory_space<vmem>> -> memref<1x64x128xf32, #tpu.memory_space<vmem>>
      %dma_start3A_493 = tpu.memref_squeeze %dma_start3A_492 : memref<1x64x128xf32, #tpu.memory_space<vmem>> -> memref<64x128xf32, #tpu.memory_space<vmem>>
      %dma_start3A_494 = arith.constant 0 : i32
      %dma_start3A_495 = tpu.memref_slice %arg3[%dma_start3A_494, %multiple_of3A_487] : memref<64x1000000xf32, #tpu.memory_space<hbm>> -> memref<64x128xf32, #tpu.memory_space<hbm>>
      %dma_start3A_496 = tpu.memref_slice %arg12[%dma_start3A_489] : memref<8x!tpu.dma_semaphore, #tpu.memory_space<semaphore_mem>> -> memref<1x!tpu.dma_semaphore, #tpu.memory_space<semaphore_mem>>
      %dma_start3A_497 = tpu.memref_squeeze %dma_start3A_496 : memref<1x!tpu.dma_semaphore, #tpu.memory_space<semaphore_mem>> -> memref<!tpu.dma_semaphore, #tpu.memory_space<semaphore_mem>>
      %dma_start3A_498 = arith.constant 0 : i32
      %dma_start3A_499 = arith.constant 0 : i32
      %dma_start3A_500 = tpu.memref_slice %arg8[%dma_start3A_488, %dma_start3A_498, %dma_start3A_499] : memref<8x64x128xf32, #tpu.memory_space<vmem>> -> memref<1x64x128xf32, #tpu.memory_space<vmem>>
      %dma_start3A_501 = tpu.memref_squeeze %dma_start3A_500 : memref<1x64x128xf32, #tpu.memory_space<vmem>> -> memref<64x128xf32, #tpu.memory_space<vmem>>
      %dma_start3A_502 = arith.constant 0 : i32
      %dma_start3A_503 = tpu.memref_slice %arg3[%dma_start3A_502, %multiple_of3A_487] : memref<64x1000000xf32, #tpu.memory_space<hbm>> -> memref<64x128xf32, #tpu.memory_space<hbm>>
      tpu.enqueue_dma source(%dma_start3A_503 : memref<64x128xf32, #tpu.memory_space<hbm>>) target(%dma_start3A_501 : memref<64x128xf32, #tpu.memory_space<vmem>>) target_semaphore(%dma_start3A_497 : memref<!tpu.dma_semaphore, #tpu.memory_space<semaphore_mem>>)
      %dma_wait3A_504 = arith.constant 2 : i32
      %dma_wait3A_505 = arith.constant 2 : i32
      %dma_wait3A_506 = arith.constant 0 : i32
      %dma_wait3A_507 = arith.constant 0 : i32
      %dma_wait3A_508 = tpu.memref_slice %arg8[%dma_wait3A_504, %dma_wait3A_506, %dma_wait3A_507] : memref<8x64x128xf32, #tpu.memory_space<vmem>> -> memref<1x64x128xf32, #tpu.memory_space<vmem>>
      %dma_wait3A_509 = tpu.memref_squeeze %dma_wait3A_508 : memref<1x64x128xf32, #tpu.memory_space<vmem>> -> memref<64x128xf32, #tpu.memory_space<vmem>>
      %dma_wait3A_510 = arith.constant 0 : i32
      %dma_wait3A_511 = arith.constant 0 : i32
      %dma_wait3A_512 = tpu.memref_slice %arg3[%dma_wait3A_510, %dma_wait3A_511] : memref<64x1000000xf32, #tpu.memory_space<hbm>> -> memref<64x128xf32, #tpu.memory_space<hbm>>
      %dma_wait3A_513 = tpu.memref_slice %arg12[%dma_wait3A_505] : memref<8x!tpu.dma_semaphore, #tpu.memory_space<semaphore_mem>> -> memref<1x!tpu.dma_semaphore, #tpu.memory_space<semaphore_mem>>
      %dma_wait3A_514 = tpu.memref_squeeze %dma_wait3A_513 : memref<1x!tpu.dma_semaphore, #tpu.memory_space<semaphore_mem>> -> memref<!tpu.dma_semaphore, #tpu.memory_space<semaphore_mem>>
      %dma_wait3A_515 = arith.constant 0 : i32
      %dma_wait3A_516 = arith.constant 0 : i32
      %dma_wait3A_517 = tpu.memref_slice %arg8[%dma_wait3A_504, %dma_wait3A_515, %dma_wait3A_516] : memref<8x64x128xf32, #tpu.memory_space<vmem>> -> memref<1x64x128xf32, #tpu.memory_space<vmem>>
      %dma_wait3A_518 = tpu.memref_squeeze %dma_wait3A_517 : memref<1x64x128xf32, #tpu.memory_space<vmem>> -> memref<64x128xf32, #tpu.memory_space<vmem>>
      %dma_wait3A_519 = arith.constant 0 : i32
      %dma_wait3A_520 = arith.constant 0 : i32
      %dma_wait3A_521 = tpu.memref_slice %arg3[%dma_wait3A_519, %dma_wait3A_520] : memref<64x1000000xf32, #tpu.memory_space<hbm>> -> memref<64x128xf32, #tpu.memory_space<hbm>>
      tpu.wait_dma2 semaphore(%dma_wait3A_514 : memref<!tpu.dma_semaphore, #tpu.memory_space<semaphore_mem>>) src(%dma_wait3A_521 : memref<64x128xf32, #tpu.memory_space<hbm>>) dst(%dma_wait3A_518 : memref<64x128xf32, #tpu.memory_space<vmem>>)
      %slice3A_522 = vector.extract_strided_slice %scan3A_307 {offsets = [2], sizes = [1], strides = [1]} : vector<16xi32> to vector<1xi32>
      %squeeze3A_523 = vector.extract %slice3A_522[0] : i32 from vector<1xi32>
      %broadcast_in_dim3A_524 = vector.broadcast %squeeze3A_523 : i32 to vector<16xi32>
      %mul3A_525 = arith.constant 16 : i32
      %mul3A_526 = arith.muli %scan3A_306, %mul3A_525 : i32
      %add3A_527 = arith.constant 2 : i32
      %add3A_528 = arith.addi %mul3A_526, %add3A_527 : i32
      %broadcast_in_dim3A_529 = vector.broadcast %add3A_528 : i32 to vector<16xi32>
      %add3A_530 = arith.constant 0 : i32
      %add3A_531 = vector.broadcast %add3A_530 : i32 to vector<16xi32>
      %add3A_532 = arith.addi %iota3A, %add3A_531 : vector<16xi32>
      %gather3A_533 = arith.constant 2 : i32
      %gather3A_534 = arith.constant 0 : i32
      %gather3A_535 = arith.constant 0 : i32
      %gather3A_536 = tpu.memref_slice %arg8[%gather3A_533, %gather3A_534, %gather3A_535] : memref<8x64x128xf32, #tpu.memory_space<vmem>> -> memref<1x64x128xf32, #tpu.memory_space<vmem>>
      %gather3A_537 = tpu.memref_squeeze %gather3A_536 : memref<1x64x128xf32, #tpu.memory_space<vmem>> -> memref<64x128xf32, #tpu.memory_space<vmem>>
      %gather3A_538 = tpu.vector_load_idx %gather3A_537[%add3A_532, %broadcast_in_dim3A_524] : memref<64x128xf32, #tpu.memory_space<vmem>>[vector<16xi32>, vector<16xi32>], vector<16xf32>,
      %add3A_539 = arith.constant 0 : i32
      %add3A_540 = vector.broadcast %add3A_539 : i32 to vector<16xi32>
      %add3A_541 = arith.addi %iota3A, %add3A_540 : vector<16xi32>
      tpu.vector_store_idx %arg9[%add3A_541, %broadcast_in_dim3A_529], %gather3A_538 : memref<64x512xf32, #tpu.memory_space<vmem>>[vector<16xi32>, vector<16xi32>], vector<16xf32>,
      %add3A_542 = arith.constant 16 : i32
      %add3A_543 = vector.broadcast %add3A_542 : i32 to vector<16xi32>
      %add3A_544 = arith.addi %iota3A, %add3A_543 : vector<16xi32>
      %gather3A_545 = arith.constant 2 : i32
      %gather3A_546 = arith.constant 0 : i32
      %gather3A_547 = arith.constant 0 : i32
      %gather3A_548 = tpu.memref_slice %arg8[%gather3A_545, %gather3A_546, %gather3A_547] : memref<8x64x128xf32, #tpu.memory_space<vmem>> -> memref<1x64x128xf32, #tpu.memory_space<vmem>>
      %gather3A_549 = tpu.memref_squeeze %gather3A_548 : memref<1x64x128xf32, #tpu.memory_space<vmem>> -> memref<64x128xf32, #tpu.memory_space<vmem>>
      %gather3A_550 = tpu.vector_load_idx %gather3A_549[%add3A_544, %broadcast_in_dim3A_524] : memref<64x128xf32, #tpu.memory_space<vmem>>[vector<16xi32>, vector<16xi32>], vector<16xf32>,
      %add3A_551 = arith.constant 16 : i32
      %add3A_552 = vector.broadcast %add3A_551 : i32 to vector<16xi32>
      %add3A_553 = arith.addi %iota3A, %add3A_552 : vector<16xi32>
      tpu.vector_store_idx %arg9[%add3A_553, %broadcast_in_dim3A_529], %gather3A_550 : memref<64x512xf32, #tpu.memory_space<vmem>>[vector<16xi32>, vector<16xi32>], vector<16xf32>,
      %add3A_554 = arith.constant 32 : i32
      %add3A_555 = vector.broadcast %add3A_554 : i32 to vector<16xi32>
      %add3A_556 = arith.addi %iota3A, %add3A_555 : vector<16xi32>
      %gather3A_557 = arith.constant 2 : i32
      %gather3A_558 = arith.constant 0 : i32
      %gather3A_559 = arith.constant 0 : i32
      %gather3A_560 = tpu.memref_slice %arg8[%gather3A_557, %gather3A_558, %gather3A_559] : memref<8x64x128xf32, #tpu.memory_space<vmem>> -> memref<1x64x128xf32, #tpu.memory_space<vmem>>
      %gather3A_561 = tpu.memref_squeeze %gather3A_560 : memref<1x64x128xf32, #tpu.memory_space<vmem>> -> memref<64x128xf32, #tpu.memory_space<vmem>>
      %gather3A_562 = tpu.vector_load_idx %gather3A_561[%add3A_556, %broadcast_in_dim3A_524] : memref<64x128xf32, #tpu.memory_space<vmem>>[vector<16xi32>, vector<16xi32>], vector<16xf32>,
      %add3A_563 = arith.constant 32 : i32
      %add3A_564 = vector.broadcast %add3A_563 : i32 to vector<16xi32>
      %add3A_565 = arith.addi %iota3A, %add3A_564 : vector<16xi32>
      tpu.vector_store_idx %arg9[%add3A_565, %broadcast_in_dim3A_529], %gather3A_562 : memref<64x512xf32, #tpu.memory_space<vmem>>[vector<16xi32>, vector<16xi32>], vector<16xf32>,
      %add3A_566 = arith.constant 48 : i32
      %add3A_567 = vector.broadcast %add3A_566 : i32 to vector<16xi32>
      %add3A_568 = arith.addi %iota3A, %add3A_567 : vector<16xi32>
      %gather3A_569 = arith.constant 2 : i32
      %gather3A_570 = arith.constant 0 : i32
      %gather3A_571 = arith.constant 0 : i32
      %gather3A_572 = tpu.memref_slice %arg8[%gather3A_569, %gather3A_570, %gather3A_571] : memref<8x64x128xf32, #tpu.memory_space<vmem>> -> memref<1x64x128xf32, #tpu.memory_space<vmem>>
      %gather3A_573 = tpu.memref_squeeze %gather3A_572 : memref<1x64x128xf32, #tpu.memory_space<vmem>> -> memref<64x128xf32, #tpu.memory_space<vmem>>
      %gather3A_574 = tpu.vector_load_idx %gather3A_573[%add3A_568, %broadcast_in_dim3A_524] : memref<64x128xf32, #tpu.memory_space<vmem>>[vector<16xi32>, vector<16xi32>], vector<16xf32>,
      %add3A_575 = arith.constant 48 : i32
      %add3A_576 = vector.broadcast %add3A_575 : i32 to vector<16xi32>
      %add3A_577 = arith.addi %iota3A, %add3A_576 : vector<16xi32>
      tpu.vector_store_idx %arg9[%add3A_577, %broadcast_in_dim3A_529], %gather3A_574 : memref<64x512xf32, #tpu.memory_space<vmem>>[vector<16xi32>, vector<16xi32>], vector<16xf32>,
      %slice3A_578 = vector.extract_strided_slice %scan3A_308 {offsets = [10], sizes = [1], strides = [1]} : vector<16xi32> to vector<1xi32>
      %squeeze3A_579 = vector.extract %slice3A_578[0] : i32 from vector<1xi32>
      %multiple_of3A_580 = tpu.assume_multiple %squeeze3A_579, 128 : i32
      %dma_start3A_581 = arith.constant 2 : i32
      %dma_start3A_582 = arith.constant 2 : i32
      %dma_start3A_583 = arith.constant 0 : i32
      %dma_start3A_584 = arith.constant 0 : i32
      %dma_start3A_585 = tpu.memref_slice %arg8[%dma_start3A_581, %dma_start3A_583, %dma_start3A_584] : memref<8x64x128xf32, #tpu.memory_space<vmem>> -> memref<1x64x128xf32, #tpu.memory_space<vmem>>
      %dma_start3A_586 = tpu.memref_squeeze %dma_start3A_585 : memref<1x64x128xf32, #tpu.memory_space<vmem>> -> memref<64x128xf32, #tpu.memory_space<vmem>>
      %dma_start3A_587 = arith.constant 0 : i32
      %dma_start3A_588 = tpu.memref_slice %arg3[%dma_start3A_587, %multiple_of3A_580] : memref<64x1000000xf32, #tpu.memory_space<hbm>> -> memref<64x128xf32, #tpu.memory_space<hbm>>
      %dma_start3A_589 = tpu.memref_slice %arg12[%dma_start3A_582] : memref<8x!tpu.dma_semaphore, #tpu.memory_space<semaphore_mem>> -> memref<1x!tpu.dma_semaphore, #tpu.memory_space<semaphore_mem>>
      %dma_start3A_590 = tpu.memref_squeeze %dma_start3A_589 : memref<1x!tpu.dma_semaphore, #tpu.memory_space<semaphore_mem>> -> memref<!tpu.dma_semaphore, #tpu.memory_space<semaphore_mem>>
      %dma_start3A_591 = arith.constant 0 : i32
      %dma_start3A_592 = arith.constant 0 : i32
      %dma_start3A_593 = tpu.memref_slice %arg8[%dma_start3A_581, %dma_start3A_591, %dma_start3A_592] : memref<8x64x128xf32, #tpu.memory_space<vmem>> -> memref<1x64x128xf32, #tpu.memory_space<vmem>>
      %dma_start3A_594 = tpu.memref_squeeze %dma_start3A_593 : memref<1x64x128xf32, #tpu.memory_space<vmem>> -> memref<64x128xf32, #tpu.memory_space<vmem>>
      %dma_start3A_595 = arith.constant 0 : i32
      %dma_start3A_596 = tpu.memref_slice %arg3[%dma_start3A_595, %multiple_of3A_580] : memref<64x1000000xf32, #tpu.memory_space<hbm>> -> memref<64x128xf32, #tpu.memory_space<hbm>>
      tpu.enqueue_dma source(%dma_start3A_596 : memref<64x128xf32, #tpu.memory_space<hbm>>) target(%dma_start3A_594 : memref<64x128xf32, #tpu.memory_space<vmem>>) target_semaphore(%dma_start3A_590 : memref<!tpu.dma_semaphore, #tpu.memory_space<semaphore_mem>>)
      %dma_wait3A_597 = arith.constant 3 : i32
      %dma_wait3A_598 = arith.constant 3 : i32
      %dma_wait3A_599 = arith.constant 0 : i32
      %dma_wait3A_600 = arith.constant 0 : i32
      %dma_wait3A_601 = tpu.memref_slice %arg8[%dma_wait3A_597, %dma_wait3A_599, %dma_wait3A_600] : memref<8x64x128xf32, #tpu.memory_space<vmem>> -> memref<1x64x128xf32, #tpu.memory_space<vmem>>
      %dma_wait3A_602 = tpu.memref_squeeze %dma_wait3A_601 : memref<1x64x128xf32, #tpu.memory_space<vmem>> -> memref<64x128xf32, #tpu.memory_space<vmem>>
      %dma_wait3A_603 = arith.constant 0 : i32
      %dma_wait3A_604 = arith.constant 0 : i32
      %dma_wait3A_605 = tpu.memref_slice %arg3[%dma_wait3A_603, %dma_wait3A_604] : memref<64x1000000xf32, #tpu.memory_space<hbm>> -> memref<64x128xf32, #tpu.memory_space<hbm>>
      %dma_wait3A_606 = tpu.memref_slice %arg12[%dma_wait3A_598] : memref<8x!tpu.dma_semaphore, #tpu.memory_space<semaphore_mem>> -> memref<1x!tpu.dma_semaphore, #tpu.memory_space<semaphore_mem>>
      %dma_wait3A_607 = tpu.memref_squeeze %dma_wait3A_606 : memref<1x!tpu.dma_semaphore, #tpu.memory_space<semaphore_mem>> -> memref<!tpu.dma_semaphore, #tpu.memory_space<semaphore_mem>>
      %dma_wait3A_608 = arith.constant 0 : i32
      %dma_wait3A_609 = arith.constant 0 : i32
      %dma_wait3A_610 = tpu.memref_slice %arg8[%dma_wait3A_597, %dma_wait3A_608, %dma_wait3A_609] : memref<8x64x128xf32, #tpu.memory_space<vmem>> -> memref<1x64x128xf32, #tpu.memory_space<vmem>>
      %dma_wait3A_611 = tpu.memref_squeeze %dma_wait3A_610 : memref<1x64x128xf32, #tpu.memory_space<vmem>> -> memref<64x128xf32, #tpu.memory_space<vmem>>
      %dma_wait3A_612 = arith.constant 0 : i32
      %dma_wait3A_613 = arith.constant 0 : i32
      %dma_wait3A_614 = tpu.memref_slice %arg3[%dma_wait3A_612, %dma_wait3A_613] : memref<64x1000000xf32, #tpu.memory_space<hbm>> -> memref<64x128xf32, #tpu.memory_space<hbm>>
      tpu.wait_dma2 semaphore(%dma_wait3A_607 : memref<!tpu.dma_semaphore, #tpu.memory_space<semaphore_mem>>) src(%dma_wait3A_614 : memref<64x128xf32, #tpu.memory_space<hbm>>) dst(%dma_wait3A_611 : memref<64x128xf32, #tpu.memory_space<vmem>>)
      %slice3A_615 = vector.extract_strided_slice %scan3A_307 {offsets = [3], sizes = [1], strides = [1]} : vector<16xi32> to vector<1xi32>
      %squeeze3A_616 = vector.extract %slice3A_615[0] : i32 from vector<1xi32>
      %broadcast_in_dim3A_617 = vector.broadcast %squeeze3A_616 : i32 to vector<16xi32>
      %mul3A_618 = arith.constant 16 : i32
      %mul3A_619 = arith.muli %scan3A_306, %mul3A_618 : i32
      %add3A_620 = arith.constant 3 : i32
      %add3A_621 = arith.addi %mul3A_619, %add3A_620 : i32
      %broadcast_in_dim3A_622 = vector.broadcast %add3A_621 : i32 to vector<16xi32>
      %add3A_623 = arith.constant 0 : i32
      %add3A_624 = vector.broadcast %add3A_623 : i32 to vector<16xi32>
      %add3A_625 = arith.addi %iota3A, %add3A_624 : vector<16xi32>
      %gather3A_626 = arith.constant 3 : i32
      %gather3A_627 = arith.constant 0 : i32
      %gather3A_628 = arith.constant 0 : i32
      %gather3A_629 = tpu.memref_slice %arg8[%gather3A_626, %gather3A_627, %gather3A_628] : memref<8x64x128xf32, #tpu.memory_space<vmem>> -> memref<1x64x128xf32, #tpu.memory_space<vmem>>
      %gather3A_630 = tpu.memref_squeeze %gather3A_629 : memref<1x64x128xf32, #tpu.memory_space<vmem>> -> memref<64x128xf32, #tpu.memory_space<vmem>>
      %gather3A_631 = tpu.vector_load_idx %gather3A_630[%add3A_625, %broadcast_in_dim3A_617] : memref<64x128xf32, #tpu.memory_space<vmem>>[vector<16xi32>, vector<16xi32>], vector<16xf32>,
      %add3A_632 = arith.constant 0 : i32
      %add3A_633 = vector.broadcast %add3A_632 : i32 to vector<16xi32>
      %add3A_634 = arith.addi %iota3A, %add3A_633 : vector<16xi32>
      tpu.vector_store_idx %arg9[%add3A_634, %broadcast_in_dim3A_622], %gather3A_631 : memref<64x512xf32, #tpu.memory_space<vmem>>[vector<16xi32>, vector<16xi32>], vector<16xf32>,
      %add3A_635 = arith.constant 16 : i32
      %add3A_636 = vector.broadcast %add3A_635 : i32 to vector<16xi32>
      %add3A_637 = arith.addi %iota3A, %add3A_636 : vector<16xi32>
      %gather3A_638 = arith.constant 3 : i32
      %gather3A_639 = arith.constant 0 : i32
      %gather3A_640 = arith.constant 0 : i32
      %gather3A_641 = tpu.memref_slice %arg8[%gather3A_638, %gather3A_639, %gather3A_640] : memref<8x64x128xf32, #tpu.memory_space<vmem>> -> memref<1x64x128xf32, #tpu.memory_space<vmem>>
      %gather3A_642 = tpu.memref_squeeze %gather3A_641 : memref<1x64x128xf32, #tpu.memory_space<vmem>> -> memref<64x128xf32, #tpu.memory_space<vmem>>
      %gather3A_643 = tpu.vector_load_idx %gather3A_642[%add3A_637, %broadcast_in_dim3A_617] : memref<64x128xf32, #tpu.memory_space<vmem>>[vector<16xi32>, vector<16xi32>], vector<16xf32>,
      %add3A_644 = arith.constant 16 : i32
      %add3A_645 = vector.broadcast %add3A_644 : i32 to vector<16xi32>
      %add3A_646 = arith.addi %iota3A, %add3A_645 : vector<16xi32>
      tpu.vector_store_idx %arg9[%add3A_646, %broadcast_in_dim3A_622], %gather3A_643 : memref<64x512xf32, #tpu.memory_space<vmem>>[vector<16xi32>, vector<16xi32>], vector<16xf32>,
      %add3A_647 = arith.constant 32 : i32
      %add3A_648 = vector.broadcast %add3A_647 : i32 to vector<16xi32>
      %add3A_649 = arith.addi %iota3A, %add3A_648 : vector<16xi32>
      %gather3A_650 = arith.constant 3 : i32
      %gather3A_651 = arith.constant 0 : i32
      %gather3A_652 = arith.constant 0 : i32
      %gather3A_653 = tpu.memref_slice %arg8[%gather3A_650, %gather3A_651, %gather3A_652] : memref<8x64x128xf32, #tpu.memory_space<vmem>> -> memref<1x64x128xf32, #tpu.memory_space<vmem>>
      %gather3A_654 = tpu.memref_squeeze %gather3A_653 : memref<1x64x128xf32, #tpu.memory_space<vmem>> -> memref<64x128xf32, #tpu.memory_space<vmem>>
      %gather3A_655 = tpu.vector_load_idx %gather3A_654[%add3A_649, %broadcast_in_dim3A_617] : memref<64x128xf32, #tpu.memory_space<vmem>>[vector<16xi32>, vector<16xi32>], vector<16xf32>,
      %add3A_656 = arith.constant 32 : i32
      %add3A_657 = vector.broadcast %add3A_656 : i32 to vector<16xi32>
      %add3A_658 = arith.addi %iota3A, %add3A_657 : vector<16xi32>
      tpu.vector_store_idx %arg9[%add3A_658, %broadcast_in_dim3A_622], %gather3A_655 : memref<64x512xf32, #tpu.memory_space<vmem>>[vector<16xi32>, vector<16xi32>], vector<16xf32>,
      %add3A_659 = arith.constant 48 : i32
      %add3A_660 = vector.broadcast %add3A_659 : i32 to vector<16xi32>
      %add3A_661 = arith.addi %iota3A, %add3A_660 : vector<16xi32>
      %gather3A_662 = arith.constant 3 : i32
      %gather3A_663 = arith.constant 0 : i32
      %gather3A_664 = arith.constant 0 : i32
      %gather3A_665 = tpu.memref_slice %arg8[%gather3A_662, %gather3A_663, %gather3A_664] : memref<8x64x128xf32, #tpu.memory_space<vmem>> -> memref<1x64x128xf32, #tpu.memory_space<vmem>>
      %gather3A_666 = tpu.memref_squeeze %gather3A_665 : memref<1x64x128xf32, #tpu.memory_space<vmem>> -> memref<64x128xf32, #tpu.memory_space<vmem>>
      %gather3A_667 = tpu.vector_load_idx %gather3A_666[%add3A_661, %broadcast_in_dim3A_617] : memref<64x128xf32, #tpu.memory_space<vmem>>[vector<16xi32>, vector<16xi32>], vector<16xf32>,
      %add3A_668 = arith.constant 48 : i32
      %add3A_669 = vector.broadcast %add3A_668 : i32 to vector<16xi32>
      %add3A_670 = arith.addi %iota3A, %add3A_669 : vector<16xi32>
      tpu.vector_store_idx %arg9[%add3A_670, %broadcast_in_dim3A_622], %gather3A_667 : memref<64x512xf32, #tpu.memory_space<vmem>>[vector<16xi32>, vector<16xi32>], vector<16xf32>,
      %slice3A_671 = vector.extract_strided_slice %scan3A_308 {offsets = [11], sizes = [1], strides = [1]} : vector<16xi32> to vector<1xi32>
      %squeeze3A_672 = vector.extract %slice3A_671[0] : i32 from vector<1xi32>
      %multiple_of3A_673 = tpu.assume_multiple %squeeze3A_672, 128 : i32
      %dma_start3A_674 = arith.constant 3 : i32
      %dma_start3A_675 = arith.constant 3 : i32
      %dma_start3A_676 = arith.constant 0 : i32
      %dma_start3A_677 = arith.constant 0 : i32
      %dma_start3A_678 = tpu.memref_slice %arg8[%dma_start3A_674, %dma_start3A_676, %dma_start3A_677] : memref<8x64x128xf32, #tpu.memory_space<vmem>> -> memref<1x64x128xf32, #tpu.memory_space<vmem>>
      %dma_start3A_679 = tpu.memref_squeeze %dma_start3A_678 : memref<1x64x128xf32, #tpu.memory_space<vmem>> -> memref<64x128xf32, #tpu.memory_space<vmem>>
      %dma_start3A_680 = arith.constant 0 : i32
      %dma_start3A_681 = tpu.memref_slice %arg3[%dma_start3A_680, %multiple_of3A_673] : memref<64x1000000xf32, #tpu.memory_space<hbm>> -> memref<64x128xf32, #tpu.memory_space<hbm>>
      %dma_start3A_682 = tpu.memref_slice %arg12[%dma_start3A_675] : memref<8x!tpu.dma_semaphore, #tpu.memory_space<semaphore_mem>> -> memref<1x!tpu.dma_semaphore, #tpu.memory_space<semaphore_mem>>
      %dma_start3A_683 = tpu.memref_squeeze %dma_start3A_682 : memref<1x!tpu.dma_semaphore, #tpu.memory_space<semaphore_mem>> -> memref<!tpu.dma_semaphore, #tpu.memory_space<semaphore_mem>>
      %dma_start3A_684 = arith.constant 0 : i32
      %dma_start3A_685 = arith.constant 0 : i32
      %dma_start3A_686 = tpu.memref_slice %arg8[%dma_start3A_674, %dma_start3A_684, %dma_start3A_685] : memref<8x64x128xf32, #tpu.memory_space<vmem>> -> memref<1x64x128xf32, #tpu.memory_space<vmem>>
      %dma_start3A_687 = tpu.memref_squeeze %dma_start3A_686 : memref<1x64x128xf32, #tpu.memory_space<vmem>> -> memref<64x128xf32, #tpu.memory_space<vmem>>
      %dma_start3A_688 = arith.constant 0 : i32
      %dma_start3A_689 = tpu.memref_slice %arg3[%dma_start3A_688, %multiple_of3A_673] : memref<64x1000000xf32, #tpu.memory_space<hbm>> -> memref<64x128xf32, #tpu.memory_space<hbm>>
      tpu.enqueue_dma source(%dma_start3A_689 : memref<64x128xf32, #tpu.memory_space<hbm>>) target(%dma_start3A_687 : memref<64x128xf32, #tpu.memory_space<vmem>>) target_semaphore(%dma_start3A_683 : memref<!tpu.dma_semaphore, #tpu.memory_space<semaphore_mem>>)
      %dma_wait3A_690 = arith.constant 4 : i32
      %dma_wait3A_691 = arith.constant 4 : i32
      %dma_wait3A_692 = arith.constant 0 : i32
      %dma_wait3A_693 = arith.constant 0 : i32
      %dma_wait3A_694 = tpu.memref_slice %arg8[%dma_wait3A_690, %dma_wait3A_692, %dma_wait3A_693] : memref<8x64x128xf32, #tpu.memory_space<vmem>> -> memref<1x64x128xf32, #tpu.memory_space<vmem>>
      %dma_wait3A_695 = tpu.memref_squeeze %dma_wait3A_694 : memref<1x64x128xf32, #tpu.memory_space<vmem>> -> memref<64x128xf32, #tpu.memory_space<vmem>>
      %dma_wait3A_696 = arith.constant 0 : i32
      %dma_wait3A_697 = arith.constant 0 : i32
      %dma_wait3A_698 = tpu.memref_slice %arg3[%dma_wait3A_696, %dma_wait3A_697] : memref<64x1000000xf32, #tpu.memory_space<hbm>> -> memref<64x128xf32, #tpu.memory_space<hbm>>
      %dma_wait3A_699 = tpu.memref_slice %arg12[%dma_wait3A_691] : memref<8x!tpu.dma_semaphore, #tpu.memory_space<semaphore_mem>> -> memref<1x!tpu.dma_semaphore, #tpu.memory_space<semaphore_mem>>
      %dma_wait3A_700 = tpu.memref_squeeze %dma_wait3A_699 : memref<1x!tpu.dma_semaphore, #tpu.memory_space<semaphore_mem>> -> memref<!tpu.dma_semaphore, #tpu.memory_space<semaphore_mem>>
      %dma_wait3A_701 = arith.constant 0 : i32
      %dma_wait3A_702 = arith.constant 0 : i32
      %dma_wait3A_703 = tpu.memref_slice %arg8[%dma_wait3A_690, %dma_wait3A_701, %dma_wait3A_702] : memref<8x64x128xf32, #tpu.memory_space<vmem>> -> memref<1x64x128xf32, #tpu.memory_space<vmem>>
      %dma_wait3A_704 = tpu.memref_squeeze %dma_wait3A_703 : memref<1x64x128xf32, #tpu.memory_space<vmem>> -> memref<64x128xf32, #tpu.memory_space<vmem>>
      %dma_wait3A_705 = arith.constant 0 : i32
      %dma_wait3A_706 = arith.constant 0 : i32
      %dma_wait3A_707 = tpu.memref_slice %arg3[%dma_wait3A_705, %dma_wait3A_706] : memref<64x1000000xf32, #tpu.memory_space<hbm>> -> memref<64x128xf32, #tpu.memory_space<hbm>>
      tpu.wait_dma2 semaphore(%dma_wait3A_700 : memref<!tpu.dma_semaphore, #tpu.memory_space<semaphore_mem>>) src(%dma_wait3A_707 : memref<64x128xf32, #tpu.memory_space<hbm>>) dst(%dma_wait3A_704 : memref<64x128xf32, #tpu.memory_space<vmem>>)
      %slice3A_708 = vector.extract_strided_slice %scan3A_307 {offsets = [4], sizes = [1], strides = [1]} : vector<16xi32> to vector<1xi32>
      %squeeze3A_709 = vector.extract %slice3A_708[0] : i32 from vector<1xi32>
      %broadcast_in_dim3A_710 = vector.broadcast %squeeze3A_709 : i32 to vector<16xi32>
      %mul3A_711 = arith.constant 16 : i32
      %mul3A_712 = arith.muli %scan3A_306, %mul3A_711 : i32
      %add3A_713 = arith.constant 4 : i32
      %add3A_714 = arith.addi %mul3A_712, %add3A_713 : i32
      %broadcast_in_dim3A_715 = vector.broadcast %add3A_714 : i32 to vector<16xi32>
      %add3A_716 = arith.constant 0 : i32
      %add3A_717 = vector.broadcast %add3A_716 : i32 to vector<16xi32>
      %add3A_718 = arith.addi %iota3A, %add3A_717 : vector<16xi32>
      %gather3A_719 = arith.constant 4 : i32
      %gather3A_720 = arith.constant 0 : i32
      %gather3A_721 = arith.constant 0 : i32
      %gather3A_722 = tpu.memref_slice %arg8[%gather3A_719, %gather3A_720, %gather3A_721] : memref<8x64x128xf32, #tpu.memory_space<vmem>> -> memref<1x64x128xf32, #tpu.memory_space<vmem>>
      %gather3A_723 = tpu.memref_squeeze %gather3A_722 : memref<1x64x128xf32, #tpu.memory_space<vmem>> -> memref<64x128xf32, #tpu.memory_space<vmem>>
      %gather3A_724 = tpu.vector_load_idx %gather3A_723[%add3A_718, %broadcast_in_dim3A_710] : memref<64x128xf32, #tpu.memory_space<vmem>>[vector<16xi32>, vector<16xi32>], vector<16xf32>,
      %add3A_725 = arith.constant 0 : i32
      %add3A_726 = vector.broadcast %add3A_725 : i32 to vector<16xi32>
      %add3A_727 = arith.addi %iota3A, %add3A_726 : vector<16xi32>
      tpu.vector_store_idx %arg9[%add3A_727, %broadcast_in_dim3A_715], %gather3A_724 : memref<64x512xf32, #tpu.memory_space<vmem>>[vector<16xi32>, vector<16xi32>], vector<16xf32>,
      %add3A_728 = arith.constant 16 : i32
      %add3A_729 = vector.broadcast %add3A_728 : i32 to vector<16xi32>
      %add3A_730 = arith.addi %iota3A, %add3A_729 : vector<16xi32>
      %gather3A_731 = arith.constant 4 : i32
      %gather3A_732 = arith.constant 0 : i32
      %gather3A_733 = arith.constant 0 : i32
      %gather3A_734 = tpu.memref_slice %arg8[%gather3A_731, %gather3A_732, %gather3A_733] : memref<8x64x128xf32, #tpu.memory_space<vmem>> -> memref<1x64x128xf32, #tpu.memory_space<vmem>>
      %gather3A_735 = tpu.memref_squeeze %gather3A_734 : memref<1x64x128xf32, #tpu.memory_space<vmem>> -> memref<64x128xf32, #tpu.memory_space<vmem>>
      %gather3A_736 = tpu.vector_load_idx %gather3A_735[%add3A_730, %broadcast_in_dim3A_710] : memref<64x128xf32, #tpu.memory_space<vmem>>[vector<16xi32>, vector<16xi32>], vector<16xf32>,
      %add3A_737 = arith.constant 16 : i32
      %add3A_738 = vector.broadcast %add3A_737 : i32 to vector<16xi32>
      %add3A_739 = arith.addi %iota3A, %add3A_738 : vector<16xi32>
      tpu.vector_store_idx %arg9[%add3A_739, %broadcast_in_dim3A_715], %gather3A_736 : memref<64x512xf32, #tpu.memory_space<vmem>>[vector<16xi32>, vector<16xi32>], vector<16xf32>,
      %add3A_740 = arith.constant 32 : i32
      %add3A_741 = vector.broadcast %add3A_740 : i32 to vector<16xi32>
      %add3A_742 = arith.addi %iota3A, %add3A_741 : vector<16xi32>
      %gather3A_743 = arith.constant 4 : i32
      %gather3A_744 = arith.constant 0 : i32
      %gather3A_745 = arith.constant 0 : i32
      %gather3A_746 = tpu.memref_slice %arg8[%gather3A_743, %gather3A_744, %gather3A_745] : memref<8x64x128xf32, #tpu.memory_space<vmem>> -> memref<1x64x128xf32, #tpu.memory_space<vmem>>
      %gather3A_747 = tpu.memref_squeeze %gather3A_746 : memref<1x64x128xf32, #tpu.memory_space<vmem>> -> memref<64x128xf32, #tpu.memory_space<vmem>>
      %gather3A_748 = tpu.vector_load_idx %gather3A_747[%add3A_742, %broadcast_in_dim3A_710] : memref<64x128xf32, #tpu.memory_space<vmem>>[vector<16xi32>, vector<16xi32>], vector<16xf32>,
      %add3A_749 = arith.constant 32 : i32
      %add3A_750 = vector.broadcast %add3A_749 : i32 to vector<16xi32>
      %add3A_751 = arith.addi %iota3A, %add3A_750 : vector<16xi32>
      tpu.vector_store_idx %arg9[%add3A_751, %broadcast_in_dim3A_715], %gather3A_748 : memref<64x512xf32, #tpu.memory_space<vmem>>[vector<16xi32>, vector<16xi32>], vector<16xf32>,
      %add3A_752 = arith.constant 48 : i32
      %add3A_753 = vector.broadcast %add3A_752 : i32 to vector<16xi32>
      %add3A_754 = arith.addi %iota3A, %add3A_753 : vector<16xi32>
      %gather3A_755 = arith.constant 4 : i32
      %gather3A_756 = arith.constant 0 : i32
      %gather3A_757 = arith.constant 0 : i32
      %gather3A_758 = tpu.memref_slice %arg8[%gather3A_755, %gather3A_756, %gather3A_757] : memref<8x64x128xf32, #tpu.memory_space<vmem>> -> memref<1x64x128xf32, #tpu.memory_space<vmem>>
      %gather3A_759 = tpu.memref_squeeze %gather3A_758 : memref<1x64x128xf32, #tpu.memory_space<vmem>> -> memref<64x128xf32, #tpu.memory_space<vmem>>
      %gather3A_760 = tpu.vector_load_idx %gather3A_759[%add3A_754, %broadcast_in_dim3A_710] : memref<64x128xf32, #tpu.memory_space<vmem>>[vector<16xi32>, vector<16xi32>], vector<16xf32>,
      %add3A_761 = arith.constant 48 : i32
      %add3A_762 = vector.broadcast %add3A_761 : i32 to vector<16xi32>
      %add3A_763 = arith.addi %iota3A, %add3A_762 : vector<16xi32>
      tpu.vector_store_idx %arg9[%add3A_763, %broadcast_in_dim3A_715], %gather3A_760 : memref<64x512xf32, #tpu.memory_space<vmem>>[vector<16xi32>, vector<16xi32>], vector<16xf32>,
      %slice3A_764 = vector.extract_strided_slice %scan3A_308 {offsets = [12], sizes = [1], strides = [1]} : vector<16xi32> to vector<1xi32>
      %squeeze3A_765 = vector.extract %slice3A_764[0] : i32 from vector<1xi32>
      %multiple_of3A_766 = tpu.assume_multiple %squeeze3A_765, 128 : i32
      %dma_start3A_767 = arith.constant 4 : i32
      %dma_start3A_768 = arith.constant 4 : i32
      %dma_start3A_769 = arith.constant 0 : i32
      %dma_start3A_770 = arith.constant 0 : i32
      %dma_start3A_771 = tpu.memref_slice %arg8[%dma_start3A_767, %dma_start3A_769, %dma_start3A_770] : memref<8x64x128xf32, #tpu.memory_space<vmem>> -> memref<1x64x128xf32, #tpu.memory_space<vmem>>
      %dma_start3A_772 = tpu.memref_squeeze %dma_start3A_771 : memref<1x64x128xf32, #tpu.memory_space<vmem>> -> memref<64x128xf32, #tpu.memory_space<vmem>>
      %dma_start3A_773 = arith.constant 0 : i32
      %dma_start3A_774 = tpu.memref_slice %arg3[%dma_start3A_773, %multiple_of3A_766] : memref<64x1000000xf32, #tpu.memory_space<hbm>> -> memref<64x128xf32, #tpu.memory_space<hbm>>
      %dma_start3A_775 = tpu.memref_slice %arg12[%dma_start3A_768] : memref<8x!tpu.dma_semaphore, #tpu.memory_space<semaphore_mem>> -> memref<1x!tpu.dma_semaphore, #tpu.memory_space<semaphore_mem>>
      %dma_start3A_776 = tpu.memref_squeeze %dma_start3A_775 : memref<1x!tpu.dma_semaphore, #tpu.memory_space<semaphore_mem>> -> memref<!tpu.dma_semaphore, #tpu.memory_space<semaphore_mem>>
      %dma_start3A_777 = arith.constant 0 : i32
      %dma_start3A_778 = arith.constant 0 : i32
      %dma_start3A_779 = tpu.memref_slice %arg8[%dma_start3A_767, %dma_start3A_777, %dma_start3A_778] : memref<8x64x128xf32, #tpu.memory_space<vmem>> -> memref<1x64x128xf32, #tpu.memory_space<vmem>>
      %dma_start3A_780 = tpu.memref_squeeze %dma_start3A_779 : memref<1x64x128xf32, #tpu.memory_space<vmem>> -> memref<64x128xf32, #tpu.memory_space<vmem>>
      %dma_start3A_781 = arith.constant 0 : i32
      %dma_start3A_782 = tpu.memref_slice %arg3[%dma_start3A_781, %multiple_of3A_766] : memref<64x1000000xf32, #tpu.memory_space<hbm>> -> memref<64x128xf32, #tpu.memory_space<hbm>>
      tpu.enqueue_dma source(%dma_start3A_782 : memref<64x128xf32, #tpu.memory_space<hbm>>) target(%dma_start3A_780 : memref<64x128xf32, #tpu.memory_space<vmem>>) target_semaphore(%dma_start3A_776 : memref<!tpu.dma_semaphore, #tpu.memory_space<semaphore_mem>>)
      %dma_wait3A_783 = arith.constant 5 : i32
      %dma_wait3A_784 = arith.constant 5 : i32
      %dma_wait3A_785 = arith.constant 0 : i32
      %dma_wait3A_786 = arith.constant 0 : i32
      %dma_wait3A_787 = tpu.memref_slice %arg8[%dma_wait3A_783, %dma_wait3A_785, %dma_wait3A_786] : memref<8x64x128xf32, #tpu.memory_space<vmem>> -> memref<1x64x128xf32, #tpu.memory_space<vmem>>
      %dma_wait3A_788 = tpu.memref_squeeze %dma_wait3A_787 : memref<1x64x128xf32, #tpu.memory_space<vmem>> -> memref<64x128xf32, #tpu.memory_space<vmem>>
      %dma_wait3A_789 = arith.constant 0 : i32
      %dma_wait3A_790 = arith.constant 0 : i32
      %dma_wait3A_791 = tpu.memref_slice %arg3[%dma_wait3A_789, %dma_wait3A_790] : memref<64x1000000xf32, #tpu.memory_space<hbm>> -> memref<64x128xf32, #tpu.memory_space<hbm>>
      %dma_wait3A_792 = tpu.memref_slice %arg12[%dma_wait3A_784] : memref<8x!tpu.dma_semaphore, #tpu.memory_space<semaphore_mem>> -> memref<1x!tpu.dma_semaphore, #tpu.memory_space<semaphore_mem>>
      %dma_wait3A_793 = tpu.memref_squeeze %dma_wait3A_792 : memref<1x!tpu.dma_semaphore, #tpu.memory_space<semaphore_mem>> -> memref<!tpu.dma_semaphore, #tpu.memory_space<semaphore_mem>>
      %dma_wait3A_794 = arith.constant 0 : i32
      %dma_wait3A_795 = arith.constant 0 : i32
      %dma_wait3A_796 = tpu.memref_slice %arg8[%dma_wait3A_783, %dma_wait3A_794, %dma_wait3A_795] : memref<8x64x128xf32, #tpu.memory_space<vmem>> -> memref<1x64x128xf32, #tpu.memory_space<vmem>>
      %dma_wait3A_797 = tpu.memref_squeeze %dma_wait3A_796 : memref<1x64x128xf32, #tpu.memory_space<vmem>> -> memref<64x128xf32, #tpu.memory_space<vmem>>
      %dma_wait3A_798 = arith.constant 0 : i32
      %dma_wait3A_799 = arith.constant 0 : i32
      %dma_wait3A_800 = tpu.memref_slice %arg3[%dma_wait3A_798, %dma_wait3A_799] : memref<64x1000000xf32, #tpu.memory_space<hbm>> -> memref<64x128xf32, #tpu.memory_space<hbm>>
      tpu.wait_dma2 semaphore(%dma_wait3A_793 : memref<!tpu.dma_semaphore, #tpu.memory_space<semaphore_mem>>) src(%dma_wait3A_800 : memref<64x128xf32, #tpu.memory_space<hbm>>) dst(%dma_wait3A_797 : memref<64x128xf32, #tpu.memory_space<vmem>>)
      %slice3A_801 = vector.extract_strided_slice %scan3A_307 {offsets = [5], sizes = [1], strides = [1]} : vector<16xi32> to vector<1xi32>
      %squeeze3A_802 = vector.extract %slice3A_801[0] : i32 from vector<1xi32>
      %broadcast_in_dim3A_803 = vector.broadcast %squeeze3A_802 : i32 to vector<16xi32>
      %mul3A_804 = arith.constant 16 : i32
      %mul3A_805 = arith.muli %scan3A_306, %mul3A_804 : i32
      %add3A_806 = arith.constant 5 : i32
      %add3A_807 = arith.addi %mul3A_805, %add3A_806 : i32
      %broadcast_in_dim3A_808 = vector.broadcast %add3A_807 : i32 to vector<16xi32>
      %add3A_809 = arith.constant 0 : i32
      %add3A_810 = vector.broadcast %add3A_809 : i32 to vector<16xi32>
      %add3A_811 = arith.addi %iota3A, %add3A_810 : vector<16xi32>
      %gather3A_812 = arith.constant 5 : i32
      %gather3A_813 = arith.constant 0 : i32
      %gather3A_814 = arith.constant 0 : i32
      %gather3A_815 = tpu.memref_slice %arg8[%gather3A_812, %gather3A_813, %gather3A_814] : memref<8x64x128xf32, #tpu.memory_space<vmem>> -> memref<1x64x128xf32, #tpu.memory_space<vmem>>
      %gather3A_816 = tpu.memref_squeeze %gather3A_815 : memref<1x64x128xf32, #tpu.memory_space<vmem>> -> memref<64x128xf32, #tpu.memory_space<vmem>>
      %gather3A_817 = tpu.vector_load_idx %gather3A_816[%add3A_811, %broadcast_in_dim3A_803] : memref<64x128xf32, #tpu.memory_space<vmem>>[vector<16xi32>, vector<16xi32>], vector<16xf32>,
      %add3A_818 = arith.constant 0 : i32
      %add3A_819 = vector.broadcast %add3A_818 : i32 to vector<16xi32>
      %add3A_820 = arith.addi %iota3A, %add3A_819 : vector<16xi32>
      tpu.vector_store_idx %arg9[%add3A_820, %broadcast_in_dim3A_808], %gather3A_817 : memref<64x512xf32, #tpu.memory_space<vmem>>[vector<16xi32>, vector<16xi32>], vector<16xf32>,
      %add3A_821 = arith.constant 16 : i32
      %add3A_822 = vector.broadcast %add3A_821 : i32 to vector<16xi32>
      %add3A_823 = arith.addi %iota3A, %add3A_822 : vector<16xi32>
      %gather3A_824 = arith.constant 5 : i32
      %gather3A_825 = arith.constant 0 : i32
      %gather3A_826 = arith.constant 0 : i32
      %gather3A_827 = tpu.memref_slice %arg8[%gather3A_824, %gather3A_825, %gather3A_826] : memref<8x64x128xf32, #tpu.memory_space<vmem>> -> memref<1x64x128xf32, #tpu.memory_space<vmem>>
      %gather3A_828 = tpu.memref_squeeze %gather3A_827 : memref<1x64x128xf32, #tpu.memory_space<vmem>> -> memref<64x128xf32, #tpu.memory_space<vmem>>
      %gather3A_829 = tpu.vector_load_idx %gather3A_828[%add3A_823, %broadcast_in_dim3A_803] : memref<64x128xf32, #tpu.memory_space<vmem>>[vector<16xi32>, vector<16xi32>], vector<16xf32>,
      %add3A_830 = arith.constant 16 : i32
      %add3A_831 = vector.broadcast %add3A_830 : i32 to vector<16xi32>
      %add3A_832 = arith.addi %iota3A, %add3A_831 : vector<16xi32>
      tpu.vector_store_idx %arg9[%add3A_832, %broadcast_in_dim3A_808], %gather3A_829 : memref<64x512xf32, #tpu.memory_space<vmem>>[vector<16xi32>, vector<16xi32>], vector<16xf32>,
      %add3A_833 = arith.constant 32 : i32
      %add3A_834 = vector.broadcast %add3A_833 : i32 to vector<16xi32>
      %add3A_835 = arith.addi %iota3A, %add3A_834 : vector<16xi32>
      %gather3A_836 = arith.constant 5 : i32
      %gather3A_837 = arith.constant 0 : i32
      %gather3A_838 = arith.constant 0 : i32
      %gather3A_839 = tpu.memref_slice %arg8[%gather3A_836, %gather3A_837, %gather3A_838] : memref<8x64x128xf32, #tpu.memory_space<vmem>> -> memref<1x64x128xf32, #tpu.memory_space<vmem>>
      %gather3A_840 = tpu.memref_squeeze %gather3A_839 : memref<1x64x128xf32, #tpu.memory_space<vmem>> -> memref<64x128xf32, #tpu.memory_space<vmem>>
      %gather3A_841 = tpu.vector_load_idx %gather3A_840[%add3A_835, %broadcast_in_dim3A_803] : memref<64x128xf32, #tpu.memory_space<vmem>>[vector<16xi32>, vector<16xi32>], vector<16xf32>,
      %add3A_842 = arith.constant 32 : i32
      %add3A_843 = vector.broadcast %add3A_842 : i32 to vector<16xi32>
      %add3A_844 = arith.addi %iota3A, %add3A_843 : vector<16xi32>
      tpu.vector_store_idx %arg9[%add3A_844, %broadcast_in_dim3A_808], %gather3A_841 : memref<64x512xf32, #tpu.memory_space<vmem>>[vector<16xi32>, vector<16xi32>], vector<16xf32>,
      %add3A_845 = arith.constant 48 : i32
      %add3A_846 = vector.broadcast %add3A_845 : i32 to vector<16xi32>
      %add3A_847 = arith.addi %iota3A, %add3A_846 : vector<16xi32>
      %gather3A_848 = arith.constant 5 : i32
      %gather3A_849 = arith.constant 0 : i32
      %gather3A_850 = arith.constant 0 : i32
      %gather3A_851 = tpu.memref_slice %arg8[%gather3A_848, %gather3A_849, %gather3A_850] : memref<8x64x128xf32, #tpu.memory_space<vmem>> -> memref<1x64x128xf32, #tpu.memory_space<vmem>>
      %gather3A_852 = tpu.memref_squeeze %gather3A_851 : memref<1x64x128xf32, #tpu.memory_space<vmem>> -> memref<64x128xf32, #tpu.memory_space<vmem>>
      %gather3A_853 = tpu.vector_load_idx %gather3A_852[%add3A_847, %broadcast_in_dim3A_803] : memref<64x128xf32, #tpu.memory_space<vmem>>[vector<16xi32>, vector<16xi32>], vector<16xf32>,
      %add3A_854 = arith.constant 48 : i32
      %add3A_855 = vector.broadcast %add3A_854 : i32 to vector<16xi32>
      %add3A_856 = arith.addi %iota3A, %add3A_855 : vector<16xi32>
      tpu.vector_store_idx %arg9[%add3A_856, %broadcast_in_dim3A_808], %gather3A_853 : memref<64x512xf32, #tpu.memory_space<vmem>>[vector<16xi32>, vector<16xi32>], vector<16xf32>,
      %slice3A_857 = vector.extract_strided_slice %scan3A_308 {offsets = [13], sizes = [1], strides = [1]} : vector<16xi32> to vector<1xi32>
      %squeeze3A_858 = vector.extract %slice3A_857[0] : i32 from vector<1xi32>
      %multiple_of3A_859 = tpu.assume_multiple %squeeze3A_858, 128 : i32
      %dma_start3A_860 = arith.constant 5 : i32
      %dma_start3A_861 = arith.constant 5 : i32
      %dma_start3A_862 = arith.constant 0 : i32
      %dma_start3A_863 = arith.constant 0 : i32
      %dma_start3A_864 = tpu.memref_slice %arg8[%dma_start3A_860, %dma_start3A_862, %dma_start3A_863] : memref<8x64x128xf32, #tpu.memory_space<vmem>> -> memref<1x64x128xf32, #tpu.memory_space<vmem>>
      %dma_start3A_865 = tpu.memref_squeeze %dma_start3A_864 : memref<1x64x128xf32, #tpu.memory_space<vmem>> -> memref<64x128xf32, #tpu.memory_space<vmem>>
      %dma_start3A_866 = arith.constant 0 : i32
      %dma_start3A_867 = tpu.memref_slice %arg3[%dma_start3A_866, %multiple_of3A_859] : memref<64x1000000xf32, #tpu.memory_space<hbm>> -> memref<64x128xf32, #tpu.memory_space<hbm>>
      %dma_start3A_868 = tpu.memref_slice %arg12[%dma_start3A_861] : memref<8x!tpu.dma_semaphore, #tpu.memory_space<semaphore_mem>> -> memref<1x!tpu.dma_semaphore, #tpu.memory_space<semaphore_mem>>
      %dma_start3A_869 = tpu.memref_squeeze %dma_start3A_868 : memref<1x!tpu.dma_semaphore, #tpu.memory_space<semaphore_mem>> -> memref<!tpu.dma_semaphore, #tpu.memory_space<semaphore_mem>>
      %dma_start3A_870 = arith.constant 0 : i32
      %dma_start3A_871 = arith.constant 0 : i32
      %dma_start3A_872 = tpu.memref_slice %arg8[%dma_start3A_860, %dma_start3A_870, %dma_start3A_871] : memref<8x64x128xf32, #tpu.memory_space<vmem>> -> memref<1x64x128xf32, #tpu.memory_space<vmem>>
      %dma_start3A_873 = tpu.memref_squeeze %dma_start3A_872 : memref<1x64x128xf32, #tpu.memory_space<vmem>> -> memref<64x128xf32, #tpu.memory_space<vmem>>
      %dma_start3A_874 = arith.constant 0 : i32
      %dma_start3A_875 = tpu.memref_slice %arg3[%dma_start3A_874, %multiple_of3A_859] : memref<64x1000000xf32, #tpu.memory_space<hbm>> -> memref<64x128xf32, #tpu.memory_space<hbm>>
      tpu.enqueue_dma source(%dma_start3A_875 : memref<64x128xf32, #tpu.memory_space<hbm>>) target(%dma_start3A_873 : memref<64x128xf32, #tpu.memory_space<vmem>>) target_semaphore(%dma_start3A_869 : memref<!tpu.dma_semaphore, #tpu.memory_space<semaphore_mem>>)
      %dma_wait3A_876 = arith.constant 6 : i32
      %dma_wait3A_877 = arith.constant 6 : i32
      %dma_wait3A_878 = arith.constant 0 : i32
      %dma_wait3A_879 = arith.constant 0 : i32
      %dma_wait3A_880 = tpu.memref_slice %arg8[%dma_wait3A_876, %dma_wait3A_878, %dma_wait3A_879] : memref<8x64x128xf32, #tpu.memory_space<vmem>> -> memref<1x64x128xf32, #tpu.memory_space<vmem>>
      %dma_wait3A_881 = tpu.memref_squeeze %dma_wait3A_880 : memref<1x64x128xf32, #tpu.memory_space<vmem>> -> memref<64x128xf32, #tpu.memory_space<vmem>>
      %dma_wait3A_882 = arith.constant 0 : i32
      %dma_wait3A_883 = arith.constant 0 : i32
      %dma_wait3A_884 = tpu.memref_slice %arg3[%dma_wait3A_882, %dma_wait3A_883] : memref<64x1000000xf32, #tpu.memory_space<hbm>> -> memref<64x128xf32, #tpu.memory_space<hbm>>
      %dma_wait3A_885 = tpu.memref_slice %arg12[%dma_wait3A_877] : memref<8x!tpu.dma_semaphore, #tpu.memory_space<semaphore_mem>> -> memref<1x!tpu.dma_semaphore, #tpu.memory_space<semaphore_mem>>
      %dma_wait3A_886 = tpu.memref_squeeze %dma_wait3A_885 : memref<1x!tpu.dma_semaphore, #tpu.memory_space<semaphore_mem>> -> memref<!tpu.dma_semaphore, #tpu.memory_space<semaphore_mem>>
      %dma_wait3A_887 = arith.constant 0 : i32
      %dma_wait3A_888 = arith.constant 0 : i32
      %dma_wait3A_889 = tpu.memref_slice %arg8[%dma_wait3A_876, %dma_wait3A_887, %dma_wait3A_888] : memref<8x64x128xf32, #tpu.memory_space<vmem>> -> memref<1x64x128xf32, #tpu.memory_space<vmem>>
      %dma_wait3A_890 = tpu.memref_squeeze %dma_wait3A_889 : memref<1x64x128xf32, #tpu.memory_space<vmem>> -> memref<64x128xf32, #tpu.memory_space<vmem>>
      %dma_wait3A_891 = arith.constant 0 : i32
      %dma_wait3A_892 = arith.constant 0 : i32
      %dma_wait3A_893 = tpu.memref_slice %arg3[%dma_wait3A_891, %dma_wait3A_892] : memref<64x1000000xf32, #tpu.memory_space<hbm>> -> memref<64x128xf32, #tpu.memory_space<hbm>>
      tpu.wait_dma2 semaphore(%dma_wait3A_886 : memref<!tpu.dma_semaphore, #tpu.memory_space<semaphore_mem>>) src(%dma_wait3A_893 : memref<64x128xf32, #tpu.memory_space<hbm>>) dst(%dma_wait3A_890 : memref<64x128xf32, #tpu.memory_space<vmem>>)
      %slice3A_894 = vector.extract_strided_slice %scan3A_307 {offsets = [6], sizes = [1], strides = [1]} : vector<16xi32> to vector<1xi32>
      %squeeze3A_895 = vector.extract %slice3A_894[0] : i32 from vector<1xi32>
      %broadcast_in_dim3A_896 = vector.broadcast %squeeze3A_895 : i32 to vector<16xi32>
      %mul3A_897 = arith.constant 16 : i32
      %mul3A_898 = arith.muli %scan3A_306, %mul3A_897 : i32
      %add3A_899 = arith.constant 6 : i32
      %add3A_900 = arith.addi %mul3A_898, %add3A_899 : i32
      %broadcast_in_dim3A_901 = vector.broadcast %add3A_900 : i32 to vector<16xi32>
      %add3A_902 = arith.constant 0 : i32
      %add3A_903 = vector.broadcast %add3A_902 : i32 to vector<16xi32>
      %add3A_904 = arith.addi %iota3A, %add3A_903 : vector<16xi32>
      %gather3A_905 = arith.constant 6 : i32
      %gather3A_906 = arith.constant 0 : i32
      %gather3A_907 = arith.constant 0 : i32
      %gather3A_908 = tpu.memref_slice %arg8[%gather3A_905, %gather3A_906, %gather3A_907] : memref<8x64x128xf32, #tpu.memory_space<vmem>> -> memref<1x64x128xf32, #tpu.memory_space<vmem>>
      %gather3A_909 = tpu.memref_squeeze %gather3A_908 : memref<1x64x128xf32, #tpu.memory_space<vmem>> -> memref<64x128xf32, #tpu.memory_space<vmem>>
      %gather3A_910 = tpu.vector_load_idx %gather3A_909[%add3A_904, %broadcast_in_dim3A_896] : memref<64x128xf32, #tpu.memory_space<vmem>>[vector<16xi32>, vector<16xi32>], vector<16xf32>,
      %add3A_911 = arith.constant 0 : i32
      %add3A_912 = vector.broadcast %add3A_911 : i32 to vector<16xi32>
      %add3A_913 = arith.addi %iota3A, %add3A_912 : vector<16xi32>
      tpu.vector_store_idx %arg9[%add3A_913, %broadcast_in_dim3A_901], %gather3A_910 : memref<64x512xf32, #tpu.memory_space<vmem>>[vector<16xi32>, vector<16xi32>], vector<16xf32>,
      %add3A_914 = arith.constant 16 : i32
      %add3A_915 = vector.broadcast %add3A_914 : i32 to vector<16xi32>
      %add3A_916 = arith.addi %iota3A, %add3A_915 : vector<16xi32>
      %gather3A_917 = arith.constant 6 : i32
      %gather3A_918 = arith.constant 0 : i32
      %gather3A_919 = arith.constant 0 : i32
      %gather3A_920 = tpu.memref_slice %arg8[%gather3A_917, %gather3A_918, %gather3A_919] : memref<8x64x128xf32, #tpu.memory_space<vmem>> -> memref<1x64x128xf32, #tpu.memory_space<vmem>>
      %gather3A_921 = tpu.memref_squeeze %gather3A_920 : memref<1x64x128xf32, #tpu.memory_space<vmem>> -> memref<64x128xf32, #tpu.memory_space<vmem>>
      %gather3A_922 = tpu.vector_load_idx %gather3A_921[%add3A_916, %broadcast_in_dim3A_896] : memref<64x128xf32, #tpu.memory_space<vmem>>[vector<16xi32>, vector<16xi32>], vector<16xf32>,
      %add3A_923 = arith.constant 16 : i32
      %add3A_924 = vector.broadcast %add3A_923 : i32 to vector<16xi32>
      %add3A_925 = arith.addi %iota3A, %add3A_924 : vector<16xi32>
      tpu.vector_store_idx %arg9[%add3A_925, %broadcast_in_dim3A_901], %gather3A_922 : memref<64x512xf32, #tpu.memory_space<vmem>>[vector<16xi32>, vector<16xi32>], vector<16xf32>,
      %add3A_926 = arith.constant 32 : i32
      %add3A_927 = vector.broadcast %add3A_926 : i32 to vector<16xi32>
      %add3A_928 = arith.addi %iota3A, %add3A_927 : vector<16xi32>
      %gather3A_929 = arith.constant 6 : i32
      %gather3A_930 = arith.constant 0 : i32
      %gather3A_931 = arith.constant 0 : i32
      %gather3A_932 = tpu.memref_slice %arg8[%gather3A_929, %gather3A_930, %gather3A_931] : memref<8x64x128xf32, #tpu.memory_space<vmem>> -> memref<1x64x128xf32, #tpu.memory_space<vmem>>
      %gather3A_933 = tpu.memref_squeeze %gather3A_932 : memref<1x64x128xf32, #tpu.memory_space<vmem>> -> memref<64x128xf32, #tpu.memory_space<vmem>>
      %gather3A_934 = tpu.vector_load_idx %gather3A_933[%add3A_928, %broadcast_in_dim3A_896] : memref<64x128xf32, #tpu.memory_space<vmem>>[vector<16xi32>, vector<16xi32>], vector<16xf32>,
      %add3A_935 = arith.constant 32 : i32
      %add3A_936 = vector.broadcast %add3A_935 : i32 to vector<16xi32>
      %add3A_937 = arith.addi %iota3A, %add3A_936 : vector<16xi32>
      tpu.vector_store_idx %arg9[%add3A_937, %broadcast_in_dim3A_901], %gather3A_934 : memref<64x512xf32, #tpu.memory_space<vmem>>[vector<16xi32>, vector<16xi32>], vector<16xf32>,
      %add3A_938 = arith.constant 48 : i32
      %add3A_939 = vector.broadcast %add3A_938 : i32 to vector<16xi32>
      %add3A_940 = arith.addi %iota3A, %add3A_939 : vector<16xi32>
      %gather3A_941 = arith.constant 6 : i32
      %gather3A_942 = arith.constant 0 : i32
      %gather3A_943 = arith.constant 0 : i32
      %gather3A_944 = tpu.memref_slice %arg8[%gather3A_941, %gather3A_942, %gather3A_943] : memref<8x64x128xf32, #tpu.memory_space<vmem>> -> memref<1x64x128xf32, #tpu.memory_space<vmem>>
      %gather3A_945 = tpu.memref_squeeze %gather3A_944 : memref<1x64x128xf32, #tpu.memory_space<vmem>> -> memref<64x128xf32, #tpu.memory_space<vmem>>
      %gather3A_946 = tpu.vector_load_idx %gather3A_945[%add3A_940, %broadcast_in_dim3A_896] : memref<64x128xf32, #tpu.memory_space<vmem>>[vector<16xi32>, vector<16xi32>], vector<16xf32>,
      %add3A_947 = arith.constant 48 : i32
      %add3A_948 = vector.broadcast %add3A_947 : i32 to vector<16xi32>
      %add3A_949 = arith.addi %iota3A, %add3A_948 : vector<16xi32>
      tpu.vector_store_idx %arg9[%add3A_949, %broadcast_in_dim3A_901], %gather3A_946 : memref<64x512xf32, #tpu.memory_space<vmem>>[vector<16xi32>, vector<16xi32>], vector<16xf32>,
      %slice3A_950 = vector.extract_strided_slice %scan3A_308 {offsets = [14], sizes = [1], strides = [1]} : vector<16xi32> to vector<1xi32>
      %squeeze3A_951 = vector.extract %slice3A_950[0] : i32 from vector<1xi32>
      %multiple_of3A_952 = tpu.assume_multiple %squeeze3A_951, 128 : i32
      %dma_start3A_953 = arith.constant 6 : i32
      %dma_start3A_954 = arith.constant 6 : i32
      %dma_start3A_955 = arith.constant 0 : i32
      %dma_start3A_956 = arith.constant 0 : i32
      %dma_start3A_957 = tpu.memref_slice %arg8[%dma_start3A_953, %dma_start3A_955, %dma_start3A_956] : memref<8x64x128xf32, #tpu.memory_space<vmem>> -> memref<1x64x128xf32, #tpu.memory_space<vmem>>
      %dma_start3A_958 = tpu.memref_squeeze %dma_start3A_957 : memref<1x64x128xf32, #tpu.memory_space<vmem>> -> memref<64x128xf32, #tpu.memory_space<vmem>>
      %dma_start3A_959 = arith.constant 0 : i32
      %dma_start3A_960 = tpu.memref_slice %arg3[%dma_start3A_959, %multiple_of3A_952] : memref<64x1000000xf32, #tpu.memory_space<hbm>> -> memref<64x128xf32, #tpu.memory_space<hbm>>
      %dma_start3A_961 = tpu.memref_slice %arg12[%dma_start3A_954] : memref<8x!tpu.dma_semaphore, #tpu.memory_space<semaphore_mem>> -> memref<1x!tpu.dma_semaphore, #tpu.memory_space<semaphore_mem>>
      %dma_start3A_962 = tpu.memref_squeeze %dma_start3A_961 : memref<1x!tpu.dma_semaphore, #tpu.memory_space<semaphore_mem>> -> memref<!tpu.dma_semaphore, #tpu.memory_space<semaphore_mem>>
      %dma_start3A_963 = arith.constant 0 : i32
      %dma_start3A_964 = arith.constant 0 : i32
      %dma_start3A_965 = tpu.memref_slice %arg8[%dma_start3A_953, %dma_start3A_963, %dma_start3A_964] : memref<8x64x128xf32, #tpu.memory_space<vmem>> -> memref<1x64x128xf32, #tpu.memory_space<vmem>>
      %dma_start3A_966 = tpu.memref_squeeze %dma_start3A_965 : memref<1x64x128xf32, #tpu.memory_space<vmem>> -> memref<64x128xf32, #tpu.memory_space<vmem>>
      %dma_start3A_967 = arith.constant 0 : i32
      %dma_start3A_968 = tpu.memref_slice %arg3[%dma_start3A_967, %multiple_of3A_952] : memref<64x1000000xf32, #tpu.memory_space<hbm>> -> memref<64x128xf32, #tpu.memory_space<hbm>>
      tpu.enqueue_dma source(%dma_start3A_968 : memref<64x128xf32, #tpu.memory_space<hbm>>) target(%dma_start3A_966 : memref<64x128xf32, #tpu.memory_space<vmem>>) target_semaphore(%dma_start3A_962 : memref<!tpu.dma_semaphore, #tpu.memory_space<semaphore_mem>>)
      %dma_wait3A_969 = arith.constant 7 : i32
      %dma_wait3A_970 = arith.constant 7 : i32
      %dma_wait3A_971 = arith.constant 0 : i32
      %dma_wait3A_972 = arith.constant 0 : i32
      %dma_wait3A_973 = tpu.memref_slice %arg8[%dma_wait3A_969, %dma_wait3A_971, %dma_wait3A_972] : memref<8x64x128xf32, #tpu.memory_space<vmem>> -> memref<1x64x128xf32, #tpu.memory_space<vmem>>
      %dma_wait3A_974 = tpu.memref_squeeze %dma_wait3A_973 : memref<1x64x128xf32, #tpu.memory_space<vmem>> -> memref<64x128xf32, #tpu.memory_space<vmem>>
      %dma_wait3A_975 = arith.constant 0 : i32
      %dma_wait3A_976 = arith.constant 0 : i32
      %dma_wait3A_977 = tpu.memref_slice %arg3[%dma_wait3A_975, %dma_wait3A_976] : memref<64x1000000xf32, #tpu.memory_space<hbm>> -> memref<64x128xf32, #tpu.memory_space<hbm>>
      %dma_wait3A_978 = tpu.memref_slice %arg12[%dma_wait3A_970] : memref<8x!tpu.dma_semaphore, #tpu.memory_space<semaphore_mem>> -> memref<1x!tpu.dma_semaphore, #tpu.memory_space<semaphore_mem>>
      %dma_wait3A_979 = tpu.memref_squeeze %dma_wait3A_978 : memref<1x!tpu.dma_semaphore, #tpu.memory_space<semaphore_mem>> -> memref<!tpu.dma_semaphore, #tpu.memory_space<semaphore_mem>>
      %dma_wait3A_980 = arith.constant 0 : i32
      %dma_wait3A_981 = arith.constant 0 : i32
      %dma_wait3A_982 = tpu.memref_slice %arg8[%dma_wait3A_969, %dma_wait3A_980, %dma_wait3A_981] : memref<8x64x128xf32, #tpu.memory_space<vmem>> -> memref<1x64x128xf32, #tpu.memory_space<vmem>>
      %dma_wait3A_983 = tpu.memref_squeeze %dma_wait3A_982 : memref<1x64x128xf32, #tpu.memory_space<vmem>> -> memref<64x128xf32, #tpu.memory_space<vmem>>
      %dma_wait3A_984 = arith.constant 0 : i32
      %dma_wait3A_985 = arith.constant 0 : i32
      %dma_wait3A_986 = tpu.memref_slice %arg3[%dma_wait3A_984, %dma_wait3A_985] : memref<64x1000000xf32, #tpu.memory_space<hbm>> -> memref<64x128xf32, #tpu.memory_space<hbm>>
      tpu.wait_dma2 semaphore(%dma_wait3A_979 : memref<!tpu.dma_semaphore, #tpu.memory_space<semaphore_mem>>) src(%dma_wait3A_986 : memref<64x128xf32, #tpu.memory_space<hbm>>) dst(%dma_wait3A_983 : memref<64x128xf32, #tpu.memory_space<vmem>>)
      %slice3A_987 = vector.extract_strided_slice %scan3A_307 {offsets = [7], sizes = [1], strides = [1]} : vector<16xi32> to vector<1xi32>
      %squeeze3A_988 = vector.extract %slice3A_987[0] : i32 from vector<1xi32>
      %broadcast_in_dim3A_989 = vector.broadcast %squeeze3A_988 : i32 to vector<16xi32>
      %mul3A_990 = arith.constant 16 : i32
      %mul3A_991 = arith.muli %scan3A_306, %mul3A_990 : i32
      %add3A_992 = arith.constant 7 : i32
      %add3A_993 = arith.addi %mul3A_991, %add3A_992 : i32
      %broadcast_in_dim3A_994 = vector.broadcast %add3A_993 : i32 to vector<16xi32>
      %add3A_995 = arith.constant 0 : i32
      %add3A_996 = vector.broadcast %add3A_995 : i32 to vector<16xi32>
      %add3A_997 = arith.addi %iota3A, %add3A_996 : vector<16xi32>
      %gather3A_998 = arith.constant 7 : i32
      %gather3A_999 = arith.constant 0 : i32
      %gather3A_1000 = arith.constant 0 : i32
      %gather3A_1001 = tpu.memref_slice %arg8[%gather3A_998, %gather3A_999, %gather3A_1000] : memref<8x64x128xf32, #tpu.memory_space<vmem>> -> memref<1x64x128xf32, #tpu.memory_space<vmem>>
      %gather3A_1002 = tpu.memref_squeeze %gather3A_1001 : memref<1x64x128xf32, #tpu.memory_space<vmem>> -> memref<64x128xf32, #tpu.memory_space<vmem>>
      %gather3A_1003 = tpu.vector_load_idx %gather3A_1002[%add3A_997, %broadcast_in_dim3A_989] : memref<64x128xf32, #tpu.memory_space<vmem>>[vector<16xi32>, vector<16xi32>], vector<16xf32>,
      %add3A_1004 = arith.constant 0 : i32
      %add3A_1005 = vector.broadcast %add3A_1004 : i32 to vector<16xi32>
      %add3A_1006 = arith.addi %iota3A, %add3A_1005 : vector<16xi32>
      tpu.vector_store_idx %arg9[%add3A_1006, %broadcast_in_dim3A_994], %gather3A_1003 : memref<64x512xf32, #tpu.memory_space<vmem>>[vector<16xi32>, vector<16xi32>], vector<16xf32>,
      %add3A_1007 = arith.constant 16 : i32
      %add3A_1008 = vector.broadcast %add3A_1007 : i32 to vector<16xi32>
      %add3A_1009 = arith.addi %iota3A, %add3A_1008 : vector<16xi32>
      %gather3A_1010 = arith.constant 7 : i32
      %gather3A_1011 = arith.constant 0 : i32
      %gather3A_1012 = arith.constant 0 : i32
      %gather3A_1013 = tpu.memref_slice %arg8[%gather3A_1010, %gather3A_1011, %gather3A_1012] : memref<8x64x128xf32, #tpu.memory_space<vmem>> -> memref<1x64x128xf32, #tpu.memory_space<vmem>>
      %gather3A_1014 = tpu.memref_squeeze %gather3A_1013 : memref<1x64x128xf32, #tpu.memory_space<vmem>> -> memref<64x128xf32, #tpu.memory_space<vmem>>
      %gather3A_1015 = tpu.vector_load_idx %gather3A_1014[%add3A_1009, %broadcast_in_dim3A_989] : memref<64x128xf32, #tpu.memory_space<vmem>>[vector<16xi32>, vector<16xi32>], vector<16xf32>,
      %add3A_1016 = arith.constant 16 : i32
      %add3A_1017 = vector.broadcast %add3A_1016 : i32 to vector<16xi32>
      %add3A_1018 = arith.addi %iota3A, %add3A_1017 : vector<16xi32>
      tpu.vector_store_idx %arg9[%add3A_1018, %broadcast_in_dim3A_994], %gather3A_1015 : memref<64x512xf32, #tpu.memory_space<vmem>>[vector<16xi32>, vector<16xi32>], vector<16xf32>,
      %add3A_1019 = arith.constant 32 : i32
      %add3A_1020 = vector.broadcast %add3A_1019 : i32 to vector<16xi32>
      %add3A_1021 = arith.addi %iota3A, %add3A_1020 : vector<16xi32>
      %gather3A_1022 = arith.constant 7 : i32
      %gather3A_1023 = arith.constant 0 : i32
      %gather3A_1024 = arith.constant 0 : i32
      %gather3A_1025 = tpu.memref_slice %arg8[%gather3A_1022, %gather3A_1023, %gather3A_1024] : memref<8x64x128xf32, #tpu.memory_space<vmem>> -> memref<1x64x128xf32, #tpu.memory_space<vmem>>
      %gather3A_1026 = tpu.memref_squeeze %gather3A_1025 : memref<1x64x128xf32, #tpu.memory_space<vmem>> -> memref<64x128xf32, #tpu.memory_space<vmem>>
      %gather3A_1027 = tpu.vector_load_idx %gather3A_1026[%add3A_1021, %broadcast_in_dim3A_989] : memref<64x128xf32, #tpu.memory_space<vmem>>[vector<16xi32>, vector<16xi32>], vector<16xf32>,
      %add3A_1028 = arith.constant 32 : i32
      %add3A_1029 = vector.broadcast %add3A_1028 : i32 to vector<16xi32>
      %add3A_1030 = arith.addi %iota3A, %add3A_1029 : vector<16xi32>
      tpu.vector_store_idx %arg9[%add3A_1030, %broadcast_in_dim3A_994], %gather3A_1027 : memref<64x512xf32, #tpu.memory_space<vmem>>[vector<16xi32>, vector<16xi32>], vector<16xf32>,
      %add3A_1031 = arith.constant 48 : i32
      %add3A_1032 = vector.broadcast %add3A_1031 : i32 to vector<16xi32>
      %add3A_1033 = arith.addi %iota3A, %add3A_1032 : vector<16xi32>
      %gather3A_1034 = arith.constant 7 : i32
      %gather3A_1035 = arith.constant 0 : i32
      %gather3A_1036 = arith.constant 0 : i32
      %gather3A_1037 = tpu.memref_slice %arg8[%gather3A_1034, %gather3A_1035, %gather3A_1036] : memref<8x64x128xf32, #tpu.memory_space<vmem>> -> memref<1x64x128xf32, #tpu.memory_space<vmem>>
      %gather3A_1038 = tpu.memref_squeeze %gather3A_1037 : memref<1x64x128xf32, #tpu.memory_space<vmem>> -> memref<64x128xf32, #tpu.memory_space<vmem>>
      %gather3A_1039 = tpu.vector_load_idx %gather3A_1038[%add3A_1033, %broadcast_in_dim3A_989] : memref<64x128xf32, #tpu.memory_space<vmem>>[vector<16xi32>, vector<16xi32>], vector<16xf32>,
      %add3A_1040 = arith.constant 48 : i32
      %add3A_1041 = vector.broadcast %add3A_1040 : i32 to vector<16xi32>
      %add3A_1042 = arith.addi %iota3A, %add3A_1041 : vector<16xi32>
      tpu.vector_store_idx %arg9[%add3A_1042, %broadcast_in_dim3A_994], %gather3A_1039 : memref<64x512xf32, #tpu.memory_space<vmem>>[vector<16xi32>, vector<16xi32>], vector<16xf32>,
      %slice3A_1043 = vector.extract_strided_slice %scan3A_308 {offsets = [15], sizes = [1], strides = [1]} : vector<16xi32> to vector<1xi32>
      %squeeze3A_1044 = vector.extract %slice3A_1043[0] : i32 from vector<1xi32>
      %multiple_of3A_1045 = tpu.assume_multiple %squeeze3A_1044, 128 : i32
      %dma_start3A_1046 = arith.constant 7 : i32
      %dma_start3A_1047 = arith.constant 7 : i32
      %dma_start3A_1048 = arith.constant 0 : i32
      %dma_start3A_1049 = arith.constant 0 : i32
      %dma_start3A_1050 = tpu.memref_slice %arg8[%dma_start3A_1046, %dma_start3A_1048, %dma_start3A_1049] : memref<8x64x128xf32, #tpu.memory_space<vmem>> -> memref<1x64x128xf32, #tpu.memory_space<vmem>>
      %dma_start3A_1051 = tpu.memref_squeeze %dma_start3A_1050 : memref<1x64x128xf32, #tpu.memory_space<vmem>> -> memref<64x128xf32, #tpu.memory_space<vmem>>
      %dma_start3A_1052 = arith.constant 0 : i32
      %dma_start3A_1053 = tpu.memref_slice %arg3[%dma_start3A_1052, %multiple_of3A_1045] : memref<64x1000000xf32, #tpu.memory_space<hbm>> -> memref<64x128xf32, #tpu.memory_space<hbm>>
      %dma_start3A_1054 = tpu.memref_slice %arg12[%dma_start3A_1047] : memref<8x!tpu.dma_semaphore, #tpu.memory_space<semaphore_mem>> -> memref<1x!tpu.dma_semaphore, #tpu.memory_space<semaphore_mem>>
      %dma_start3A_1055 = tpu.memref_squeeze %dma_start3A_1054 : memref<1x!tpu.dma_semaphore, #tpu.memory_space<semaphore_mem>> -> memref<!tpu.dma_semaphore, #tpu.memory_space<semaphore_mem>>
      %dma_start3A_1056 = arith.constant 0 : i32
      %dma_start3A_1057 = arith.constant 0 : i32
      %dma_start3A_1058 = tpu.memref_slice %arg8[%dma_start3A_1046, %dma_start3A_1056, %dma_start3A_1057] : memref<8x64x128xf32, #tpu.memory_space<vmem>> -> memref<1x64x128xf32, #tpu.memory_space<vmem>>
      %dma_start3A_1059 = tpu.memref_squeeze %dma_start3A_1058 : memref<1x64x128xf32, #tpu.memory_space<vmem>> -> memref<64x128xf32, #tpu.memory_space<vmem>>
      %dma_start3A_1060 = arith.constant 0 : i32
      %dma_start3A_1061 = tpu.memref_slice %arg3[%dma_start3A_1060, %multiple_of3A_1045] : memref<64x1000000xf32, #tpu.memory_space<hbm>> -> memref<64x128xf32, #tpu.memory_space<hbm>>
      tpu.enqueue_dma source(%dma_start3A_1061 : memref<64x128xf32, #tpu.memory_space<hbm>>) target(%dma_start3A_1059 : memref<64x128xf32, #tpu.memory_space<vmem>>) target_semaphore(%dma_start3A_1055 : memref<!tpu.dma_semaphore, #tpu.memory_space<semaphore_mem>>)
      %dma_wait3A_1062 = arith.constant 0 : i32
      %dma_wait3A_1063 = arith.constant 0 : i32
      %dma_wait3A_1064 = arith.constant 0 : i32
      %dma_wait3A_1065 = arith.constant 0 : i32
      %dma_wait3A_1066 = tpu.memref_slice %arg8[%dma_wait3A_1062, %dma_wait3A_1064, %dma_wait3A_1065] : memref<8x64x128xf32, #tpu.memory_space<vmem>> -> memref<1x64x128xf32, #tpu.memory_space<vmem>>
      %dma_wait3A_1067 = tpu.memref_squeeze %dma_wait3A_1066 : memref<1x64x128xf32, #tpu.memory_space<vmem>> -> memref<64x128xf32, #tpu.memory_space<vmem>>
      %dma_wait3A_1068 = arith.constant 0 : i32
      %dma_wait3A_1069 = arith.constant 0 : i32
      %dma_wait3A_1070 = tpu.memref_slice %arg3[%dma_wait3A_1068, %dma_wait3A_1069] : memref<64x1000000xf32, #tpu.memory_space<hbm>> -> memref<64x128xf32, #tpu.memory_space<hbm>>
      %dma_wait3A_1071 = tpu.memref_slice %arg12[%dma_wait3A_1063] : memref<8x!tpu.dma_semaphore, #tpu.memory_space<semaphore_mem>> -> memref<1x!tpu.dma_semaphore, #tpu.memory_space<semaphore_mem>>
      %dma_wait3A_1072 = tpu.memref_squeeze %dma_wait3A_1071 : memref<1x!tpu.dma_semaphore, #tpu.memory_space<semaphore_mem>> -> memref<!tpu.dma_semaphore, #tpu.memory_space<semaphore_mem>>
      %dma_wait3A_1073 = arith.constant 0 : i32
      %dma_wait3A_1074 = arith.constant 0 : i32
      %dma_wait3A_1075 = tpu.memref_slice %arg8[%dma_wait3A_1062, %dma_wait3A_1073, %dma_wait3A_1074] : memref<8x64x128xf32, #tpu.memory_space<vmem>> -> memref<1x64x128xf32, #tpu.memory_space<vmem>>
      %dma_wait3A_1076 = tpu.memref_squeeze %dma_wait3A_1075 : memref<1x64x128xf32, #tpu.memory_space<vmem>> -> memref<64x128xf32, #tpu.memory_space<vmem>>
      %dma_wait3A_1077 = arith.constant 0 : i32
      %dma_wait3A_1078 = arith.constant 0 : i32
      %dma_wait3A_1079 = tpu.memref_slice %arg3[%dma_wait3A_1077, %dma_wait3A_1078] : memref<64x1000000xf32, #tpu.memory_space<hbm>> -> memref<64x128xf32, #tpu.memory_space<hbm>>
      tpu.wait_dma2 semaphore(%dma_wait3A_1072 : memref<!tpu.dma_semaphore, #tpu.memory_space<semaphore_mem>>) src(%dma_wait3A_1079 : memref<64x128xf32, #tpu.memory_space<hbm>>) dst(%dma_wait3A_1076 : memref<64x128xf32, #tpu.memory_space<vmem>>)
      %slice3A_1080 = vector.extract_strided_slice %scan3A_307 {offsets = [8], sizes = [1], strides = [1]} : vector<16xi32> to vector<1xi32>
      %squeeze3A_1081 = vector.extract %slice3A_1080[0] : i32 from vector<1xi32>
      %broadcast_in_dim3A_1082 = vector.broadcast %squeeze3A_1081 : i32 to vector<16xi32>
      %mul3A_1083 = arith.constant 16 : i32
      %mul3A_1084 = arith.muli %scan3A_306, %mul3A_1083 : i32
      %add3A_1085 = arith.constant 8 : i32
      %add3A_1086 = arith.addi %mul3A_1084, %add3A_1085 : i32
      %broadcast_in_dim3A_1087 = vector.broadcast %add3A_1086 : i32 to vector<16xi32>
      %add3A_1088 = arith.constant 0 : i32
      %add3A_1089 = vector.broadcast %add3A_1088 : i32 to vector<16xi32>
      %add3A_1090 = arith.addi %iota3A, %add3A_1089 : vector<16xi32>
      %gather3A_1091 = arith.constant 0 : i32
      %gather3A_1092 = arith.constant 0 : i32
      %gather3A_1093 = arith.constant 0 : i32
      %gather3A_1094 = tpu.memref_slice %arg8[%gather3A_1091, %gather3A_1092, %gather3A_1093] : memref<8x64x128xf32, #tpu.memory_space<vmem>> -> memref<1x64x128xf32, #tpu.memory_space<vmem>>
      %gather3A_1095 = tpu.memref_squeeze %gather3A_1094 : memref<1x64x128xf32, #tpu.memory_space<vmem>> -> memref<64x128xf32, #tpu.memory_space<vmem>>
      %gather3A_1096 = tpu.vector_load_idx %gather3A_1095[%add3A_1090, %broadcast_in_dim3A_1082] : memref<64x128xf32, #tpu.memory_space<vmem>>[vector<16xi32>, vector<16xi32>], vector<16xf32>,
      %add3A_1097 = arith.constant 0 : i32
      %add3A_1098 = vector.broadcast %add3A_1097 : i32 to vector<16xi32>
      %add3A_1099 = arith.addi %iota3A, %add3A_1098 : vector<16xi32>
      tpu.vector_store_idx %arg9[%add3A_1099, %broadcast_in_dim3A_1087], %gather3A_1096 : memref<64x512xf32, #tpu.memory_space<vmem>>[vector<16xi32>, vector<16xi32>], vector<16xf32>,
      %add3A_1100 = arith.constant 16 : i32
      %add3A_1101 = vector.broadcast %add3A_1100 : i32 to vector<16xi32>
      %add3A_1102 = arith.addi %iota3A, %add3A_1101 : vector<16xi32>
      %gather3A_1103 = arith.constant 0 : i32
      %gather3A_1104 = arith.constant 0 : i32
      %gather3A_1105 = arith.constant 0 : i32
      %gather3A_1106 = tpu.memref_slice %arg8[%gather3A_1103, %gather3A_1104, %gather3A_1105] : memref<8x64x128xf32, #tpu.memory_space<vmem>> -> memref<1x64x128xf32, #tpu.memory_space<vmem>>
      %gather3A_1107 = tpu.memref_squeeze %gather3A_1106 : memref<1x64x128xf32, #tpu.memory_space<vmem>> -> memref<64x128xf32, #tpu.memory_space<vmem>>
      %gather3A_1108 = tpu.vector_load_idx %gather3A_1107[%add3A_1102, %broadcast_in_dim3A_1082] : memref<64x128xf32, #tpu.memory_space<vmem>>[vector<16xi32>, vector<16xi32>], vector<16xf32>,
      %add3A_1109 = arith.constant 16 : i32
      %add3A_1110 = vector.broadcast %add3A_1109 : i32 to vector<16xi32>
      %add3A_1111 = arith.addi %iota3A, %add3A_1110 : vector<16xi32>
      tpu.vector_store_idx %arg9[%add3A_1111, %broadcast_in_dim3A_1087], %gather3A_1108 : memref<64x512xf32, #tpu.memory_space<vmem>>[vector<16xi32>, vector<16xi32>], vector<16xf32>,
      %add3A_1112 = arith.constant 32 : i32
      %add3A_1113 = vector.broadcast %add3A_1112 : i32 to vector<16xi32>
      %add3A_1114 = arith.addi %iota3A, %add3A_1113 : vector<16xi32>
      %gather3A_1115 = arith.constant 0 : i32
      %gather3A_1116 = arith.constant 0 : i32
      %gather3A_1117 = arith.constant 0 : i32
      %gather3A_1118 = tpu.memref_slice %arg8[%gather3A_1115, %gather3A_1116, %gather3A_1117] : memref<8x64x128xf32, #tpu.memory_space<vmem>> -> memref<1x64x128xf32, #tpu.memory_space<vmem>>
      %gather3A_1119 = tpu.memref_squeeze %gather3A_1118 : memref<1x64x128xf32, #tpu.memory_space<vmem>> -> memref<64x128xf32, #tpu.memory_space<vmem>>
      %gather3A_1120 = tpu.vector_load_idx %gather3A_1119[%add3A_1114, %broadcast_in_dim3A_1082] : memref<64x128xf32, #tpu.memory_space<vmem>>[vector<16xi32>, vector<16xi32>], vector<16xf32>,
      %add3A_1121 = arith.constant 32 : i32
      %add3A_1122 = vector.broadcast %add3A_1121 : i32 to vector<16xi32>
      %add3A_1123 = arith.addi %iota3A, %add3A_1122 : vector<16xi32>
      tpu.vector_store_idx %arg9[%add3A_1123, %broadcast_in_dim3A_1087], %gather3A_1120 : memref<64x512xf32, #tpu.memory_space<vmem>>[vector<16xi32>, vector<16xi32>], vector<16xf32>,
      %add3A_1124 = arith.constant 48 : i32
      %add3A_1125 = vector.broadcast %add3A_1124 : i32 to vector<16xi32>
      %add3A_1126 = arith.addi %iota3A, %add3A_1125 : vector<16xi32>
      %gather3A_1127 = arith.constant 0 : i32
      %gather3A_1128 = arith.constant 0 : i32
      %gather3A_1129 = arith.constant 0 : i32
      %gather3A_1130 = tpu.memref_slice %arg8[%gather3A_1127, %gather3A_1128, %gather3A_1129] : memref<8x64x128xf32, #tpu.memory_space<vmem>> -> memref<1x64x128xf32, #tpu.memory_space<vmem>>
      %gather3A_1131 = tpu.memref_squeeze %gather3A_1130 : memref<1x64x128xf32, #tpu.memory_space<vmem>> -> memref<64x128xf32, #tpu.memory_space<vmem>>
      %gather3A_1132 = tpu.vector_load_idx %gather3A_1131[%add3A_1126, %broadcast_in_dim3A_1082] : memref<64x128xf32, #tpu.memory_space<vmem>>[vector<16xi32>, vector<16xi32>], vector<16xf32>,
      %add3A_1133 = arith.constant 48 : i32
      %add3A_1134 = vector.broadcast %add3A_1133 : i32 to vector<16xi32>
      %add3A_1135 = arith.addi %iota3A, %add3A_1134 : vector<16xi32>
      tpu.vector_store_idx %arg9[%add3A_1135, %broadcast_in_dim3A_1087], %gather3A_1132 : memref<64x512xf32, #tpu.memory_space<vmem>>[vector<16xi32>, vector<16xi32>], vector<16xf32>,
      %slice3A_1136 = vector.extract_strided_slice %sub3A_319 {offsets = [0], sizes = [1], strides = [1]} : vector<16xi32> to vector<1xi32>
      %squeeze3A_1137 = vector.extract %slice3A_1136[0] : i32 from vector<1xi32>
      %multiple_of3A_1138 = tpu.assume_multiple %squeeze3A_1137, 128 : i32
      %dma_start3A_1139 = arith.constant 0 : i32
      %dma_start3A_1140 = arith.constant 0 : i32
      %dma_start3A_1141 = arith.constant 0 : i32
      %dma_start3A_1142 = arith.constant 0 : i32
      %dma_start3A_1143 = tpu.memref_slice %arg8[%dma_start3A_1139, %dma_start3A_1141, %dma_start3A_1142] : memref<8x64x128xf32, #tpu.memory_space<vmem>> -> memref<1x64x128xf32, #tpu.memory_space<vmem>>
      %dma_start3A_1144 = tpu.memref_squeeze %dma_start3A_1143 : memref<1x64x128xf32, #tpu.memory_space<vmem>> -> memref<64x128xf32, #tpu.memory_space<vmem>>
      %dma_start3A_1145 = arith.constant 0 : i32
      %dma_start3A_1146 = tpu.memref_slice %arg3[%dma_start3A_1145, %multiple_of3A_1138] : memref<64x1000000xf32, #tpu.memory_space<hbm>> -> memref<64x128xf32, #tpu.memory_space<hbm>>
      %dma_start3A_1147 = tpu.memref_slice %arg12[%dma_start3A_1140] : memref<8x!tpu.dma_semaphore, #tpu.memory_space<semaphore_mem>> -> memref<1x!tpu.dma_semaphore, #tpu.memory_space<semaphore_mem>>
      %dma_start3A_1148 = tpu.memref_squeeze %dma_start3A_1147 : memref<1x!tpu.dma_semaphore, #tpu.memory_space<semaphore_mem>> -> memref<!tpu.dma_semaphore, #tpu.memory_space<semaphore_mem>>
      %dma_start3A_1149 = arith.constant 0 : i32
      %dma_start3A_1150 = arith.constant 0 : i32
      %dma_start3A_1151 = tpu.memref_slice %arg8[%dma_start3A_1139, %dma_start3A_1149, %dma_start3A_1150] : memref<8x64x128xf32, #tpu.memory_space<vmem>> -> memref<1x64x128xf32, #tpu.memory_space<vmem>>
      %dma_start3A_1152 = tpu.memref_squeeze %dma_start3A_1151 : memref<1x64x128xf32, #tpu.memory_space<vmem>> -> memref<64x128xf32, #tpu.memory_space<vmem>>
      %dma_start3A_1153 = arith.constant 0 : i32
      %dma_start3A_1154 = tpu.memref_slice %arg3[%dma_start3A_1153, %multiple_of3A_1138] : memref<64x1000000xf32, #tpu.memory_space<hbm>> -> memref<64x128xf32, #tpu.memory_space<hbm>>
      tpu.enqueue_dma source(%dma_start3A_1154 : memref<64x128xf32, #tpu.memory_space<hbm>>) target(%dma_start3A_1152 : memref<64x128xf32, #tpu.memory_space<vmem>>) target_semaphore(%dma_start3A_1148 : memref<!tpu.dma_semaphore, #tpu.memory_space<semaphore_mem>>)
      %dma_wait3A_1155 = arith.constant 1 : i32
      %dma_wait3A_1156 = arith.constant 1 : i32
      %dma_wait3A_1157 = arith.constant 0 : i32
      %dma_wait3A_1158 = arith.constant 0 : i32
      %dma_wait3A_1159 = tpu.memref_slice %arg8[%dma_wait3A_1155, %dma_wait3A_1157, %dma_wait3A_1158] : memref<8x64x128xf32, #tpu.memory_space<vmem>> -> memref<1x64x128xf32, #tpu.memory_space<vmem>>
      %dma_wait3A_1160 = tpu.memref_squeeze %dma_wait3A_1159 : memref<1x64x128xf32, #tpu.memory_space<vmem>> -> memref<64x128xf32, #tpu.memory_space<vmem>>
      %dma_wait3A_1161 = arith.constant 0 : i32
      %dma_wait3A_1162 = arith.constant 0 : i32
      %dma_wait3A_1163 = tpu.memref_slice %arg3[%dma_wait3A_1161, %dma_wait3A_1162] : memref<64x1000000xf32, #tpu.memory_space<hbm>> -> memref<64x128xf32, #tpu.memory_space<hbm>>
      %dma_wait3A_1164 = tpu.memref_slice %arg12[%dma_wait3A_1156] : memref<8x!tpu.dma_semaphore, #tpu.memory_space<semaphore_mem>> -> memref<1x!tpu.dma_semaphore, #tpu.memory_space<semaphore_mem>>
      %dma_wait3A_1165 = tpu.memref_squeeze %dma_wait3A_1164 : memref<1x!tpu.dma_semaphore, #tpu.memory_space<semaphore_mem>> -> memref<!tpu.dma_semaphore, #tpu.memory_space<semaphore_mem>>
      %dma_wait3A_1166 = arith.constant 0 : i32
      %dma_wait3A_1167 = arith.constant 0 : i32
      %dma_wait3A_1168 = tpu.memref_slice %arg8[%dma_wait3A_1155, %dma_wait3A_1166, %dma_wait3A_1167] : memref<8x64x128xf32, #tpu.memory_space<vmem>> -> memref<1x64x128xf32, #tpu.memory_space<vmem>>
      %dma_wait3A_1169 = tpu.memref_squeeze %dma_wait3A_1168 : memref<1x64x128xf32, #tpu.memory_space<vmem>> -> memref<64x128xf32, #tpu.memory_space<vmem>>
      %dma_wait3A_1170 = arith.constant 0 : i32
      %dma_wait3A_1171 = arith.constant 0 : i32
      %dma_wait3A_1172 = tpu.memref_slice %arg3[%dma_wait3A_1170, %dma_wait3A_1171] : memref<64x1000000xf32, #tpu.memory_space<hbm>> -> memref<64x128xf32, #tpu.memory_space<hbm>>
      tpu.wait_dma2 semaphore(%dma_wait3A_1165 : memref<!tpu.dma_semaphore, #tpu.memory_space<semaphore_mem>>) src(%dma_wait3A_1172 : memref<64x128xf32, #tpu.memory_space<hbm>>) dst(%dma_wait3A_1169 : memref<64x128xf32, #tpu.memory_space<vmem>>)
      %slice3A_1173 = vector.extract_strided_slice %scan3A_307 {offsets = [9], sizes = [1], strides = [1]} : vector<16xi32> to vector<1xi32>
      %squeeze3A_1174 = vector.extract %slice3A_1173[0] : i32 from vector<1xi32>
      %broadcast_in_dim3A_1175 = vector.broadcast %squeeze3A_1174 : i32 to vector<16xi32>
      %mul3A_1176 = arith.constant 16 : i32
      %mul3A_1177 = arith.muli %scan3A_306, %mul3A_1176 : i32
      %add3A_1178 = arith.constant 9 : i32
      %add3A_1179 = arith.addi %mul3A_1177, %add3A_1178 : i32
      %broadcast_in_dim3A_1180 = vector.broadcast %add3A_1179 : i32 to vector<16xi32>
      %add3A_1181 = arith.constant 0 : i32
      %add3A_1182 = vector.broadcast %add3A_1181 : i32 to vector<16xi32>
      %add3A_1183 = arith.addi %iota3A, %add3A_1182 : vector<16xi32>
      %gather3A_1184 = arith.constant 1 : i32
      %gather3A_1185 = arith.constant 0 : i32
      %gather3A_1186 = arith.constant 0 : i32
      %gather3A_1187 = tpu.memref_slice %arg8[%gather3A_1184, %gather3A_1185, %gather3A_1186] : memref<8x64x128xf32, #tpu.memory_space<vmem>> -> memref<1x64x128xf32, #tpu.memory_space<vmem>>
      %gather3A_1188 = tpu.memref_squeeze %gather3A_1187 : memref<1x64x128xf32, #tpu.memory_space<vmem>> -> memref<64x128xf32, #tpu.memory_space<vmem>>
      %gather3A_1189 = tpu.vector_load_idx %gather3A_1188[%add3A_1183, %broadcast_in_dim3A_1175] : memref<64x128xf32, #tpu.memory_space<vmem>>[vector<16xi32>, vector<16xi32>], vector<16xf32>,
      %add3A_1190 = arith.constant 0 : i32
      %add3A_1191 = vector.broadcast %add3A_1190 : i32 to vector<16xi32>
      %add3A_1192 = arith.addi %iota3A, %add3A_1191 : vector<16xi32>
      tpu.vector_store_idx %arg9[%add3A_1192, %broadcast_in_dim3A_1180], %gather3A_1189 : memref<64x512xf32, #tpu.memory_space<vmem>>[vector<16xi32>, vector<16xi32>], vector<16xf32>,
      %add3A_1193 = arith.constant 16 : i32
      %add3A_1194 = vector.broadcast %add3A_1193 : i32 to vector<16xi32>
      %add3A_1195 = arith.addi %iota3A, %add3A_1194 : vector<16xi32>
      %gather3A_1196 = arith.constant 1 : i32
      %gather3A_1197 = arith.constant 0 : i32
      %gather3A_1198 = arith.constant 0 : i32
      %gather3A_1199 = tpu.memref_slice %arg8[%gather3A_1196, %gather3A_1197, %gather3A_1198] : memref<8x64x128xf32, #tpu.memory_space<vmem>> -> memref<1x64x128xf32, #tpu.memory_space<vmem>>
      %gather3A_1200 = tpu.memref_squeeze %gather3A_1199 : memref<1x64x128xf32, #tpu.memory_space<vmem>> -> memref<64x128xf32, #tpu.memory_space<vmem>>
      %gather3A_1201 = tpu.vector_load_idx %gather3A_1200[%add3A_1195, %broadcast_in_dim3A_1175] : memref<64x128xf32, #tpu.memory_space<vmem>>[vector<16xi32>, vector<16xi32>], vector<16xf32>,
      %add3A_1202 = arith.constant 16 : i32
      %add3A_1203 = vector.broadcast %add3A_1202 : i32 to vector<16xi32>
      %add3A_1204 = arith.addi %iota3A, %add3A_1203 : vector<16xi32>
      tpu.vector_store_idx %arg9[%add3A_1204, %broadcast_in_dim3A_1180], %gather3A_1201 : memref<64x512xf32, #tpu.memory_space<vmem>>[vector<16xi32>, vector<16xi32>], vector<16xf32>,
      %add3A_1205 = arith.constant 32 : i32
      %add3A_1206 = vector.broadcast %add3A_1205 : i32 to vector<16xi32>
      %add3A_1207 = arith.addi %iota3A, %add3A_1206 : vector<16xi32>
      %gather3A_1208 = arith.constant 1 : i32
      %gather3A_1209 = arith.constant 0 : i32
      %gather3A_1210 = arith.constant 0 : i32
      %gather3A_1211 = tpu.memref_slice %arg8[%gather3A_1208, %gather3A_1209, %gather3A_1210] : memref<8x64x128xf32, #tpu.memory_space<vmem>> -> memref<1x64x128xf32, #tpu.memory_space<vmem>>
      %gather3A_1212 = tpu.memref_squeeze %gather3A_1211 : memref<1x64x128xf32, #tpu.memory_space<vmem>> -> memref<64x128xf32, #tpu.memory_space<vmem>>
      %gather3A_1213 = tpu.vector_load_idx %gather3A_1212[%add3A_1207, %broadcast_in_dim3A_1175] : memref<64x128xf32, #tpu.memory_space<vmem>>[vector<16xi32>, vector<16xi32>], vector<16xf32>,
      %add3A_1214 = arith.constant 32 : i32
      %add3A_1215 = vector.broadcast %add3A_1214 : i32 to vector<16xi32>
      %add3A_1216 = arith.addi %iota3A, %add3A_1215 : vector<16xi32>
      tpu.vector_store_idx %arg9[%add3A_1216, %broadcast_in_dim3A_1180], %gather3A_1213 : memref<64x512xf32, #tpu.memory_space<vmem>>[vector<16xi32>, vector<16xi32>], vector<16xf32>,
      %add3A_1217 = arith.constant 48 : i32
      %add3A_1218 = vector.broadcast %add3A_1217 : i32 to vector<16xi32>
      %add3A_1219 = arith.addi %iota3A, %add3A_1218 : vector<16xi32>
      %gather3A_1220 = arith.constant 1 : i32
      %gather3A_1221 = arith.constant 0 : i32
      %gather3A_1222 = arith.constant 0 : i32
      %gather3A_1223 = tpu.memref_slice %arg8[%gather3A_1220, %gather3A_1221, %gather3A_1222] : memref<8x64x128xf32, #tpu.memory_space<vmem>> -> memref<1x64x128xf32, #tpu.memory_space<vmem>>
      %gather3A_1224 = tpu.memref_squeeze %gather3A_1223 : memref<1x64x128xf32, #tpu.memory_space<vmem>> -> memref<64x128xf32, #tpu.memory_space<vmem>>
      %gather3A_1225 = tpu.vector_load_idx %gather3A_1224[%add3A_1219, %broadcast_in_dim3A_1175] : memref<64x128xf32, #tpu.memory_space<vmem>>[vector<16xi32>, vector<16xi32>], vector<16xf32>,
      %add3A_1226 = arith.constant 48 : i32
      %add3A_1227 = vector.broadcast %add3A_1226 : i32 to vector<16xi32>
      %add3A_1228 = arith.addi %iota3A, %add3A_1227 : vector<16xi32>
      tpu.vector_store_idx %arg9[%add3A_1228, %broadcast_in_dim3A_1180], %gather3A_1225 : memref<64x512xf32, #tpu.memory_space<vmem>>[vector<16xi32>, vector<16xi32>], vector<16xf32>,
      %slice3A_1229 = vector.extract_strided_slice %sub3A_319 {offsets = [1], sizes = [1], strides = [1]} : vector<16xi32> to vector<1xi32>
      %squeeze3A_1230 = vector.extract %slice3A_1229[0] : i32 from vector<1xi32>
      %multiple_of3A_1231 = tpu.assume_multiple %squeeze3A_1230, 128 : i32
      %dma_start3A_1232 = arith.constant 1 : i32
      %dma_start3A_1233 = arith.constant 1 : i32
      %dma_start3A_1234 = arith.constant 0 : i32
      %dma_start3A_1235 = arith.constant 0 : i32
      %dma_start3A_1236 = tpu.memref_slice %arg8[%dma_start3A_1232, %dma_start3A_1234, %dma_start3A_1235] : memref<8x64x128xf32, #tpu.memory_space<vmem>> -> memref<1x64x128xf32, #tpu.memory_space<vmem>>
      %dma_start3A_1237 = tpu.memref_squeeze %dma_start3A_1236 : memref<1x64x128xf32, #tpu.memory_space<vmem>> -> memref<64x128xf32, #tpu.memory_space<vmem>>
      %dma_start3A_1238 = arith.constant 0 : i32
      %dma_start3A_1239 = tpu.memref_slice %arg3[%dma_start3A_1238, %multiple_of3A_1231] : memref<64x1000000xf32, #tpu.memory_space<hbm>> -> memref<64x128xf32, #tpu.memory_space<hbm>>
      %dma_start3A_1240 = tpu.memref_slice %arg12[%dma_start3A_1233] : memref<8x!tpu.dma_semaphore, #tpu.memory_space<semaphore_mem>> -> memref<1x!tpu.dma_semaphore, #tpu.memory_space<semaphore_mem>>
      %dma_start3A_1241 = tpu.memref_squeeze %dma_start3A_1240 : memref<1x!tpu.dma_semaphore, #tpu.memory_space<semaphore_mem>> -> memref<!tpu.dma_semaphore, #tpu.memory_space<semaphore_mem>>
      %dma_start3A_1242 = arith.constant 0 : i32
      %dma_start3A_1243 = arith.constant 0 : i32
      %dma_start3A_1244 = tpu.memref_slice %arg8[%dma_start3A_1232, %dma_start3A_1242, %dma_start3A_1243] : memref<8x64x128xf32, #tpu.memory_space<vmem>> -> memref<1x64x128xf32, #tpu.memory_space<vmem>>
      %dma_start3A_1245 = tpu.memref_squeeze %dma_start3A_1244 : memref<1x64x128xf32, #tpu.memory_space<vmem>> -> memref<64x128xf32, #tpu.memory_space<vmem>>
      %dma_start3A_1246 = arith.constant 0 : i32
      %dma_start3A_1247 = tpu.memref_slice %arg3[%dma_start3A_1246, %multiple_of3A_1231] : memref<64x1000000xf32, #tpu.memory_space<hbm>> -> memref<64x128xf32, #tpu.memory_space<hbm>>
      tpu.enqueue_dma source(%dma_start3A_1247 : memref<64x128xf32, #tpu.memory_space<hbm>>) target(%dma_start3A_1245 : memref<64x128xf32, #tpu.memory_space<vmem>>) target_semaphore(%dma_start3A_1241 : memref<!tpu.dma_semaphore, #tpu.memory_space<semaphore_mem>>)
      %dma_wait3A_1248 = arith.constant 2 : i32
      %dma_wait3A_1249 = arith.constant 2 : i32
      %dma_wait3A_1250 = arith.constant 0 : i32
      %dma_wait3A_1251 = arith.constant 0 : i32
      %dma_wait3A_1252 = tpu.memref_slice %arg8[%dma_wait3A_1248, %dma_wait3A_1250, %dma_wait3A_1251] : memref<8x64x128xf32, #tpu.memory_space<vmem>> -> memref<1x64x128xf32, #tpu.memory_space<vmem>>
      %dma_wait3A_1253 = tpu.memref_squeeze %dma_wait3A_1252 : memref<1x64x128xf32, #tpu.memory_space<vmem>> -> memref<64x128xf32, #tpu.memory_space<vmem>>
      %dma_wait3A_1254 = arith.constant 0 : i32
      %dma_wait3A_1255 = arith.constant 0 : i32
      %dma_wait3A_1256 = tpu.memref_slice %arg3[%dma_wait3A_1254, %dma_wait3A_1255] : memref<64x1000000xf32, #tpu.memory_space<hbm>> -> memref<64x128xf32, #tpu.memory_space<hbm>>
      %dma_wait3A_1257 = tpu.memref_slice %arg12[%dma_wait3A_1249] : memref<8x!tpu.dma_semaphore, #tpu.memory_space<semaphore_mem>> -> memref<1x!tpu.dma_semaphore, #tpu.memory_space<semaphore_mem>>
      %dma_wait3A_1258 = tpu.memref_squeeze %dma_wait3A_1257 : memref<1x!tpu.dma_semaphore, #tpu.memory_space<semaphore_mem>> -> memref<!tpu.dma_semaphore, #tpu.memory_space<semaphore_mem>>
      %dma_wait3A_1259 = arith.constant 0 : i32
      %dma_wait3A_1260 = arith.constant 0 : i32
      %dma_wait3A_1261 = tpu.memref_slice %arg8[%dma_wait3A_1248, %dma_wait3A_1259, %dma_wait3A_1260] : memref<8x64x128xf32, #tpu.memory_space<vmem>> -> memref<1x64x128xf32, #tpu.memory_space<vmem>>
      %dma_wait3A_1262 = tpu.memref_squeeze %dma_wait3A_1261 : memref<1x64x128xf32, #tpu.memory_space<vmem>> -> memref<64x128xf32, #tpu.memory_space<vmem>>
      %dma_wait3A_1263 = arith.constant 0 : i32
      %dma_wait3A_1264 = arith.constant 0 : i32
      %dma_wait3A_1265 = tpu.memref_slice %arg3[%dma_wait3A_1263, %dma_wait3A_1264] : memref<64x1000000xf32, #tpu.memory_space<hbm>> -> memref<64x128xf32, #tpu.memory_space<hbm>>
      tpu.wait_dma2 semaphore(%dma_wait3A_1258 : memref<!tpu.dma_semaphore, #tpu.memory_space<semaphore_mem>>) src(%dma_wait3A_1265 : memref<64x128xf32, #tpu.memory_space<hbm>>) dst(%dma_wait3A_1262 : memref<64x128xf32, #tpu.memory_space<vmem>>)
      %slice3A_1266 = vector.extract_strided_slice %scan3A_307 {offsets = [10], sizes = [1], strides = [1]} : vector<16xi32> to vector<1xi32>
      %squeeze3A_1267 = vector.extract %slice3A_1266[0] : i32 from vector<1xi32>
      %broadcast_in_dim3A_1268 = vector.broadcast %squeeze3A_1267 : i32 to vector<16xi32>
      %mul3A_1269 = arith.constant 16 : i32
      %mul3A_1270 = arith.muli %scan3A_306, %mul3A_1269 : i32
      %add3A_1271 = arith.constant 10 : i32
      %add3A_1272 = arith.addi %mul3A_1270, %add3A_1271 : i32
      %broadcast_in_dim3A_1273 = vector.broadcast %add3A_1272 : i32 to vector<16xi32>
      %add3A_1274 = arith.constant 0 : i32
      %add3A_1275 = vector.broadcast %add3A_1274 : i32 to vector<16xi32>
      %add3A_1276 = arith.addi %iota3A, %add3A_1275 : vector<16xi32>
      %gather3A_1277 = arith.constant 2 : i32
      %gather3A_1278 = arith.constant 0 : i32
      %gather3A_1279 = arith.constant 0 : i32
      %gather3A_1280 = tpu.memref_slice %arg8[%gather3A_1277, %gather3A_1278, %gather3A_1279] : memref<8x64x128xf32, #tpu.memory_space<vmem>> -> memref<1x64x128xf32, #tpu.memory_space<vmem>>
      %gather3A_1281 = tpu.memref_squeeze %gather3A_1280 : memref<1x64x128xf32, #tpu.memory_space<vmem>> -> memref<64x128xf32, #tpu.memory_space<vmem>>
      %gather3A_1282 = tpu.vector_load_idx %gather3A_1281[%add3A_1276, %broadcast_in_dim3A_1268] : memref<64x128xf32, #tpu.memory_space<vmem>>[vector<16xi32>, vector<16xi32>], vector<16xf32>,
      %add3A_1283 = arith.constant 0 : i32
      %add3A_1284 = vector.broadcast %add3A_1283 : i32 to vector<16xi32>
      %add3A_1285 = arith.addi %iota3A, %add3A_1284 : vector<16xi32>
      tpu.vector_store_idx %arg9[%add3A_1285, %broadcast_in_dim3A_1273], %gather3A_1282 : memref<64x512xf32, #tpu.memory_space<vmem>>[vector<16xi32>, vector<16xi32>], vector<16xf32>,
      %add3A_1286 = arith.constant 16 : i32
      %add3A_1287 = vector.broadcast %add3A_1286 : i32 to vector<16xi32>
      %add3A_1288 = arith.addi %iota3A, %add3A_1287 : vector<16xi32>
      %gather3A_1289 = arith.constant 2 : i32
      %gather3A_1290 = arith.constant 0 : i32
      %gather3A_1291 = arith.constant 0 : i32
      %gather3A_1292 = tpu.memref_slice %arg8[%gather3A_1289, %gather3A_1290, %gather3A_1291] : memref<8x64x128xf32, #tpu.memory_space<vmem>> -> memref<1x64x128xf32, #tpu.memory_space<vmem>>
      %gather3A_1293 = tpu.memref_squeeze %gather3A_1292 : memref<1x64x128xf32, #tpu.memory_space<vmem>> -> memref<64x128xf32, #tpu.memory_space<vmem>>
      %gather3A_1294 = tpu.vector_load_idx %gather3A_1293[%add3A_1288, %broadcast_in_dim3A_1268] : memref<64x128xf32, #tpu.memory_space<vmem>>[vector<16xi32>, vector<16xi32>], vector<16xf32>,
      %add3A_1295 = arith.constant 16 : i32
      %add3A_1296 = vector.broadcast %add3A_1295 : i32 to vector<16xi32>
      %add3A_1297 = arith.addi %iota3A, %add3A_1296 : vector<16xi32>
      tpu.vector_store_idx %arg9[%add3A_1297, %broadcast_in_dim3A_1273], %gather3A_1294 : memref<64x512xf32, #tpu.memory_space<vmem>>[vector<16xi32>, vector<16xi32>], vector<16xf32>,
      %add3A_1298 = arith.constant 32 : i32
      %add3A_1299 = vector.broadcast %add3A_1298 : i32 to vector<16xi32>
      %add3A_1300 = arith.addi %iota3A, %add3A_1299 : vector<16xi32>
      %gather3A_1301 = arith.constant 2 : i32
      %gather3A_1302 = arith.constant 0 : i32
      %gather3A_1303 = arith.constant 0 : i32
      %gather3A_1304 = tpu.memref_slice %arg8[%gather3A_1301, %gather3A_1302, %gather3A_1303] : memref<8x64x128xf32, #tpu.memory_space<vmem>> -> memref<1x64x128xf32, #tpu.memory_space<vmem>>
      %gather3A_1305 = tpu.memref_squeeze %gather3A_1304 : memref<1x64x128xf32, #tpu.memory_space<vmem>> -> memref<64x128xf32, #tpu.memory_space<vmem>>
      %gather3A_1306 = tpu.vector_load_idx %gather3A_1305[%add3A_1300, %broadcast_in_dim3A_1268] : memref<64x128xf32, #tpu.memory_space<vmem>>[vector<16xi32>, vector<16xi32>], vector<16xf32>,
      %add3A_1307 = arith.constant 32 : i32
      %add3A_1308 = vector.broadcast %add3A_1307 : i32 to vector<16xi32>
      %add3A_1309 = arith.addi %iota3A, %add3A_1308 : vector<16xi32>
      tpu.vector_store_idx %arg9[%add3A_1309, %broadcast_in_dim3A_1273], %gather3A_1306 : memref<64x512xf32, #tpu.memory_space<vmem>>[vector<16xi32>, vector<16xi32>], vector<16xf32>,
      %add3A_1310 = arith.constant 48 : i32
      %add3A_1311 = vector.broadcast %add3A_1310 : i32 to vector<16xi32>
      %add3A_1312 = arith.addi %iota3A, %add3A_1311 : vector<16xi32>
      %gather3A_1313 = arith.constant 2 : i32
      %gather3A_1314 = arith.constant 0 : i32
      %gather3A_1315 = arith.constant 0 : i32
      %gather3A_1316 = tpu.memref_slice %arg8[%gather3A_1313, %gather3A_1314, %gather3A_1315] : memref<8x64x128xf32, #tpu.memory_space<vmem>> -> memref<1x64x128xf32, #tpu.memory_space<vmem>>
      %gather3A_1317 = tpu.memref_squeeze %gather3A_1316 : memref<1x64x128xf32, #tpu.memory_space<vmem>> -> memref<64x128xf32, #tpu.memory_space<vmem>>
      %gather3A_1318 = tpu.vector_load_idx %gather3A_1317[%add3A_1312, %broadcast_in_dim3A_1268] : memref<64x128xf32, #tpu.memory_space<vmem>>[vector<16xi32>, vector<16xi32>], vector<16xf32>,
      %add3A_1319 = arith.constant 48 : i32
      %add3A_1320 = vector.broadcast %add3A_1319 : i32 to vector<16xi32>
      %add3A_1321 = arith.addi %iota3A, %add3A_1320 : vector<16xi32>
      tpu.vector_store_idx %arg9[%add3A_1321, %broadcast_in_dim3A_1273], %gather3A_1318 : memref<64x512xf32, #tpu.memory_space<vmem>>[vector<16xi32>, vector<16xi32>], vector<16xf32>,
      %slice3A_1322 = vector.extract_strided_slice %sub3A_319 {offsets = [2], sizes = [1], strides = [1]} : vector<16xi32> to vector<1xi32>
      %squeeze3A_1323 = vector.extract %slice3A_1322[0] : i32 from vector<1xi32>
      %multiple_of3A_1324 = tpu.assume_multiple %squeeze3A_1323, 128 : i32
      %dma_start3A_1325 = arith.constant 2 : i32
      %dma_start3A_1326 = arith.constant 2 : i32
      %dma_start3A_1327 = arith.constant 0 : i32
      %dma_start3A_1328 = arith.constant 0 : i32
      %dma_start3A_1329 = tpu.memref_slice %arg8[%dma_start3A_1325, %dma_start3A_1327, %dma_start3A_1328] : memref<8x64x128xf32, #tpu.memory_space<vmem>> -> memref<1x64x128xf32, #tpu.memory_space<vmem>>
      %dma_start3A_1330 = tpu.memref_squeeze %dma_start3A_1329 : memref<1x64x128xf32, #tpu.memory_space<vmem>> -> memref<64x128xf32, #tpu.memory_space<vmem>>
      %dma_start3A_1331 = arith.constant 0 : i32
      %dma_start3A_1332 = tpu.memref_slice %arg3[%dma_start3A_1331, %multiple_of3A_1324] : memref<64x1000000xf32, #tpu.memory_space<hbm>> -> memref<64x128xf32, #tpu.memory_space<hbm>>
      %dma_start3A_1333 = tpu.memref_slice %arg12[%dma_start3A_1326] : memref<8x!tpu.dma_semaphore, #tpu.memory_space<semaphore_mem>> -> memref<1x!tpu.dma_semaphore, #tpu.memory_space<semaphore_mem>>
      %dma_start3A_1334 = tpu.memref_squeeze %dma_start3A_1333 : memref<1x!tpu.dma_semaphore, #tpu.memory_space<semaphore_mem>> -> memref<!tpu.dma_semaphore, #tpu.memory_space<semaphore_mem>>
      %dma_start3A_1335 = arith.constant 0 : i32
      %dma_start3A_1336 = arith.constant 0 : i32
      %dma_start3A_1337 = tpu.memref_slice %arg8[%dma_start3A_1325, %dma_start3A_1335, %dma_start3A_1336] : memref<8x64x128xf32, #tpu.memory_space<vmem>> -> memref<1x64x128xf32, #tpu.memory_space<vmem>>
      %dma_start3A_1338 = tpu.memref_squeeze %dma_start3A_1337 : memref<1x64x128xf32, #tpu.memory_space<vmem>> -> memref<64x128xf32, #tpu.memory_space<vmem>>
      %dma_start3A_1339 = arith.constant 0 : i32
      %dma_start3A_1340 = tpu.memref_slice %arg3[%dma_start3A_1339, %multiple_of3A_1324] : memref<64x1000000xf32, #tpu.memory_space<hbm>> -> memref<64x128xf32, #tpu.memory_space<hbm>>
      tpu.enqueue_dma source(%dma_start3A_1340 : memref<64x128xf32, #tpu.memory_space<hbm>>) target(%dma_start3A_1338 : memref<64x128xf32, #tpu.memory_space<vmem>>) target_semaphore(%dma_start3A_1334 : memref<!tpu.dma_semaphore, #tpu.memory_space<semaphore_mem>>)
      %dma_wait3A_1341 = arith.constant 3 : i32
      %dma_wait3A_1342 = arith.constant 3 : i32
      %dma_wait3A_1343 = arith.constant 0 : i32
      %dma_wait3A_1344 = arith.constant 0 : i32
      %dma_wait3A_1345 = tpu.memref_slice %arg8[%dma_wait3A_1341, %dma_wait3A_1343, %dma_wait3A_1344] : memref<8x64x128xf32, #tpu.memory_space<vmem>> -> memref<1x64x128xf32, #tpu.memory_space<vmem>>
      %dma_wait3A_1346 = tpu.memref_squeeze %dma_wait3A_1345 : memref<1x64x128xf32, #tpu.memory_space<vmem>> -> memref<64x128xf32, #tpu.memory_space<vmem>>
      %dma_wait3A_1347 = arith.constant 0 : i32
      %dma_wait3A_1348 = arith.constant 0 : i32
      %dma_wait3A_1349 = tpu.memref_slice %arg3[%dma_wait3A_1347, %dma_wait3A_1348] : memref<64x1000000xf32, #tpu.memory_space<hbm>> -> memref<64x128xf32, #tpu.memory_space<hbm>>
      %dma_wait3A_1350 = tpu.memref_slice %arg12[%dma_wait3A_1342] : memref<8x!tpu.dma_semaphore, #tpu.memory_space<semaphore_mem>> -> memref<1x!tpu.dma_semaphore, #tpu.memory_space<semaphore_mem>>
      %dma_wait3A_1351 = tpu.memref_squeeze %dma_wait3A_1350 : memref<1x!tpu.dma_semaphore, #tpu.memory_space<semaphore_mem>> -> memref<!tpu.dma_semaphore, #tpu.memory_space<semaphore_mem>>
      %dma_wait3A_1352 = arith.constant 0 : i32
      %dma_wait3A_1353 = arith.constant 0 : i32
      %dma_wait3A_1354 = tpu.memref_slice %arg8[%dma_wait3A_1341, %dma_wait3A_1352, %dma_wait3A_1353] : memref<8x64x128xf32, #tpu.memory_space<vmem>> -> memref<1x64x128xf32, #tpu.memory_space<vmem>>
      %dma_wait3A_1355 = tpu.memref_squeeze %dma_wait3A_1354 : memref<1x64x128xf32, #tpu.memory_space<vmem>> -> memref<64x128xf32, #tpu.memory_space<vmem>>
      %dma_wait3A_1356 = arith.constant 0 : i32
      %dma_wait3A_1357 = arith.constant 0 : i32
      %dma_wait3A_1358 = tpu.memref_slice %arg3[%dma_wait3A_1356, %dma_wait3A_1357] : memref<64x1000000xf32, #tpu.memory_space<hbm>> -> memref<64x128xf32, #tpu.memory_space<hbm>>
      tpu.wait_dma2 semaphore(%dma_wait3A_1351 : memref<!tpu.dma_semaphore, #tpu.memory_space<semaphore_mem>>) src(%dma_wait3A_1358 : memref<64x128xf32, #tpu.memory_space<hbm>>) dst(%dma_wait3A_1355 : memref<64x128xf32, #tpu.memory_space<vmem>>)
      %slice3A_1359 = vector.extract_strided_slice %scan3A_307 {offsets = [11], sizes = [1], strides = [1]} : vector<16xi32> to vector<1xi32>
      %squeeze3A_1360 = vector.extract %slice3A_1359[0] : i32 from vector<1xi32>
      %broadcast_in_dim3A_1361 = vector.broadcast %squeeze3A_1360 : i32 to vector<16xi32>
      %mul3A_1362 = arith.constant 16 : i32
      %mul3A_1363 = arith.muli %scan3A_306, %mul3A_1362 : i32
      %add3A_1364 = arith.constant 11 : i32
      %add3A_1365 = arith.addi %mul3A_1363, %add3A_1364 : i32
      %broadcast_in_dim3A_1366 = vector.broadcast %add3A_1365 : i32 to vector<16xi32>
      %add3A_1367 = arith.constant 0 : i32
      %add3A_1368 = vector.broadcast %add3A_1367 : i32 to vector<16xi32>
      %add3A_1369 = arith.addi %iota3A, %add3A_1368 : vector<16xi32>
      %gather3A_1370 = arith.constant 3 : i32
      %gather3A_1371 = arith.constant 0 : i32
      %gather3A_1372 = arith.constant 0 : i32
      %gather3A_1373 = tpu.memref_slice %arg8[%gather3A_1370, %gather3A_1371, %gather3A_1372] : memref<8x64x128xf32, #tpu.memory_space<vmem>> -> memref<1x64x128xf32, #tpu.memory_space<vmem>>
      %gather3A_1374 = tpu.memref_squeeze %gather3A_1373 : memref<1x64x128xf32, #tpu.memory_space<vmem>> -> memref<64x128xf32, #tpu.memory_space<vmem>>
      %gather3A_1375 = tpu.vector_load_idx %gather3A_1374[%add3A_1369, %broadcast_in_dim3A_1361] : memref<64x128xf32, #tpu.memory_space<vmem>>[vector<16xi32>, vector<16xi32>], vector<16xf32>,
      %add3A_1376 = arith.constant 0 : i32
      %add3A_1377 = vector.broadcast %add3A_1376 : i32 to vector<16xi32>
      %add3A_1378 = arith.addi %iota3A, %add3A_1377 : vector<16xi32>
      tpu.vector_store_idx %arg9[%add3A_1378, %broadcast_in_dim3A_1366], %gather3A_1375 : memref<64x512xf32, #tpu.memory_space<vmem>>[vector<16xi32>, vector<16xi32>], vector<16xf32>,
      %add3A_1379 = arith.constant 16 : i32
      %add3A_1380 = vector.broadcast %add3A_1379 : i32 to vector<16xi32>
      %add3A_1381 = arith.addi %iota3A, %add3A_1380 : vector<16xi32>
      %gather3A_1382 = arith.constant 3 : i32
      %gather3A_1383 = arith.constant 0 : i32
      %gather3A_1384 = arith.constant 0 : i32
      %gather3A_1385 = tpu.memref_slice %arg8[%gather3A_1382, %gather3A_1383, %gather3A_1384] : memref<8x64x128xf32, #tpu.memory_space<vmem>> -> memref<1x64x128xf32, #tpu.memory_space<vmem>>
      %gather3A_1386 = tpu.memref_squeeze %gather3A_1385 : memref<1x64x128xf32, #tpu.memory_space<vmem>> -> memref<64x128xf32, #tpu.memory_space<vmem>>
      %gather3A_1387 = tpu.vector_load_idx %gather3A_1386[%add3A_1381, %broadcast_in_dim3A_1361] : memref<64x128xf32, #tpu.memory_space<vmem>>[vector<16xi32>, vector<16xi32>], vector<16xf32>,
      %add3A_1388 = arith.constant 16 : i32
      %add3A_1389 = vector.broadcast %add3A_1388 : i32 to vector<16xi32>
      %add3A_1390 = arith.addi %iota3A, %add3A_1389 : vector<16xi32>
      tpu.vector_store_idx %arg9[%add3A_1390, %broadcast_in_dim3A_1366], %gather3A_1387 : memref<64x512xf32, #tpu.memory_space<vmem>>[vector<16xi32>, vector<16xi32>], vector<16xf32>,
      %add3A_1391 = arith.constant 32 : i32
      %add3A_1392 = vector.broadcast %add3A_1391 : i32 to vector<16xi32>
      %add3A_1393 = arith.addi %iota3A, %add3A_1392 : vector<16xi32>
      %gather3A_1394 = arith.constant 3 : i32
      %gather3A_1395 = arith.constant 0 : i32
      %gather3A_1396 = arith.constant 0 : i32
      %gather3A_1397 = tpu.memref_slice %arg8[%gather3A_1394, %gather3A_1395, %gather3A_1396] : memref<8x64x128xf32, #tpu.memory_space<vmem>> -> memref<1x64x128xf32, #tpu.memory_space<vmem>>
      %gather3A_1398 = tpu.memref_squeeze %gather3A_1397 : memref<1x64x128xf32, #tpu.memory_space<vmem>> -> memref<64x128xf32, #tpu.memory_space<vmem>>
      %gather3A_1399 = tpu.vector_load_idx %gather3A_1398[%add3A_1393, %broadcast_in_dim3A_1361] : memref<64x128xf32, #tpu.memory_space<vmem>>[vector<16xi32>, vector<16xi32>], vector<16xf32>,
      %add3A_1400 = arith.constant 32 : i32
      %add3A_1401 = vector.broadcast %add3A_1400 : i32 to vector<16xi32>
      %add3A_1402 = arith.addi %iota3A, %add3A_1401 : vector<16xi32>
      tpu.vector_store_idx %arg9[%add3A_1402, %broadcast_in_dim3A_1366], %gather3A_1399 : memref<64x512xf32, #tpu.memory_space<vmem>>[vector<16xi32>, vector<16xi32>], vector<16xf32>,
      %add3A_1403 = arith.constant 48 : i32
      %add3A_1404 = vector.broadcast %add3A_1403 : i32 to vector<16xi32>
      %add3A_1405 = arith.addi %iota3A, %add3A_1404 : vector<16xi32>
      %gather3A_1406 = arith.constant 3 : i32
      %gather3A_1407 = arith.constant 0 : i32
      %gather3A_1408 = arith.constant 0 : i32
      %gather3A_1409 = tpu.memref_slice %arg8[%gather3A_1406, %gather3A_1407, %gather3A_1408] : memref<8x64x128xf32, #tpu.memory_space<vmem>> -> memref<1x64x128xf32, #tpu.memory_space<vmem>>
      %gather3A_1410 = tpu.memref_squeeze %gather3A_1409 : memref<1x64x128xf32, #tpu.memory_space<vmem>> -> memref<64x128xf32, #tpu.memory_space<vmem>>
      %gather3A_1411 = tpu.vector_load_idx %gather3A_1410[%add3A_1405, %broadcast_in_dim3A_1361] : memref<64x128xf32, #tpu.memory_space<vmem>>[vector<16xi32>, vector<16xi32>], vector<16xf32>,
      %add3A_1412 = arith.constant 48 : i32
      %add3A_1413 = vector.broadcast %add3A_1412 : i32 to vector<16xi32>
      %add3A_1414 = arith.addi %iota3A, %add3A_1413 : vector<16xi32>
      tpu.vector_store_idx %arg9[%add3A_1414, %broadcast_in_dim3A_1366], %gather3A_1411 : memref<64x512xf32, #tpu.memory_space<vmem>>[vector<16xi32>, vector<16xi32>], vector<16xf32>,
      %slice3A_1415 = vector.extract_strided_slice %sub3A_319 {offsets = [3], sizes = [1], strides = [1]} : vector<16xi32> to vector<1xi32>
      %squeeze3A_1416 = vector.extract %slice3A_1415[0] : i32 from vector<1xi32>
      %multiple_of3A_1417 = tpu.assume_multiple %squeeze3A_1416, 128 : i32
      %dma_start3A_1418 = arith.constant 3 : i32
      %dma_start3A_1419 = arith.constant 3 : i32
      %dma_start3A_1420 = arith.constant 0 : i32
      %dma_start3A_1421 = arith.constant 0 : i32
      %dma_start3A_1422 = tpu.memref_slice %arg8[%dma_start3A_1418, %dma_start3A_1420, %dma_start3A_1421] : memref<8x64x128xf32, #tpu.memory_space<vmem>> -> memref<1x64x128xf32, #tpu.memory_space<vmem>>
      %dma_start3A_1423 = tpu.memref_squeeze %dma_start3A_1422 : memref<1x64x128xf32, #tpu.memory_space<vmem>> -> memref<64x128xf32, #tpu.memory_space<vmem>>
      %dma_start3A_1424 = arith.constant 0 : i32
      %dma_start3A_1425 = tpu.memref_slice %arg3[%dma_start3A_1424, %multiple_of3A_1417] : memref<64x1000000xf32, #tpu.memory_space<hbm>> -> memref<64x128xf32, #tpu.memory_space<hbm>>
      %dma_start3A_1426 = tpu.memref_slice %arg12[%dma_start3A_1419] : memref<8x!tpu.dma_semaphore, #tpu.memory_space<semaphore_mem>> -> memref<1x!tpu.dma_semaphore, #tpu.memory_space<semaphore_mem>>
      %dma_start3A_1427 = tpu.memref_squeeze %dma_start3A_1426 : memref<1x!tpu.dma_semaphore, #tpu.memory_space<semaphore_mem>> -> memref<!tpu.dma_semaphore, #tpu.memory_space<semaphore_mem>>
      %dma_start3A_1428 = arith.constant 0 : i32
      %dma_start3A_1429 = arith.constant 0 : i32
      %dma_start3A_1430 = tpu.memref_slice %arg8[%dma_start3A_1418, %dma_start3A_1428, %dma_start3A_1429] : memref<8x64x128xf32, #tpu.memory_space<vmem>> -> memref<1x64x128xf32, #tpu.memory_space<vmem>>
      %dma_start3A_1431 = tpu.memref_squeeze %dma_start3A_1430 : memref<1x64x128xf32, #tpu.memory_space<vmem>> -> memref<64x128xf32, #tpu.memory_space<vmem>>
      %dma_start3A_1432 = arith.constant 0 : i32
      %dma_start3A_1433 = tpu.memref_slice %arg3[%dma_start3A_1432, %multiple_of3A_1417] : memref<64x1000000xf32, #tpu.memory_space<hbm>> -> memref<64x128xf32, #tpu.memory_space<hbm>>
      tpu.enqueue_dma source(%dma_start3A_1433 : memref<64x128xf32, #tpu.memory_space<hbm>>) target(%dma_start3A_1431 : memref<64x128xf32, #tpu.memory_space<vmem>>) target_semaphore(%dma_start3A_1427 : memref<!tpu.dma_semaphore, #tpu.memory_space<semaphore_mem>>)
      %dma_wait3A_1434 = arith.constant 4 : i32
      %dma_wait3A_1435 = arith.constant 4 : i32
      %dma_wait3A_1436 = arith.constant 0 : i32
      %dma_wait3A_1437 = arith.constant 0 : i32
      %dma_wait3A_1438 = tpu.memref_slice %arg8[%dma_wait3A_1434, %dma_wait3A_1436, %dma_wait3A_1437] : memref<8x64x128xf32, #tpu.memory_space<vmem>> -> memref<1x64x128xf32, #tpu.memory_space<vmem>>
      %dma_wait3A_1439 = tpu.memref_squeeze %dma_wait3A_1438 : memref<1x64x128xf32, #tpu.memory_space<vmem>> -> memref<64x128xf32, #tpu.memory_space<vmem>>
      %dma_wait3A_1440 = arith.constant 0 : i32
      %dma_wait3A_1441 = arith.constant 0 : i32
      %dma_wait3A_1442 = tpu.memref_slice %arg3[%dma_wait3A_1440, %dma_wait3A_1441] : memref<64x1000000xf32, #tpu.memory_space<hbm>> -> memref<64x128xf32, #tpu.memory_space<hbm>>
      %dma_wait3A_1443 = tpu.memref_slice %arg12[%dma_wait3A_1435] : memref<8x!tpu.dma_semaphore, #tpu.memory_space<semaphore_mem>> -> memref<1x!tpu.dma_semaphore, #tpu.memory_space<semaphore_mem>>
      %dma_wait3A_1444 = tpu.memref_squeeze %dma_wait3A_1443 : memref<1x!tpu.dma_semaphore, #tpu.memory_space<semaphore_mem>> -> memref<!tpu.dma_semaphore, #tpu.memory_space<semaphore_mem>>
      %dma_wait3A_1445 = arith.constant 0 : i32
      %dma_wait3A_1446 = arith.constant 0 : i32
      %dma_wait3A_1447 = tpu.memref_slice %arg8[%dma_wait3A_1434, %dma_wait3A_1445, %dma_wait3A_1446] : memref<8x64x128xf32, #tpu.memory_space<vmem>> -> memref<1x64x128xf32, #tpu.memory_space<vmem>>
      %dma_wait3A_1448 = tpu.memref_squeeze %dma_wait3A_1447 : memref<1x64x128xf32, #tpu.memory_space<vmem>> -> memref<64x128xf32, #tpu.memory_space<vmem>>
      %dma_wait3A_1449 = arith.constant 0 : i32
      %dma_wait3A_1450 = arith.constant 0 : i32
      %dma_wait3A_1451 = tpu.memref_slice %arg3[%dma_wait3A_1449, %dma_wait3A_1450] : memref<64x1000000xf32, #tpu.memory_space<hbm>> -> memref<64x128xf32, #tpu.memory_space<hbm>>
      tpu.wait_dma2 semaphore(%dma_wait3A_1444 : memref<!tpu.dma_semaphore, #tpu.memory_space<semaphore_mem>>) src(%dma_wait3A_1451 : memref<64x128xf32, #tpu.memory_space<hbm>>) dst(%dma_wait3A_1448 : memref<64x128xf32, #tpu.memory_space<vmem>>)
      %slice3A_1452 = vector.extract_strided_slice %scan3A_307 {offsets = [12], sizes = [1], strides = [1]} : vector<16xi32> to vector<1xi32>
      %squeeze3A_1453 = vector.extract %slice3A_1452[0] : i32 from vector<1xi32>
      %broadcast_in_dim3A_1454 = vector.broadcast %squeeze3A_1453 : i32 to vector<16xi32>
      %mul3A_1455 = arith.constant 16 : i32
      %mul3A_1456 = arith.muli %scan3A_306, %mul3A_1455 : i32
      %add3A_1457 = arith.constant 12 : i32
      %add3A_1458 = arith.addi %mul3A_1456, %add3A_1457 : i32
      %broadcast_in_dim3A_1459 = vector.broadcast %add3A_1458 : i32 to vector<16xi32>
      %add3A_1460 = arith.constant 0 : i32
      %add3A_1461 = vector.broadcast %add3A_1460 : i32 to vector<16xi32>
      %add3A_1462 = arith.addi %iota3A, %add3A_1461 : vector<16xi32>
      %gather3A_1463 = arith.constant 4 : i32
      %gather3A_1464 = arith.constant 0 : i32
      %gather3A_1465 = arith.constant 0 : i32
      %gather3A_1466 = tpu.memref_slice %arg8[%gather3A_1463, %gather3A_1464, %gather3A_1465] : memref<8x64x128xf32, #tpu.memory_space<vmem>> -> memref<1x64x128xf32, #tpu.memory_space<vmem>>
      %gather3A_1467 = tpu.memref_squeeze %gather3A_1466 : memref<1x64x128xf32, #tpu.memory_space<vmem>> -> memref<64x128xf32, #tpu.memory_space<vmem>>
      %gather3A_1468 = tpu.vector_load_idx %gather3A_1467[%add3A_1462, %broadcast_in_dim3A_1454] : memref<64x128xf32, #tpu.memory_space<vmem>>[vector<16xi32>, vector<16xi32>], vector<16xf32>,
      %add3A_1469 = arith.constant 0 : i32
      %add3A_1470 = vector.broadcast %add3A_1469 : i32 to vector<16xi32>
      %add3A_1471 = arith.addi %iota3A, %add3A_1470 : vector<16xi32>
      tpu.vector_store_idx %arg9[%add3A_1471, %broadcast_in_dim3A_1459], %gather3A_1468 : memref<64x512xf32, #tpu.memory_space<vmem>>[vector<16xi32>, vector<16xi32>], vector<16xf32>,
      %add3A_1472 = arith.constant 16 : i32
      %add3A_1473 = vector.broadcast %add3A_1472 : i32 to vector<16xi32>
      %add3A_1474 = arith.addi %iota3A, %add3A_1473 : vector<16xi32>
      %gather3A_1475 = arith.constant 4 : i32
      %gather3A_1476 = arith.constant 0 : i32
      %gather3A_1477 = arith.constant 0 : i32
      %gather3A_1478 = tpu.memref_slice %arg8[%gather3A_1475, %gather3A_1476, %gather3A_1477] : memref<8x64x128xf32, #tpu.memory_space<vmem>> -> memref<1x64x128xf32, #tpu.memory_space<vmem>>
      %gather3A_1479 = tpu.memref_squeeze %gather3A_1478 : memref<1x64x128xf32, #tpu.memory_space<vmem>> -> memref<64x128xf32, #tpu.memory_space<vmem>>
      %gather3A_1480 = tpu.vector_load_idx %gather3A_1479[%add3A_1474, %broadcast_in_dim3A_1454] : memref<64x128xf32, #tpu.memory_space<vmem>>[vector<16xi32>, vector<16xi32>], vector<16xf32>,
      %add3A_1481 = arith.constant 16 : i32
      %add3A_1482 = vector.broadcast %add3A_1481 : i32 to vector<16xi32>
      %add3A_1483 = arith.addi %iota3A, %add3A_1482 : vector<16xi32>
      tpu.vector_store_idx %arg9[%add3A_1483, %broadcast_in_dim3A_1459], %gather3A_1480 : memref<64x512xf32, #tpu.memory_space<vmem>>[vector<16xi32>, vector<16xi32>], vector<16xf32>,
      %add3A_1484 = arith.constant 32 : i32
      %add3A_1485 = vector.broadcast %add3A_1484 : i32 to vector<16xi32>
      %add3A_1486 = arith.addi %iota3A, %add3A_1485 : vector<16xi32>
      %gather3A_1487 = arith.constant 4 : i32
      %gather3A_1488 = arith.constant 0 : i32
      %gather3A_1489 = arith.constant 0 : i32
      %gather3A_1490 = tpu.memref_slice %arg8[%gather3A_1487, %gather3A_1488, %gather3A_1489] : memref<8x64x128xf32, #tpu.memory_space<vmem>> -> memref<1x64x128xf32, #tpu.memory_space<vmem>>
      %gather3A_1491 = tpu.memref_squeeze %gather3A_1490 : memref<1x64x128xf32, #tpu.memory_space<vmem>> -> memref<64x128xf32, #tpu.memory_space<vmem>>
      %gather3A_1492 = tpu.vector_load_idx %gather3A_1491[%add3A_1486, %broadcast_in_dim3A_1454] : memref<64x128xf32, #tpu.memory_space<vmem>>[vector<16xi32>, vector<16xi32>], vector<16xf32>,
      %add3A_1493 = arith.constant 32 : i32
      %add3A_1494 = vector.broadcast %add3A_1493 : i32 to vector<16xi32>
      %add3A_1495 = arith.addi %iota3A, %add3A_1494 : vector<16xi32>
      tpu.vector_store_idx %arg9[%add3A_1495, %broadcast_in_dim3A_1459], %gather3A_1492 : memref<64x512xf32, #tpu.memory_space<vmem>>[vector<16xi32>, vector<16xi32>], vector<16xf32>,
      %add3A_1496 = arith.constant 48 : i32
      %add3A_1497 = vector.broadcast %add3A_1496 : i32 to vector<16xi32>
      %add3A_1498 = arith.addi %iota3A, %add3A_1497 : vector<16xi32>
      %gather3A_1499 = arith.constant 4 : i32
      %gather3A_1500 = arith.constant 0 : i32
      %gather3A_1501 = arith.constant 0 : i32
      %gather3A_1502 = tpu.memref_slice %arg8[%gather3A_1499, %gather3A_1500, %gather3A_1501] : memref<8x64x128xf32, #tpu.memory_space<vmem>> -> memref<1x64x128xf32, #tpu.memory_space<vmem>>
      %gather3A_1503 = tpu.memref_squeeze %gather3A_1502 : memref<1x64x128xf32, #tpu.memory_space<vmem>> -> memref<64x128xf32, #tpu.memory_space<vmem>>
      %gather3A_1504 = tpu.vector_load_idx %gather3A_1503[%add3A_1498, %broadcast_in_dim3A_1454] : memref<64x128xf32, #tpu.memory_space<vmem>>[vector<16xi32>, vector<16xi32>], vector<16xf32>,
      %add3A_1505 = arith.constant 48 : i32
      %add3A_1506 = vector.broadcast %add3A_1505 : i32 to vector<16xi32>
      %add3A_1507 = arith.addi %iota3A, %add3A_1506 : vector<16xi32>
      tpu.vector_store_idx %arg9[%add3A_1507, %broadcast_in_dim3A_1459], %gather3A_1504 : memref<64x512xf32, #tpu.memory_space<vmem>>[vector<16xi32>, vector<16xi32>], vector<16xf32>,
      %slice3A_1508 = vector.extract_strided_slice %sub3A_319 {offsets = [4], sizes = [1], strides = [1]} : vector<16xi32> to vector<1xi32>
      %squeeze3A_1509 = vector.extract %slice3A_1508[0] : i32 from vector<1xi32>
      %multiple_of3A_1510 = tpu.assume_multiple %squeeze3A_1509, 128 : i32
      %dma_start3A_1511 = arith.constant 4 : i32
      %dma_start3A_1512 = arith.constant 4 : i32
      %dma_start3A_1513 = arith.constant 0 : i32
      %dma_start3A_1514 = arith.constant 0 : i32
      %dma_start3A_1515 = tpu.memref_slice %arg8[%dma_start3A_1511, %dma_start3A_1513, %dma_start3A_1514] : memref<8x64x128xf32, #tpu.memory_space<vmem>> -> memref<1x64x128xf32, #tpu.memory_space<vmem>>
      %dma_start3A_1516 = tpu.memref_squeeze %dma_start3A_1515 : memref<1x64x128xf32, #tpu.memory_space<vmem>> -> memref<64x128xf32, #tpu.memory_space<vmem>>
      %dma_start3A_1517 = arith.constant 0 : i32
      %dma_start3A_1518 = tpu.memref_slice %arg3[%dma_start3A_1517, %multiple_of3A_1510] : memref<64x1000000xf32, #tpu.memory_space<hbm>> -> memref<64x128xf32, #tpu.memory_space<hbm>>
      %dma_start3A_1519 = tpu.memref_slice %arg12[%dma_start3A_1512] : memref<8x!tpu.dma_semaphore, #tpu.memory_space<semaphore_mem>> -> memref<1x!tpu.dma_semaphore, #tpu.memory_space<semaphore_mem>>
      %dma_start3A_1520 = tpu.memref_squeeze %dma_start3A_1519 : memref<1x!tpu.dma_semaphore, #tpu.memory_space<semaphore_mem>> -> memref<!tpu.dma_semaphore, #tpu.memory_space<semaphore_mem>>
      %dma_start3A_1521 = arith.constant 0 : i32
      %dma_start3A_1522 = arith.constant 0 : i32
      %dma_start3A_1523 = tpu.memref_slice %arg8[%dma_start3A_1511, %dma_start3A_1521, %dma_start3A_1522] : memref<8x64x128xf32, #tpu.memory_space<vmem>> -> memref<1x64x128xf32, #tpu.memory_space<vmem>>
      %dma_start3A_1524 = tpu.memref_squeeze %dma_start3A_1523 : memref<1x64x128xf32, #tpu.memory_space<vmem>> -> memref<64x128xf32, #tpu.memory_space<vmem>>
      %dma_start3A_1525 = arith.constant 0 : i32
      %dma_start3A_1526 = tpu.memref_slice %arg3[%dma_start3A_1525, %multiple_of3A_1510] : memref<64x1000000xf32, #tpu.memory_space<hbm>> -> memref<64x128xf32, #tpu.memory_space<hbm>>
      tpu.enqueue_dma source(%dma_start3A_1526 : memref<64x128xf32, #tpu.memory_space<hbm>>) target(%dma_start3A_1524 : memref<64x128xf32, #tpu.memory_space<vmem>>) target_semaphore(%dma_start3A_1520 : memref<!tpu.dma_semaphore, #tpu.memory_space<semaphore_mem>>)
      %dma_wait3A_1527 = arith.constant 5 : i32
      %dma_wait3A_1528 = arith.constant 5 : i32
      %dma_wait3A_1529 = arith.constant 0 : i32
      %dma_wait3A_1530 = arith.constant 0 : i32
      %dma_wait3A_1531 = tpu.memref_slice %arg8[%dma_wait3A_1527, %dma_wait3A_1529, %dma_wait3A_1530] : memref<8x64x128xf32, #tpu.memory_space<vmem>> -> memref<1x64x128xf32, #tpu.memory_space<vmem>>
      %dma_wait3A_1532 = tpu.memref_squeeze %dma_wait3A_1531 : memref<1x64x128xf32, #tpu.memory_space<vmem>> -> memref<64x128xf32, #tpu.memory_space<vmem>>
      %dma_wait3A_1533 = arith.constant 0 : i32
      %dma_wait3A_1534 = arith.constant 0 : i32
      %dma_wait3A_1535 = tpu.memref_slice %arg3[%dma_wait3A_1533, %dma_wait3A_1534] : memref<64x1000000xf32, #tpu.memory_space<hbm>> -> memref<64x128xf32, #tpu.memory_space<hbm>>
      %dma_wait3A_1536 = tpu.memref_slice %arg12[%dma_wait3A_1528] : memref<8x!tpu.dma_semaphore, #tpu.memory_space<semaphore_mem>> -> memref<1x!tpu.dma_semaphore, #tpu.memory_space<semaphore_mem>>
      %dma_wait3A_1537 = tpu.memref_squeeze %dma_wait3A_1536 : memref<1x!tpu.dma_semaphore, #tpu.memory_space<semaphore_mem>> -> memref<!tpu.dma_semaphore, #tpu.memory_space<semaphore_mem>>
      %dma_wait3A_1538 = arith.constant 0 : i32
      %dma_wait3A_1539 = arith.constant 0 : i32
      %dma_wait3A_1540 = tpu.memref_slice %arg8[%dma_wait3A_1527, %dma_wait3A_1538, %dma_wait3A_1539] : memref<8x64x128xf32, #tpu.memory_space<vmem>> -> memref<1x64x128xf32, #tpu.memory_space<vmem>>
      %dma_wait3A_1541 = tpu.memref_squeeze %dma_wait3A_1540 : memref<1x64x128xf32, #tpu.memory_space<vmem>> -> memref<64x128xf32, #tpu.memory_space<vmem>>
      %dma_wait3A_1542 = arith.constant 0 : i32
      %dma_wait3A_1543 = arith.constant 0 : i32
      %dma_wait3A_1544 = tpu.memref_slice %arg3[%dma_wait3A_1542, %dma_wait3A_1543] : memref<64x1000000xf32, #tpu.memory_space<hbm>> -> memref<64x128xf32, #tpu.memory_space<hbm>>
      tpu.wait_dma2 semaphore(%dma_wait3A_1537 : memref<!tpu.dma_semaphore, #tpu.memory_space<semaphore_mem>>) src(%dma_wait3A_1544 : memref<64x128xf32, #tpu.memory_space<hbm>>) dst(%dma_wait3A_1541 : memref<64x128xf32, #tpu.memory_space<vmem>>)
      %slice3A_1545 = vector.extract_strided_slice %scan3A_307 {offsets = [13], sizes = [1], strides = [1]} : vector<16xi32> to vector<1xi32>
      %squeeze3A_1546 = vector.extract %slice3A_1545[0] : i32 from vector<1xi32>
      %broadcast_in_dim3A_1547 = vector.broadcast %squeeze3A_1546 : i32 to vector<16xi32>
      %mul3A_1548 = arith.constant 16 : i32
      %mul3A_1549 = arith.muli %scan3A_306, %mul3A_1548 : i32
      %add3A_1550 = arith.constant 13 : i32
      %add3A_1551 = arith.addi %mul3A_1549, %add3A_1550 : i32
      %broadcast_in_dim3A_1552 = vector.broadcast %add3A_1551 : i32 to vector<16xi32>
      %add3A_1553 = arith.constant 0 : i32
      %add3A_1554 = vector.broadcast %add3A_1553 : i32 to vector<16xi32>
      %add3A_1555 = arith.addi %iota3A, %add3A_1554 : vector<16xi32>
      %gather3A_1556 = arith.constant 5 : i32
      %gather3A_1557 = arith.constant 0 : i32
      %gather3A_1558 = arith.constant 0 : i32
      %gather3A_1559 = tpu.memref_slice %arg8[%gather3A_1556, %gather3A_1557, %gather3A_1558] : memref<8x64x128xf32, #tpu.memory_space<vmem>> -> memref<1x64x128xf32, #tpu.memory_space<vmem>>
      %gather3A_1560 = tpu.memref_squeeze %gather3A_1559 : memref<1x64x128xf32, #tpu.memory_space<vmem>> -> memref<64x128xf32, #tpu.memory_space<vmem>>
      %gather3A_1561 = tpu.vector_load_idx %gather3A_1560[%add3A_1555, %broadcast_in_dim3A_1547] : memref<64x128xf32, #tpu.memory_space<vmem>>[vector<16xi32>, vector<16xi32>], vector<16xf32>,
      %add3A_1562 = arith.constant 0 : i32
      %add3A_1563 = vector.broadcast %add3A_1562 : i32 to vector<16xi32>
      %add3A_1564 = arith.addi %iota3A, %add3A_1563 : vector<16xi32>
      tpu.vector_store_idx %arg9[%add3A_1564, %broadcast_in_dim3A_1552], %gather3A_1561 : memref<64x512xf32, #tpu.memory_space<vmem>>[vector<16xi32>, vector<16xi32>], vector<16xf32>,
      %add3A_1565 = arith.constant 16 : i32
      %add3A_1566 = vector.broadcast %add3A_1565 : i32 to vector<16xi32>
      %add3A_1567 = arith.addi %iota3A, %add3A_1566 : vector<16xi32>
      %gather3A_1568 = arith.constant 5 : i32
      %gather3A_1569 = arith.constant 0 : i32
      %gather3A_1570 = arith.constant 0 : i32
      %gather3A_1571 = tpu.memref_slice %arg8[%gather3A_1568, %gather3A_1569, %gather3A_1570] : memref<8x64x128xf32, #tpu.memory_space<vmem>> -> memref<1x64x128xf32, #tpu.memory_space<vmem>>
      %gather3A_1572 = tpu.memref_squeeze %gather3A_1571 : memref<1x64x128xf32, #tpu.memory_space<vmem>> -> memref<64x128xf32, #tpu.memory_space<vmem>>
      %gather3A_1573 = tpu.vector_load_idx %gather3A_1572[%add3A_1567, %broadcast_in_dim3A_1547] : memref<64x128xf32, #tpu.memory_space<vmem>>[vector<16xi32>, vector<16xi32>], vector<16xf32>,
      %add3A_1574 = arith.constant 16 : i32
      %add3A_1575 = vector.broadcast %add3A_1574 : i32 to vector<16xi32>
      %add3A_1576 = arith.addi %iota3A, %add3A_1575 : vector<16xi32>
      tpu.vector_store_idx %arg9[%add3A_1576, %broadcast_in_dim3A_1552], %gather3A_1573 : memref<64x512xf32, #tpu.memory_space<vmem>>[vector<16xi32>, vector<16xi32>], vector<16xf32>,
      %add3A_1577 = arith.constant 32 : i32
      %add3A_1578 = vector.broadcast %add3A_1577 : i32 to vector<16xi32>
      %add3A_1579 = arith.addi %iota3A, %add3A_1578 : vector<16xi32>
      %gather3A_1580 = arith.constant 5 : i32
      %gather3A_1581 = arith.constant 0 : i32
      %gather3A_1582 = arith.constant 0 : i32
      %gather3A_1583 = tpu.memref_slice %arg8[%gather3A_1580, %gather3A_1581, %gather3A_1582] : memref<8x64x128xf32, #tpu.memory_space<vmem>> -> memref<1x64x128xf32, #tpu.memory_space<vmem>>
      %gather3A_1584 = tpu.memref_squeeze %gather3A_1583 : memref<1x64x128xf32, #tpu.memory_space<vmem>> -> memref<64x128xf32, #tpu.memory_space<vmem>>
      %gather3A_1585 = tpu.vector_load_idx %gather3A_1584[%add3A_1579, %broadcast_in_dim3A_1547] : memref<64x128xf32, #tpu.memory_space<vmem>>[vector<16xi32>, vector<16xi32>], vector<16xf32>,
      %add3A_1586 = arith.constant 32 : i32
      %add3A_1587 = vector.broadcast %add3A_1586 : i32 to vector<16xi32>
      %add3A_1588 = arith.addi %iota3A, %add3A_1587 : vector<16xi32>
      tpu.vector_store_idx %arg9[%add3A_1588, %broadcast_in_dim3A_1552], %gather3A_1585 : memref<64x512xf32, #tpu.memory_space<vmem>>[vector<16xi32>, vector<16xi32>], vector<16xf32>,
      %add3A_1589 = arith.constant 48 : i32
      %add3A_1590 = vector.broadcast %add3A_1589 : i32 to vector<16xi32>
      %add3A_1591 = arith.addi %iota3A, %add3A_1590 : vector<16xi32>
      %gather3A_1592 = arith.constant 5 : i32
      %gather3A_1593 = arith.constant 0 : i32
      %gather3A_1594 = arith.constant 0 : i32
      %gather3A_1595 = tpu.memref_slice %arg8[%gather3A_1592, %gather3A_1593, %gather3A_1594] : memref<8x64x128xf32, #tpu.memory_space<vmem>> -> memref<1x64x128xf32, #tpu.memory_space<vmem>>
      %gather3A_1596 = tpu.memref_squeeze %gather3A_1595 : memref<1x64x128xf32, #tpu.memory_space<vmem>> -> memref<64x128xf32, #tpu.memory_space<vmem>>
      %gather3A_1597 = tpu.vector_load_idx %gather3A_1596[%add3A_1591, %broadcast_in_dim3A_1547] : memref<64x128xf32, #tpu.memory_space<vmem>>[vector<16xi32>, vector<16xi32>], vector<16xf32>,
      %add3A_1598 = arith.constant 48 : i32
      %add3A_1599 = vector.broadcast %add3A_1598 : i32 to vector<16xi32>
      %add3A_1600 = arith.addi %iota3A, %add3A_1599 : vector<16xi32>
      tpu.vector_store_idx %arg9[%add3A_1600, %broadcast_in_dim3A_1552], %gather3A_1597 : memref<64x512xf32, #tpu.memory_space<vmem>>[vector<16xi32>, vector<16xi32>], vector<16xf32>,
      %slice3A_1601 = vector.extract_strided_slice %sub3A_319 {offsets = [5], sizes = [1], strides = [1]} : vector<16xi32> to vector<1xi32>
      %squeeze3A_1602 = vector.extract %slice3A_1601[0] : i32 from vector<1xi32>
      %multiple_of3A_1603 = tpu.assume_multiple %squeeze3A_1602, 128 : i32
      %dma_start3A_1604 = arith.constant 5 : i32
      %dma_start3A_1605 = arith.constant 5 : i32
      %dma_start3A_1606 = arith.constant 0 : i32
      %dma_start3A_1607 = arith.constant 0 : i32
      %dma_start3A_1608 = tpu.memref_slice %arg8[%dma_start3A_1604, %dma_start3A_1606, %dma_start3A_1607] : memref<8x64x128xf32, #tpu.memory_space<vmem>> -> memref<1x64x128xf32, #tpu.memory_space<vmem>>
      %dma_start3A_1609 = tpu.memref_squeeze %dma_start3A_1608 : memref<1x64x128xf32, #tpu.memory_space<vmem>> -> memref<64x128xf32, #tpu.memory_space<vmem>>
      %dma_start3A_1610 = arith.constant 0 : i32
      %dma_start3A_1611 = tpu.memref_slice %arg3[%dma_start3A_1610, %multiple_of3A_1603] : memref<64x1000000xf32, #tpu.memory_space<hbm>> -> memref<64x128xf32, #tpu.memory_space<hbm>>
      %dma_start3A_1612 = tpu.memref_slice %arg12[%dma_start3A_1605] : memref<8x!tpu.dma_semaphore, #tpu.memory_space<semaphore_mem>> -> memref<1x!tpu.dma_semaphore, #tpu.memory_space<semaphore_mem>>
      %dma_start3A_1613 = tpu.memref_squeeze %dma_start3A_1612 : memref<1x!tpu.dma_semaphore, #tpu.memory_space<semaphore_mem>> -> memref<!tpu.dma_semaphore, #tpu.memory_space<semaphore_mem>>
      %dma_start3A_1614 = arith.constant 0 : i32
      %dma_start3A_1615 = arith.constant 0 : i32
      %dma_start3A_1616 = tpu.memref_slice %arg8[%dma_start3A_1604, %dma_start3A_1614, %dma_start3A_1615] : memref<8x64x128xf32, #tpu.memory_space<vmem>> -> memref<1x64x128xf32, #tpu.memory_space<vmem>>
      %dma_start3A_1617 = tpu.memref_squeeze %dma_start3A_1616 : memref<1x64x128xf32, #tpu.memory_space<vmem>> -> memref<64x128xf32, #tpu.memory_space<vmem>>
      %dma_start3A_1618 = arith.constant 0 : i32
      %dma_start3A_1619 = tpu.memref_slice %arg3[%dma_start3A_1618, %multiple_of3A_1603] : memref<64x1000000xf32, #tpu.memory_space<hbm>> -> memref<64x128xf32, #tpu.memory_space<hbm>>
      tpu.enqueue_dma source(%dma_start3A_1619 : memref<64x128xf32, #tpu.memory_space<hbm>>) target(%dma_start3A_1617 : memref<64x128xf32, #tpu.memory_space<vmem>>) target_semaphore(%dma_start3A_1613 : memref<!tpu.dma_semaphore, #tpu.memory_space<semaphore_mem>>)
      %dma_wait3A_1620 = arith.constant 6 : i32
      %dma_wait3A_1621 = arith.constant 6 : i32
      %dma_wait3A_1622 = arith.constant 0 : i32
      %dma_wait3A_1623 = arith.constant 0 : i32
      %dma_wait3A_1624 = tpu.memref_slice %arg8[%dma_wait3A_1620, %dma_wait3A_1622, %dma_wait3A_1623] : memref<8x64x128xf32, #tpu.memory_space<vmem>> -> memref<1x64x128xf32, #tpu.memory_space<vmem>>
      %dma_wait3A_1625 = tpu.memref_squeeze %dma_wait3A_1624 : memref<1x64x128xf32, #tpu.memory_space<vmem>> -> memref<64x128xf32, #tpu.memory_space<vmem>>
      %dma_wait3A_1626 = arith.constant 0 : i32
      %dma_wait3A_1627 = arith.constant 0 : i32
      %dma_wait3A_1628 = tpu.memref_slice %arg3[%dma_wait3A_1626, %dma_wait3A_1627] : memref<64x1000000xf32, #tpu.memory_space<hbm>> -> memref<64x128xf32, #tpu.memory_space<hbm>>
      %dma_wait3A_1629 = tpu.memref_slice %arg12[%dma_wait3A_1621] : memref<8x!tpu.dma_semaphore, #tpu.memory_space<semaphore_mem>> -> memref<1x!tpu.dma_semaphore, #tpu.memory_space<semaphore_mem>>
      %dma_wait3A_1630 = tpu.memref_squeeze %dma_wait3A_1629 : memref<1x!tpu.dma_semaphore, #tpu.memory_space<semaphore_mem>> -> memref<!tpu.dma_semaphore, #tpu.memory_space<semaphore_mem>>
      %dma_wait3A_1631 = arith.constant 0 : i32
      %dma_wait3A_1632 = arith.constant 0 : i32
      %dma_wait3A_1633 = tpu.memref_slice %arg8[%dma_wait3A_1620, %dma_wait3A_1631, %dma_wait3A_1632] : memref<8x64x128xf32, #tpu.memory_space<vmem>> -> memref<1x64x128xf32, #tpu.memory_space<vmem>>
      %dma_wait3A_1634 = tpu.memref_squeeze %dma_wait3A_1633 : memref<1x64x128xf32, #tpu.memory_space<vmem>> -> memref<64x128xf32, #tpu.memory_space<vmem>>
      %dma_wait3A_1635 = arith.constant 0 : i32
      %dma_wait3A_1636 = arith.constant 0 : i32
      %dma_wait3A_1637 = tpu.memref_slice %arg3[%dma_wait3A_1635, %dma_wait3A_1636] : memref<64x1000000xf32, #tpu.memory_space<hbm>> -> memref<64x128xf32, #tpu.memory_space<hbm>>
      tpu.wait_dma2 semaphore(%dma_wait3A_1630 : memref<!tpu.dma_semaphore, #tpu.memory_space<semaphore_mem>>) src(%dma_wait3A_1637 : memref<64x128xf32, #tpu.memory_space<hbm>>) dst(%dma_wait3A_1634 : memref<64x128xf32, #tpu.memory_space<vmem>>)
      %slice3A_1638 = vector.extract_strided_slice %scan3A_307 {offsets = [14], sizes = [1], strides = [1]} : vector<16xi32> to vector<1xi32>
      %squeeze3A_1639 = vector.extract %slice3A_1638[0] : i32 from vector<1xi32>
      %broadcast_in_dim3A_1640 = vector.broadcast %squeeze3A_1639 : i32 to vector<16xi32>
      %mul3A_1641 = arith.constant 16 : i32
      %mul3A_1642 = arith.muli %scan3A_306, %mul3A_1641 : i32
      %add3A_1643 = arith.constant 14 : i32
      %add3A_1644 = arith.addi %mul3A_1642, %add3A_1643 : i32
      %broadcast_in_dim3A_1645 = vector.broadcast %add3A_1644 : i32 to vector<16xi32>
      %add3A_1646 = arith.constant 0 : i32
      %add3A_1647 = vector.broadcast %add3A_1646 : i32 to vector<16xi32>
      %add3A_1648 = arith.addi %iota3A, %add3A_1647 : vector<16xi32>
      %gather3A_1649 = arith.constant 6 : i32
      %gather3A_1650 = arith.constant 0 : i32
      %gather3A_1651 = arith.constant 0 : i32
      %gather3A_1652 = tpu.memref_slice %arg8[%gather3A_1649, %gather3A_1650, %gather3A_1651] : memref<8x64x128xf32, #tpu.memory_space<vmem>> -> memref<1x64x128xf32, #tpu.memory_space<vmem>>
      %gather3A_1653 = tpu.memref_squeeze %gather3A_1652 : memref<1x64x128xf32, #tpu.memory_space<vmem>> -> memref<64x128xf32, #tpu.memory_space<vmem>>
      %gather3A_1654 = tpu.vector_load_idx %gather3A_1653[%add3A_1648, %broadcast_in_dim3A_1640] : memref<64x128xf32, #tpu.memory_space<vmem>>[vector<16xi32>, vector<16xi32>], vector<16xf32>,
      %add3A_1655 = arith.constant 0 : i32
      %add3A_1656 = vector.broadcast %add3A_1655 : i32 to vector<16xi32>
      %add3A_1657 = arith.addi %iota3A, %add3A_1656 : vector<16xi32>
      tpu.vector_store_idx %arg9[%add3A_1657, %broadcast_in_dim3A_1645], %gather3A_1654 : memref<64x512xf32, #tpu.memory_space<vmem>>[vector<16xi32>, vector<16xi32>], vector<16xf32>,
      %add3A_1658 = arith.constant 16 : i32
      %add3A_1659 = vector.broadcast %add3A_1658 : i32 to vector<16xi32>
      %add3A_1660 = arith.addi %iota3A, %add3A_1659 : vector<16xi32>
      %gather3A_1661 = arith.constant 6 : i32
      %gather3A_1662 = arith.constant 0 : i32
      %gather3A_1663 = arith.constant 0 : i32
      %gather3A_1664 = tpu.memref_slice %arg8[%gather3A_1661, %gather3A_1662, %gather3A_1663] : memref<8x64x128xf32, #tpu.memory_space<vmem>> -> memref<1x64x128xf32, #tpu.memory_space<vmem>>
      %gather3A_1665 = tpu.memref_squeeze %gather3A_1664 : memref<1x64x128xf32, #tpu.memory_space<vmem>> -> memref<64x128xf32, #tpu.memory_space<vmem>>
      %gather3A_1666 = tpu.vector_load_idx %gather3A_1665[%add3A_1660, %broadcast_in_dim3A_1640] : memref<64x128xf32, #tpu.memory_space<vmem>>[vector<16xi32>, vector<16xi32>], vector<16xf32>,
      %add3A_1667 = arith.constant 16 : i32
      %add3A_1668 = vector.broadcast %add3A_1667 : i32 to vector<16xi32>
      %add3A_1669 = arith.addi %iota3A, %add3A_1668 : vector<16xi32>
      tpu.vector_store_idx %arg9[%add3A_1669, %broadcast_in_dim3A_1645], %gather3A_1666 : memref<64x512xf32, #tpu.memory_space<vmem>>[vector<16xi32>, vector<16xi32>], vector<16xf32>,
      %add3A_1670 = arith.constant 32 : i32
      %add3A_1671 = vector.broadcast %add3A_1670 : i32 to vector<16xi32>
      %add3A_1672 = arith.addi %iota3A, %add3A_1671 : vector<16xi32>
      %gather3A_1673 = arith.constant 6 : i32
      %gather3A_1674 = arith.constant 0 : i32
      %gather3A_1675 = arith.constant 0 : i32
      %gather3A_1676 = tpu.memref_slice %arg8[%gather3A_1673, %gather3A_1674, %gather3A_1675] : memref<8x64x128xf32, #tpu.memory_space<vmem>> -> memref<1x64x128xf32, #tpu.memory_space<vmem>>
      %gather3A_1677 = tpu.memref_squeeze %gather3A_1676 : memref<1x64x128xf32, #tpu.memory_space<vmem>> -> memref<64x128xf32, #tpu.memory_space<vmem>>
      %gather3A_1678 = tpu.vector_load_idx %gather3A_1677[%add3A_1672, %broadcast_in_dim3A_1640] : memref<64x128xf32, #tpu.memory_space<vmem>>[vector<16xi32>, vector<16xi32>], vector<16xf32>,
      %add3A_1679 = arith.constant 32 : i32
      %add3A_1680 = vector.broadcast %add3A_1679 : i32 to vector<16xi32>
      %add3A_1681 = arith.addi %iota3A, %add3A_1680 : vector<16xi32>
      tpu.vector_store_idx %arg9[%add3A_1681, %broadcast_in_dim3A_1645], %gather3A_1678 : memref<64x512xf32, #tpu.memory_space<vmem>>[vector<16xi32>, vector<16xi32>], vector<16xf32>,
      %add3A_1682 = arith.constant 48 : i32
      %add3A_1683 = vector.broadcast %add3A_1682 : i32 to vector<16xi32>
      %add3A_1684 = arith.addi %iota3A, %add3A_1683 : vector<16xi32>
      %gather3A_1685 = arith.constant 6 : i32
      %gather3A_1686 = arith.constant 0 : i32
      %gather3A_1687 = arith.constant 0 : i32
      %gather3A_1688 = tpu.memref_slice %arg8[%gather3A_1685, %gather3A_1686, %gather3A_1687] : memref<8x64x128xf32, #tpu.memory_space<vmem>> -> memref<1x64x128xf32, #tpu.memory_space<vmem>>
      %gather3A_1689 = tpu.memref_squeeze %gather3A_1688 : memref<1x64x128xf32, #tpu.memory_space<vmem>> -> memref<64x128xf32, #tpu.memory_space<vmem>>
      %gather3A_1690 = tpu.vector_load_idx %gather3A_1689[%add3A_1684, %broadcast_in_dim3A_1640] : memref<64x128xf32, #tpu.memory_space<vmem>>[vector<16xi32>, vector<16xi32>], vector<16xf32>,
      %add3A_1691 = arith.constant 48 : i32
      %add3A_1692 = vector.broadcast %add3A_1691 : i32 to vector<16xi32>
      %add3A_1693 = arith.addi %iota3A, %add3A_1692 : vector<16xi32>
      tpu.vector_store_idx %arg9[%add3A_1693, %broadcast_in_dim3A_1645], %gather3A_1690 : memref<64x512xf32, #tpu.memory_space<vmem>>[vector<16xi32>, vector<16xi32>], vector<16xf32>,
      %slice3A_1694 = vector.extract_strided_slice %sub3A_319 {offsets = [6], sizes = [1], strides = [1]} : vector<16xi32> to vector<1xi32>
      %squeeze3A_1695 = vector.extract %slice3A_1694[0] : i32 from vector<1xi32>
      %multiple_of3A_1696 = tpu.assume_multiple %squeeze3A_1695, 128 : i32
      %dma_start3A_1697 = arith.constant 6 : i32
      %dma_start3A_1698 = arith.constant 6 : i32
      %dma_start3A_1699 = arith.constant 0 : i32
      %dma_start3A_1700 = arith.constant 0 : i32
      %dma_start3A_1701 = tpu.memref_slice %arg8[%dma_start3A_1697, %dma_start3A_1699, %dma_start3A_1700] : memref<8x64x128xf32, #tpu.memory_space<vmem>> -> memref<1x64x128xf32, #tpu.memory_space<vmem>>
      %dma_start3A_1702 = tpu.memref_squeeze %dma_start3A_1701 : memref<1x64x128xf32, #tpu.memory_space<vmem>> -> memref<64x128xf32, #tpu.memory_space<vmem>>
      %dma_start3A_1703 = arith.constant 0 : i32
      %dma_start3A_1704 = tpu.memref_slice %arg3[%dma_start3A_1703, %multiple_of3A_1696] : memref<64x1000000xf32, #tpu.memory_space<hbm>> -> memref<64x128xf32, #tpu.memory_space<hbm>>
      %dma_start3A_1705 = tpu.memref_slice %arg12[%dma_start3A_1698] : memref<8x!tpu.dma_semaphore, #tpu.memory_space<semaphore_mem>> -> memref<1x!tpu.dma_semaphore, #tpu.memory_space<semaphore_mem>>
      %dma_start3A_1706 = tpu.memref_squeeze %dma_start3A_1705 : memref<1x!tpu.dma_semaphore, #tpu.memory_space<semaphore_mem>> -> memref<!tpu.dma_semaphore, #tpu.memory_space<semaphore_mem>>
      %dma_start3A_1707 = arith.constant 0 : i32
      %dma_start3A_1708 = arith.constant 0 : i32
      %dma_start3A_1709 = tpu.memref_slice %arg8[%dma_start3A_1697, %dma_start3A_1707, %dma_start3A_1708] : memref<8x64x128xf32, #tpu.memory_space<vmem>> -> memref<1x64x128xf32, #tpu.memory_space<vmem>>
      %dma_start3A_1710 = tpu.memref_squeeze %dma_start3A_1709 : memref<1x64x128xf32, #tpu.memory_space<vmem>> -> memref<64x128xf32, #tpu.memory_space<vmem>>
      %dma_start3A_1711 = arith.constant 0 : i32
      %dma_start3A_1712 = tpu.memref_slice %arg3[%dma_start3A_1711, %multiple_of3A_1696] : memref<64x1000000xf32, #tpu.memory_space<hbm>> -> memref<64x128xf32, #tpu.memory_space<hbm>>
      tpu.enqueue_dma source(%dma_start3A_1712 : memref<64x128xf32, #tpu.memory_space<hbm>>) target(%dma_start3A_1710 : memref<64x128xf32, #tpu.memory_space<vmem>>) target_semaphore(%dma_start3A_1706 : memref<!tpu.dma_semaphore, #tpu.memory_space<semaphore_mem>>)
      %dma_wait3A_1713 = arith.constant 7 : i32
      %dma_wait3A_1714 = arith.constant 7 : i32
      %dma_wait3A_1715 = arith.constant 0 : i32
      %dma_wait3A_1716 = arith.constant 0 : i32
      %dma_wait3A_1717 = tpu.memref_slice %arg8[%dma_wait3A_1713, %dma_wait3A_1715, %dma_wait3A_1716] : memref<8x64x128xf32, #tpu.memory_space<vmem>> -> memref<1x64x128xf32, #tpu.memory_space<vmem>>
      %dma_wait3A_1718 = tpu.memref_squeeze %dma_wait3A_1717 : memref<1x64x128xf32, #tpu.memory_space<vmem>> -> memref<64x128xf32, #tpu.memory_space<vmem>>
      %dma_wait3A_1719 = arith.constant 0 : i32
      %dma_wait3A_1720 = arith.constant 0 : i32
      %dma_wait3A_1721 = tpu.memref_slice %arg3[%dma_wait3A_1719, %dma_wait3A_1720] : memref<64x1000000xf32, #tpu.memory_space<hbm>> -> memref<64x128xf32, #tpu.memory_space<hbm>>
      %dma_wait3A_1722 = tpu.memref_slice %arg12[%dma_wait3A_1714] : memref<8x!tpu.dma_semaphore, #tpu.memory_space<semaphore_mem>> -> memref<1x!tpu.dma_semaphore, #tpu.memory_space<semaphore_mem>>
      %dma_wait3A_1723 = tpu.memref_squeeze %dma_wait3A_1722 : memref<1x!tpu.dma_semaphore, #tpu.memory_space<semaphore_mem>> -> memref<!tpu.dma_semaphore, #tpu.memory_space<semaphore_mem>>
      %dma_wait3A_1724 = arith.constant 0 : i32
      %dma_wait3A_1725 = arith.constant 0 : i32
      %dma_wait3A_1726 = tpu.memref_slice %arg8[%dma_wait3A_1713, %dma_wait3A_1724, %dma_wait3A_1725] : memref<8x64x128xf32, #tpu.memory_space<vmem>> -> memref<1x64x128xf32, #tpu.memory_space<vmem>>
      %dma_wait3A_1727 = tpu.memref_squeeze %dma_wait3A_1726 : memref<1x64x128xf32, #tpu.memory_space<vmem>> -> memref<64x128xf32, #tpu.memory_space<vmem>>
      %dma_wait3A_1728 = arith.constant 0 : i32
      %dma_wait3A_1729 = arith.constant 0 : i32
      %dma_wait3A_1730 = tpu.memref_slice %arg3[%dma_wait3A_1728, %dma_wait3A_1729] : memref<64x1000000xf32, #tpu.memory_space<hbm>> -> memref<64x128xf32, #tpu.memory_space<hbm>>
      tpu.wait_dma2 semaphore(%dma_wait3A_1723 : memref<!tpu.dma_semaphore, #tpu.memory_space<semaphore_mem>>) src(%dma_wait3A_1730 : memref<64x128xf32, #tpu.memory_space<hbm>>) dst(%dma_wait3A_1727 : memref<64x128xf32, #tpu.memory_space<vmem>>)
      %slice3A_1731 = vector.extract_strided_slice %scan3A_307 {offsets = [15], sizes = [1], strides = [1]} : vector<16xi32> to vector<1xi32>
      %squeeze3A_1732 = vector.extract %slice3A_1731[0] : i32 from vector<1xi32>
      %broadcast_in_dim3A_1733 = vector.broadcast %squeeze3A_1732 : i32 to vector<16xi32>
      %mul3A_1734 = arith.constant 16 : i32
      %mul3A_1735 = arith.muli %scan3A_306, %mul3A_1734 : i32
      %add3A_1736 = arith.constant 15 : i32
      %add3A_1737 = arith.addi %mul3A_1735, %add3A_1736 : i32
      %broadcast_in_dim3A_1738 = vector.broadcast %add3A_1737 : i32 to vector<16xi32>
      %add3A_1739 = arith.constant 0 : i32
      %add3A_1740 = vector.broadcast %add3A_1739 : i32 to vector<16xi32>
      %add3A_1741 = arith.addi %iota3A, %add3A_1740 : vector<16xi32>
      %gather3A_1742 = arith.constant 7 : i32
      %gather3A_1743 = arith.constant 0 : i32
      %gather3A_1744 = arith.constant 0 : i32
      %gather3A_1745 = tpu.memref_slice %arg8[%gather3A_1742, %gather3A_1743, %gather3A_1744] : memref<8x64x128xf32, #tpu.memory_space<vmem>> -> memref<1x64x128xf32, #tpu.memory_space<vmem>>
      %gather3A_1746 = tpu.memref_squeeze %gather3A_1745 : memref<1x64x128xf32, #tpu.memory_space<vmem>> -> memref<64x128xf32, #tpu.memory_space<vmem>>
      %gather3A_1747 = tpu.vector_load_idx %gather3A_1746[%add3A_1741, %broadcast_in_dim3A_1733] : memref<64x128xf32, #tpu.memory_space<vmem>>[vector<16xi32>, vector<16xi32>], vector<16xf32>,
      %add3A_1748 = arith.constant 0 : i32
      %add3A_1749 = vector.broadcast %add3A_1748 : i32 to vector<16xi32>
      %add3A_1750 = arith.addi %iota3A, %add3A_1749 : vector<16xi32>
      tpu.vector_store_idx %arg9[%add3A_1750, %broadcast_in_dim3A_1738], %gather3A_1747 : memref<64x512xf32, #tpu.memory_space<vmem>>[vector<16xi32>, vector<16xi32>], vector<16xf32>,
      %add3A_1751 = arith.constant 16 : i32
      %add3A_1752 = vector.broadcast %add3A_1751 : i32 to vector<16xi32>
      %add3A_1753 = arith.addi %iota3A, %add3A_1752 : vector<16xi32>
      %gather3A_1754 = arith.constant 7 : i32
      %gather3A_1755 = arith.constant 0 : i32
      %gather3A_1756 = arith.constant 0 : i32
      %gather3A_1757 = tpu.memref_slice %arg8[%gather3A_1754, %gather3A_1755, %gather3A_1756] : memref<8x64x128xf32, #tpu.memory_space<vmem>> -> memref<1x64x128xf32, #tpu.memory_space<vmem>>
      %gather3A_1758 = tpu.memref_squeeze %gather3A_1757 : memref<1x64x128xf32, #tpu.memory_space<vmem>> -> memref<64x128xf32, #tpu.memory_space<vmem>>
      %gather3A_1759 = tpu.vector_load_idx %gather3A_1758[%add3A_1753, %broadcast_in_dim3A_1733] : memref<64x128xf32, #tpu.memory_space<vmem>>[vector<16xi32>, vector<16xi32>], vector<16xf32>,
      %add3A_1760 = arith.constant 16 : i32
      %add3A_1761 = vector.broadcast %add3A_1760 : i32 to vector<16xi32>
      %add3A_1762 = arith.addi %iota3A, %add3A_1761 : vector<16xi32>
      tpu.vector_store_idx %arg9[%add3A_1762, %broadcast_in_dim3A_1738], %gather3A_1759 : memref<64x512xf32, #tpu.memory_space<vmem>>[vector<16xi32>, vector<16xi32>], vector<16xf32>,
      %add3A_1763 = arith.constant 32 : i32
      %add3A_1764 = vector.broadcast %add3A_1763 : i32 to vector<16xi32>
      %add3A_1765 = arith.addi %iota3A, %add3A_1764 : vector<16xi32>
      %gather3A_1766 = arith.constant 7 : i32
      %gather3A_1767 = arith.constant 0 : i32
      %gather3A_1768 = arith.constant 0 : i32
      %gather3A_1769 = tpu.memref_slice %arg8[%gather3A_1766, %gather3A_1767, %gather3A_1768] : memref<8x64x128xf32, #tpu.memory_space<vmem>> -> memref<1x64x128xf32, #tpu.memory_space<vmem>>
      %gather3A_1770 = tpu.memref_squeeze %gather3A_1769 : memref<1x64x128xf32, #tpu.memory_space<vmem>> -> memref<64x128xf32, #tpu.memory_space<vmem>>
      %gather3A_1771 = tpu.vector_load_idx %gather3A_1770[%add3A_1765, %broadcast_in_dim3A_1733] : memref<64x128xf32, #tpu.memory_space<vmem>>[vector<16xi32>, vector<16xi32>], vector<16xf32>,
      %add3A_1772 = arith.constant 32 : i32
      %add3A_1773 = vector.broadcast %add3A_1772 : i32 to vector<16xi32>
      %add3A_1774 = arith.addi %iota3A, %add3A_1773 : vector<16xi32>
      tpu.vector_store_idx %arg9[%add3A_1774, %broadcast_in_dim3A_1738], %gather3A_1771 : memref<64x512xf32, #tpu.memory_space<vmem>>[vector<16xi32>, vector<16xi32>], vector<16xf32>,
      %add3A_1775 = arith.constant 48 : i32
      %add3A_1776 = vector.broadcast %add3A_1775 : i32 to vector<16xi32>
      %add3A_1777 = arith.addi %iota3A, %add3A_1776 : vector<16xi32>
      %gather3A_1778 = arith.constant 7 : i32
      %gather3A_1779 = arith.constant 0 : i32
      %gather3A_1780 = arith.constant 0 : i32
      %gather3A_1781 = tpu.memref_slice %arg8[%gather3A_1778, %gather3A_1779, %gather3A_1780] : memref<8x64x128xf32, #tpu.memory_space<vmem>> -> memref<1x64x128xf32, #tpu.memory_space<vmem>>
      %gather3A_1782 = tpu.memref_squeeze %gather3A_1781 : memref<1x64x128xf32, #tpu.memory_space<vmem>> -> memref<64x128xf32, #tpu.memory_space<vmem>>
      %gather3A_1783 = tpu.vector_load_idx %gather3A_1782[%add3A_1777, %broadcast_in_dim3A_1733] : memref<64x128xf32, #tpu.memory_space<vmem>>[vector<16xi32>, vector<16xi32>], vector<16xf32>,
      %add3A_1784 = arith.constant 48 : i32
      %add3A_1785 = vector.broadcast %add3A_1784 : i32 to vector<16xi32>
      %add3A_1786 = arith.addi %iota3A, %add3A_1785 : vector<16xi32>
      tpu.vector_store_idx %arg9[%add3A_1786, %broadcast_in_dim3A_1738], %gather3A_1783 : memref<64x512xf32, #tpu.memory_space<vmem>>[vector<16xi32>, vector<16xi32>], vector<16xf32>,
      %slice3A_1787 = vector.extract_strided_slice %sub3A_319 {offsets = [7], sizes = [1], strides = [1]} : vector<16xi32> to vector<1xi32>
      %squeeze3A_1788 = vector.extract %slice3A_1787[0] : i32 from vector<1xi32>
      %multiple_of3A_1789 = tpu.assume_multiple %squeeze3A_1788, 128 : i32
      %dma_start3A_1790 = arith.constant 7 : i32
      %dma_start3A_1791 = arith.constant 7 : i32
      %dma_start3A_1792 = arith.constant 0 : i32
      %dma_start3A_1793 = arith.constant 0 : i32
      %dma_start3A_1794 = tpu.memref_slice %arg8[%dma_start3A_1790, %dma_start3A_1792, %dma_start3A_1793] : memref<8x64x128xf32, #tpu.memory_space<vmem>> -> memref<1x64x128xf32, #tpu.memory_space<vmem>>
      %dma_start3A_1795 = tpu.memref_squeeze %dma_start3A_1794 : memref<1x64x128xf32, #tpu.memory_space<vmem>> -> memref<64x128xf32, #tpu.memory_space<vmem>>
      %dma_start3A_1796 = arith.constant 0 : i32
      %dma_start3A_1797 = tpu.memref_slice %arg3[%dma_start3A_1796, %multiple_of3A_1789] : memref<64x1000000xf32, #tpu.memory_space<hbm>> -> memref<64x128xf32, #tpu.memory_space<hbm>>
      %dma_start3A_1798 = tpu.memref_slice %arg12[%dma_start3A_1791] : memref<8x!tpu.dma_semaphore, #tpu.memory_space<semaphore_mem>> -> memref<1x!tpu.dma_semaphore, #tpu.memory_space<semaphore_mem>>
      %dma_start3A_1799 = tpu.memref_squeeze %dma_start3A_1798 : memref<1x!tpu.dma_semaphore, #tpu.memory_space<semaphore_mem>> -> memref<!tpu.dma_semaphore, #tpu.memory_space<semaphore_mem>>
      %dma_start3A_1800 = arith.constant 0 : i32
      %dma_start3A_1801 = arith.constant 0 : i32
      %dma_start3A_1802 = tpu.memref_slice %arg8[%dma_start3A_1790, %dma_start3A_1800, %dma_start3A_1801] : memref<8x64x128xf32, #tpu.memory_space<vmem>> -> memref<1x64x128xf32, #tpu.memory_space<vmem>>
      %dma_start3A_1803 = tpu.memref_squeeze %dma_start3A_1802 : memref<1x64x128xf32, #tpu.memory_space<vmem>> -> memref<64x128xf32, #tpu.memory_space<vmem>>
      %dma_start3A_1804 = arith.constant 0 : i32
      %dma_start3A_1805 = tpu.memref_slice %arg3[%dma_start3A_1804, %multiple_of3A_1789] : memref<64x1000000xf32, #tpu.memory_space<hbm>> -> memref<64x128xf32, #tpu.memory_space<hbm>>
      tpu.enqueue_dma source(%dma_start3A_1805 : memref<64x128xf32, #tpu.memory_space<hbm>>) target(%dma_start3A_1803 : memref<64x128xf32, #tpu.memory_space<vmem>>) target_semaphore(%dma_start3A_1799 : memref<!tpu.dma_semaphore, #tpu.memory_space<semaphore_mem>>)
      scf.yield %and3A_318, %sub3A_319 : vector<16xi32>, vector<16xi32>
    }
    %scan3A_160 = arith.constant 32 : i32
    %dma_wait3A = arith.constant 0 : i32
    %dma_wait3A_161 = arith.constant 0 : i32
    %dma_wait3A_162 = arith.constant 0 : i32
    %dma_wait3A_163 = arith.constant 0 : i32
    %dma_wait3A_164 = tpu.memref_slice %arg8[%dma_wait3A, %dma_wait3A_162, %dma_wait3A_163] : memref<8x64x128xf32, #tpu.memory_space<vmem>> -> memref<1x64x128xf32, #tpu.memory_space<vmem>>
    %dma_wait3A_165 = tpu.memref_squeeze %dma_wait3A_164 : memref<1x64x128xf32, #tpu.memory_space<vmem>> -> memref<64x128xf32, #tpu.memory_space<vmem>>
    %dma_wait3A_166 = arith.constant 0 : i32
    %dma_wait3A_167 = arith.constant 0 : i32
    %dma_wait3A_168 = tpu.memref_slice %arg3[%dma_wait3A_166, %dma_wait3A_167] : memref<64x1000000xf32, #tpu.memory_space<hbm>> -> memref<64x128xf32, #tpu.memory_space<hbm>>
    %dma_wait3A_169 = tpu.memref_slice %arg12[%dma_wait3A_161] : memref<8x!tpu.dma_semaphore, #tpu.memory_space<semaphore_mem>> -> memref<1x!tpu.dma_semaphore, #tpu.memory_space<semaphore_mem>>
    %dma_wait3A_170 = tpu.memref_squeeze %dma_wait3A_169 : memref<1x!tpu.dma_semaphore, #tpu.memory_space<semaphore_mem>> -> memref<!tpu.dma_semaphore, #tpu.memory_space<semaphore_mem>>
    %dma_wait3A_171 = arith.constant 0 : i32
    %dma_wait3A_172 = arith.constant 0 : i32
    %dma_wait3A_173 = tpu.memref_slice %arg8[%dma_wait3A, %dma_wait3A_171, %dma_wait3A_172] : memref<8x64x128xf32, #tpu.memory_space<vmem>> -> memref<1x64x128xf32, #tpu.memory_space<vmem>>
    %dma_wait3A_174 = tpu.memref_squeeze %dma_wait3A_173 : memref<1x64x128xf32, #tpu.memory_space<vmem>> -> memref<64x128xf32, #tpu.memory_space<vmem>>
    %dma_wait3A_175 = arith.constant 0 : i32
    %dma_wait3A_176 = arith.constant 0 : i32
    %dma_wait3A_177 = tpu.memref_slice %arg3[%dma_wait3A_175, %dma_wait3A_176] : memref<64x1000000xf32, #tpu.memory_space<hbm>> -> memref<64x128xf32, #tpu.memory_space<hbm>>
    tpu.wait_dma2 semaphore(%dma_wait3A_170 : memref<!tpu.dma_semaphore, #tpu.memory_space<semaphore_mem>>) src(%dma_wait3A_177 : memref<64x128xf32, #tpu.memory_space<hbm>>) dst(%dma_wait3A_174 : memref<64x128xf32, #tpu.memory_space<vmem>>)
    %dma_wait3A_178 = arith.constant 1 : i32
    %dma_wait3A_179 = arith.constant 1 : i32
    %dma_wait3A_180 = arith.constant 0 : i32
    %dma_wait3A_181 = arith.constant 0 : i32
    %dma_wait3A_182 = tpu.memref_slice %arg8[%dma_wait3A_178, %dma_wait3A_180, %dma_wait3A_181] : memref<8x64x128xf32, #tpu.memory_space<vmem>> -> memref<1x64x128xf32, #tpu.memory_space<vmem>>
    %dma_wait3A_183 = tpu.memref_squeeze %dma_wait3A_182 : memref<1x64x128xf32, #tpu.memory_space<vmem>> -> memref<64x128xf32, #tpu.memory_space<vmem>>
    %dma_wait3A_184 = arith.constant 0 : i32
    %dma_wait3A_185 = arith.constant 0 : i32
    %dma_wait3A_186 = tpu.memref_slice %arg3[%dma_wait3A_184, %dma_wait3A_185] : memref<64x1000000xf32, #tpu.memory_space<hbm>> -> memref<64x128xf32, #tpu.memory_space<hbm>>
    %dma_wait3A_187 = tpu.memref_slice %arg12[%dma_wait3A_179] : memref<8x!tpu.dma_semaphore, #tpu.memory_space<semaphore_mem>> -> memref<1x!tpu.dma_semaphore, #tpu.memory_space<semaphore_mem>>
    %dma_wait3A_188 = tpu.memref_squeeze %dma_wait3A_187 : memref<1x!tpu.dma_semaphore, #tpu.memory_space<semaphore_mem>> -> memref<!tpu.dma_semaphore, #tpu.memory_space<semaphore_mem>>
    %dma_wait3A_189 = arith.constant 0 : i32
    %dma_wait3A_190 = arith.constant 0 : i32
    %dma_wait3A_191 = tpu.memref_slice %arg8[%dma_wait3A_178, %dma_wait3A_189, %dma_wait3A_190] : memref<8x64x128xf32, #tpu.memory_space<vmem>> -> memref<1x64x128xf32, #tpu.memory_space<vmem>>
    %dma_wait3A_192 = tpu.memref_squeeze %dma_wait3A_191 : memref<1x64x128xf32, #tpu.memory_space<vmem>> -> memref<64x128xf32, #tpu.memory_space<vmem>>
    %dma_wait3A_193 = arith.constant 0 : i32
    %dma_wait3A_194 = arith.constant 0 : i32
    %dma_wait3A_195 = tpu.memref_slice %arg3[%dma_wait3A_193, %dma_wait3A_194] : memref<64x1000000xf32, #tpu.memory_space<hbm>> -> memref<64x128xf32, #tpu.memory_space<hbm>>
    tpu.wait_dma2 semaphore(%dma_wait3A_188 : memref<!tpu.dma_semaphore, #tpu.memory_space<semaphore_mem>>) src(%dma_wait3A_195 : memref<64x128xf32, #tpu.memory_space<hbm>>) dst(%dma_wait3A_192 : memref<64x128xf32, #tpu.memory_space<vmem>>)
    %dma_wait3A_196 = arith.constant 2 : i32
    %dma_wait3A_197 = arith.constant 2 : i32
    %dma_wait3A_198 = arith.constant 0 : i32
    %dma_wait3A_199 = arith.constant 0 : i32
    %dma_wait3A_200 = tpu.memref_slice %arg8[%dma_wait3A_196, %dma_wait3A_198, %dma_wait3A_199] : memref<8x64x128xf32, #tpu.memory_space<vmem>> -> memref<1x64x128xf32, #tpu.memory_space<vmem>>
    %dma_wait3A_201 = tpu.memref_squeeze %dma_wait3A_200 : memref<1x64x128xf32, #tpu.memory_space<vmem>> -> memref<64x128xf32, #tpu.memory_space<vmem>>
    %dma_wait3A_202 = arith.constant 0 : i32
    %dma_wait3A_203 = arith.constant 0 : i32
    %dma_wait3A_204 = tpu.memref_slice %arg3[%dma_wait3A_202, %dma_wait3A_203] : memref<64x1000000xf32, #tpu.memory_space<hbm>> -> memref<64x128xf32, #tpu.memory_space<hbm>>
    %dma_wait3A_205 = tpu.memref_slice %arg12[%dma_wait3A_197] : memref<8x!tpu.dma_semaphore, #tpu.memory_space<semaphore_mem>> -> memref<1x!tpu.dma_semaphore, #tpu.memory_space<semaphore_mem>>
    %dma_wait3A_206 = tpu.memref_squeeze %dma_wait3A_205 : memref<1x!tpu.dma_semaphore, #tpu.memory_space<semaphore_mem>> -> memref<!tpu.dma_semaphore, #tpu.memory_space<semaphore_mem>>
    %dma_wait3A_207 = arith.constant 0 : i32
    %dma_wait3A_208 = arith.constant 0 : i32
    %dma_wait3A_209 = tpu.memref_slice %arg8[%dma_wait3A_196, %dma_wait3A_207, %dma_wait3A_208] : memref<8x64x128xf32, #tpu.memory_space<vmem>> -> memref<1x64x128xf32, #tpu.memory_space<vmem>>
    %dma_wait3A_210 = tpu.memref_squeeze %dma_wait3A_209 : memref<1x64x128xf32, #tpu.memory_space<vmem>> -> memref<64x128xf32, #tpu.memory_space<vmem>>
    %dma_wait3A_211 = arith.constant 0 : i32
    %dma_wait3A_212 = arith.constant 0 : i32
    %dma_wait3A_213 = tpu.memref_slice %arg3[%dma_wait3A_211, %dma_wait3A_212] : memref<64x1000000xf32, #tpu.memory_space<hbm>> -> memref<64x128xf32, #tpu.memory_space<hbm>>
    tpu.wait_dma2 semaphore(%dma_wait3A_206 : memref<!tpu.dma_semaphore, #tpu.memory_space<semaphore_mem>>) src(%dma_wait3A_213 : memref<64x128xf32, #tpu.memory_space<hbm>>) dst(%dma_wait3A_210 : memref<64x128xf32, #tpu.memory_space<vmem>>)
    %dma_wait3A_214 = arith.constant 3 : i32
    %dma_wait3A_215 = arith.constant 3 : i32
    %dma_wait3A_216 = arith.constant 0 : i32
    %dma_wait3A_217 = arith.constant 0 : i32
    %dma_wait3A_218 = tpu.memref_slice %arg8[%dma_wait3A_214, %dma_wait3A_216, %dma_wait3A_217] : memref<8x64x128xf32, #tpu.memory_space<vmem>> -> memref<1x64x128xf32, #tpu.memory_space<vmem>>
    %dma_wait3A_219 = tpu.memref_squeeze %dma_wait3A_218 : memref<1x64x128xf32, #tpu.memory_space<vmem>> -> memref<64x128xf32, #tpu.memory_space<vmem>>
    %dma_wait3A_220 = arith.constant 0 : i32
    %dma_wait3A_221 = arith.constant 0 : i32
    %dma_wait3A_222 = tpu.memref_slice %arg3[%dma_wait3A_220, %dma_wait3A_221] : memref<64x1000000xf32, #tpu.memory_space<hbm>> -> memref<64x128xf32, #tpu.memory_space<hbm>>
    %dma_wait3A_223 = tpu.memref_slice %arg12[%dma_wait3A_215] : memref<8x!tpu.dma_semaphore, #tpu.memory_space<semaphore_mem>> -> memref<1x!tpu.dma_semaphore, #tpu.memory_space<semaphore_mem>>
    %dma_wait3A_224 = tpu.memref_squeeze %dma_wait3A_223 : memref<1x!tpu.dma_semaphore, #tpu.memory_space<semaphore_mem>> -> memref<!tpu.dma_semaphore, #tpu.memory_space<semaphore_mem>>
    %dma_wait3A_225 = arith.constant 0 : i32
    %dma_wait3A_226 = arith.constant 0 : i32
    %dma_wait3A_227 = tpu.memref_slice %arg8[%dma_wait3A_214, %dma_wait3A_225, %dma_wait3A_226] : memref<8x64x128xf32, #tpu.memory_space<vmem>> -> memref<1x64x128xf32, #tpu.memory_space<vmem>>
    %dma_wait3A_228 = tpu.memref_squeeze %dma_wait3A_227 : memref<1x64x128xf32, #tpu.memory_space<vmem>> -> memref<64x128xf32, #tpu.memory_space<vmem>>
    %dma_wait3A_229 = arith.constant 0 : i32
    %dma_wait3A_230 = arith.constant 0 : i32
    %dma_wait3A_231 = tpu.memref_slice %arg3[%dma_wait3A_229, %dma_wait3A_230] : memref<64x1000000xf32, #tpu.memory_space<hbm>> -> memref<64x128xf32, #tpu.memory_space<hbm>>
    tpu.wait_dma2 semaphore(%dma_wait3A_224 : memref<!tpu.dma_semaphore, #tpu.memory_space<semaphore_mem>>) src(%dma_wait3A_231 : memref<64x128xf32, #tpu.memory_space<hbm>>) dst(%dma_wait3A_228 : memref<64x128xf32, #tpu.memory_space<vmem>>)
    %dma_wait3A_232 = arith.constant 4 : i32
    %dma_wait3A_233 = arith.constant 4 : i32
    %dma_wait3A_234 = arith.constant 0 : i32
    %dma_wait3A_235 = arith.constant 0 : i32
    %dma_wait3A_236 = tpu.memref_slice %arg8[%dma_wait3A_232, %dma_wait3A_234, %dma_wait3A_235] : memref<8x64x128xf32, #tpu.memory_space<vmem>> -> memref<1x64x128xf32, #tpu.memory_space<vmem>>
    %dma_wait3A_237 = tpu.memref_squeeze %dma_wait3A_236 : memref<1x64x128xf32, #tpu.memory_space<vmem>> -> memref<64x128xf32, #tpu.memory_space<vmem>>
    %dma_wait3A_238 = arith.constant 0 : i32
    %dma_wait3A_239 = arith.constant 0 : i32
    %dma_wait3A_240 = tpu.memref_slice %arg3[%dma_wait3A_238, %dma_wait3A_239] : memref<64x1000000xf32, #tpu.memory_space<hbm>> -> memref<64x128xf32, #tpu.memory_space<hbm>>
    %dma_wait3A_241 = tpu.memref_slice %arg12[%dma_wait3A_233] : memref<8x!tpu.dma_semaphore, #tpu.memory_space<semaphore_mem>> -> memref<1x!tpu.dma_semaphore, #tpu.memory_space<semaphore_mem>>
    %dma_wait3A_242 = tpu.memref_squeeze %dma_wait3A_241 : memref<1x!tpu.dma_semaphore, #tpu.memory_space<semaphore_mem>> -> memref<!tpu.dma_semaphore, #tpu.memory_space<semaphore_mem>>
    %dma_wait3A_243 = arith.constant 0 : i32
    %dma_wait3A_244 = arith.constant 0 : i32
    %dma_wait3A_245 = tpu.memref_slice %arg8[%dma_wait3A_232, %dma_wait3A_243, %dma_wait3A_244] : memref<8x64x128xf32, #tpu.memory_space<vmem>> -> memref<1x64x128xf32, #tpu.memory_space<vmem>>
    %dma_wait3A_246 = tpu.memref_squeeze %dma_wait3A_245 : memref<1x64x128xf32, #tpu.memory_space<vmem>> -> memref<64x128xf32, #tpu.memory_space<vmem>>
    %dma_wait3A_247 = arith.constant 0 : i32
    %dma_wait3A_248 = arith.constant 0 : i32
    %dma_wait3A_249 = tpu.memref_slice %arg3[%dma_wait3A_247, %dma_wait3A_248] : memref<64x1000000xf32, #tpu.memory_space<hbm>> -> memref<64x128xf32, #tpu.memory_space<hbm>>
    tpu.wait_dma2 semaphore(%dma_wait3A_242 : memref<!tpu.dma_semaphore, #tpu.memory_space<semaphore_mem>>) src(%dma_wait3A_249 : memref<64x128xf32, #tpu.memory_space<hbm>>) dst(%dma_wait3A_246 : memref<64x128xf32, #tpu.memory_space<vmem>>)
    %dma_wait3A_250 = arith.constant 5 : i32
    %dma_wait3A_251 = arith.constant 5 : i32
    %dma_wait3A_252 = arith.constant 0 : i32
    %dma_wait3A_253 = arith.constant 0 : i32
    %dma_wait3A_254 = tpu.memref_slice %arg8[%dma_wait3A_250, %dma_wait3A_252, %dma_wait3A_253] : memref<8x64x128xf32, #tpu.memory_space<vmem>> -> memref<1x64x128xf32, #tpu.memory_space<vmem>>
    %dma_wait3A_255 = tpu.memref_squeeze %dma_wait3A_254 : memref<1x64x128xf32, #tpu.memory_space<vmem>> -> memref<64x128xf32, #tpu.memory_space<vmem>>
    %dma_wait3A_256 = arith.constant 0 : i32
    %dma_wait3A_257 = arith.constant 0 : i32
    %dma_wait3A_258 = tpu.memref_slice %arg3[%dma_wait3A_256, %dma_wait3A_257] : memref<64x1000000xf32, #tpu.memory_space<hbm>> -> memref<64x128xf32, #tpu.memory_space<hbm>>
    %dma_wait3A_259 = tpu.memref_slice %arg12[%dma_wait3A_251] : memref<8x!tpu.dma_semaphore, #tpu.memory_space<semaphore_mem>> -> memref<1x!tpu.dma_semaphore, #tpu.memory_space<semaphore_mem>>
    %dma_wait3A_260 = tpu.memref_squeeze %dma_wait3A_259 : memref<1x!tpu.dma_semaphore, #tpu.memory_space<semaphore_mem>> -> memref<!tpu.dma_semaphore, #tpu.memory_space<semaphore_mem>>
    %dma_wait3A_261 = arith.constant 0 : i32
    %dma_wait3A_262 = arith.constant 0 : i32
    %dma_wait3A_263 = tpu.memref_slice %arg8[%dma_wait3A_250, %dma_wait3A_261, %dma_wait3A_262] : memref<8x64x128xf32, #tpu.memory_space<vmem>> -> memref<1x64x128xf32, #tpu.memory_space<vmem>>
    %dma_wait3A_264 = tpu.memref_squeeze %dma_wait3A_263 : memref<1x64x128xf32, #tpu.memory_space<vmem>> -> memref<64x128xf32, #tpu.memory_space<vmem>>
    %dma_wait3A_265 = arith.constant 0 : i32
    %dma_wait3A_266 = arith.constant 0 : i32
    %dma_wait3A_267 = tpu.memref_slice %arg3[%dma_wait3A_265, %dma_wait3A_266] : memref<64x1000000xf32, #tpu.memory_space<hbm>> -> memref<64x128xf32, #tpu.memory_space<hbm>>
    tpu.wait_dma2 semaphore(%dma_wait3A_260 : memref<!tpu.dma_semaphore, #tpu.memory_space<semaphore_mem>>) src(%dma_wait3A_267 : memref<64x128xf32, #tpu.memory_space<hbm>>) dst(%dma_wait3A_264 : memref<64x128xf32, #tpu.memory_space<vmem>>)
    %dma_wait3A_268 = arith.constant 6 : i32
    %dma_wait3A_269 = arith.constant 6 : i32
    %dma_wait3A_270 = arith.constant 0 : i32
    %dma_wait3A_271 = arith.constant 0 : i32
    %dma_wait3A_272 = tpu.memref_slice %arg8[%dma_wait3A_268, %dma_wait3A_270, %dma_wait3A_271] : memref<8x64x128xf32, #tpu.memory_space<vmem>> -> memref<1x64x128xf32, #tpu.memory_space<vmem>>
    %dma_wait3A_273 = tpu.memref_squeeze %dma_wait3A_272 : memref<1x64x128xf32, #tpu.memory_space<vmem>> -> memref<64x128xf32, #tpu.memory_space<vmem>>
    %dma_wait3A_274 = arith.constant 0 : i32
    %dma_wait3A_275 = arith.constant 0 : i32
    %dma_wait3A_276 = tpu.memref_slice %arg3[%dma_wait3A_274, %dma_wait3A_275] : memref<64x1000000xf32, #tpu.memory_space<hbm>> -> memref<64x128xf32, #tpu.memory_space<hbm>>
    %dma_wait3A_277 = tpu.memref_slice %arg12[%dma_wait3A_269] : memref<8x!tpu.dma_semaphore, #tpu.memory_space<semaphore_mem>> -> memref<1x!tpu.dma_semaphore, #tpu.memory_space<semaphore_mem>>
    %dma_wait3A_278 = tpu.memref_squeeze %dma_wait3A_277 : memref<1x!tpu.dma_semaphore, #tpu.memory_space<semaphore_mem>> -> memref<!tpu.dma_semaphore, #tpu.memory_space<semaphore_mem>>
    %dma_wait3A_279 = arith.constant 0 : i32
    %dma_wait3A_280 = arith.constant 0 : i32
    %dma_wait3A_281 = tpu.memref_slice %arg8[%dma_wait3A_268, %dma_wait3A_279, %dma_wait3A_280] : memref<8x64x128xf32, #tpu.memory_space<vmem>> -> memref<1x64x128xf32, #tpu.memory_space<vmem>>
    %dma_wait3A_282 = tpu.memref_squeeze %dma_wait3A_281 : memref<1x64x128xf32, #tpu.memory_space<vmem>> -> memref<64x128xf32, #tpu.memory_space<vmem>>
    %dma_wait3A_283 = arith.constant 0 : i32
    %dma_wait3A_284 = arith.constant 0 : i32
    %dma_wait3A_285 = tpu.memref_slice %arg3[%dma_wait3A_283, %dma_wait3A_284] : memref<64x1000000xf32, #tpu.memory_space<hbm>> -> memref<64x128xf32, #tpu.memory_space<hbm>>
    tpu.wait_dma2 semaphore(%dma_wait3A_278 : memref<!tpu.dma_semaphore, #tpu.memory_space<semaphore_mem>>) src(%dma_wait3A_285 : memref<64x128xf32, #tpu.memory_space<hbm>>) dst(%dma_wait3A_282 : memref<64x128xf32, #tpu.memory_space<vmem>>)
    %dma_wait3A_286 = arith.constant 7 : i32
    %dma_wait3A_287 = arith.constant 7 : i32
    %dma_wait3A_288 = arith.constant 0 : i32
    %dma_wait3A_289 = arith.constant 0 : i32
    %dma_wait3A_290 = tpu.memref_slice %arg8[%dma_wait3A_286, %dma_wait3A_288, %dma_wait3A_289] : memref<8x64x128xf32, #tpu.memory_space<vmem>> -> memref<1x64x128xf32, #tpu.memory_space<vmem>>
    %dma_wait3A_291 = tpu.memref_squeeze %dma_wait3A_290 : memref<1x64x128xf32, #tpu.memory_space<vmem>> -> memref<64x128xf32, #tpu.memory_space<vmem>>
    %dma_wait3A_292 = arith.constant 0 : i32
    %dma_wait3A_293 = arith.constant 0 : i32
    %dma_wait3A_294 = tpu.memref_slice %arg3[%dma_wait3A_292, %dma_wait3A_293] : memref<64x1000000xf32, #tpu.memory_space<hbm>> -> memref<64x128xf32, #tpu.memory_space<hbm>>
    %dma_wait3A_295 = tpu.memref_slice %arg12[%dma_wait3A_287] : memref<8x!tpu.dma_semaphore, #tpu.memory_space<semaphore_mem>> -> memref<1x!tpu.dma_semaphore, #tpu.memory_space<semaphore_mem>>
    %dma_wait3A_296 = tpu.memref_squeeze %dma_wait3A_295 : memref<1x!tpu.dma_semaphore, #tpu.memory_space<semaphore_mem>> -> memref<!tpu.dma_semaphore, #tpu.memory_space<semaphore_mem>>
    %dma_wait3A_297 = arith.constant 0 : i32
    %dma_wait3A_298 = arith.constant 0 : i32
    %dma_wait3A_299 = tpu.memref_slice %arg8[%dma_wait3A_286, %dma_wait3A_297, %dma_wait3A_298] : memref<8x64x128xf32, #tpu.memory_space<vmem>> -> memref<1x64x128xf32, #tpu.memory_space<vmem>>
    %dma_wait3A_300 = tpu.memref_squeeze %dma_wait3A_299 : memref<1x64x128xf32, #tpu.memory_space<vmem>> -> memref<64x128xf32, #tpu.memory_space<vmem>>
    %dma_wait3A_301 = arith.constant 0 : i32
    %dma_wait3A_302 = arith.constant 0 : i32
    %dma_wait3A_303 = tpu.memref_slice %arg3[%dma_wait3A_301, %dma_wait3A_302] : memref<64x1000000xf32, #tpu.memory_space<hbm>> -> memref<64x128xf32, #tpu.memory_space<hbm>>
    tpu.wait_dma2 semaphore(%dma_wait3A_296 : memref<!tpu.dma_semaphore, #tpu.memory_space<semaphore_mem>>) src(%dma_wait3A_303 : memref<64x128xf32, #tpu.memory_space<hbm>>) dst(%dma_wait3A_300 : memref<64x128xf32, #tpu.memory_space<vmem>>)
    "tpu.region"() ({
      %run_scoped3A = tpu.sem_alloc : memref<!tpu.dma_semaphore, #tpu.memory_space<semaphore_mem>>
      %dma_start3A_306 = arith.constant 0 : i32
      %dma_start3A_307 = tpu.memref_slice %arg5[%dma_start3A_306, %mul3A_2] : memref<64x16384xf32, #tpu.memory_space<hbm>> -> memref<64x512xf32, #tpu.memory_space<hbm>>
      %dma_start3A_308 = arith.constant 0 : i32
      %dma_start3A_309 = tpu.memref_slice %arg5[%dma_start3A_308, %mul3A_2] : memref<64x16384xf32, #tpu.memory_space<hbm>> -> memref<64x512xf32, #tpu.memory_space<hbm>>
      tpu.enqueue_dma source(%arg9 : memref<64x512xf32, #tpu.memory_space<vmem>>) target(%dma_start3A_309 : memref<64x512xf32, #tpu.memory_space<hbm>>) target_semaphore(%run_scoped3A : memref<!tpu.dma_semaphore, #tpu.memory_space<semaphore_mem>>)
      %dma_wait3A_310 = arith.constant 0 : i32
      %dma_wait3A_311 = tpu.memref_slice %arg5[%dma_wait3A_310, %mul3A_2] : memref<64x16384xf32, #tpu.memory_space<hbm>> -> memref<64x512xf32, #tpu.memory_space<hbm>>
      %dma_wait3A_312 = arith.constant 0 : i32
      %dma_wait3A_313 = tpu.memref_slice %arg5[%dma_wait3A_312, %mul3A_2] : memref<64x16384xf32, #tpu.memory_space<hbm>> -> memref<64x512xf32, #tpu.memory_space<hbm>>
      tpu.wait_dma2 semaphore(%run_scoped3A : memref<!tpu.dma_semaphore, #tpu.memory_space<semaphore_mem>>) src(%arg9 : memref<64x512xf32, #tpu.memory_space<vmem>>) dst(%dma_wait3A_313 : memref<64x512xf32, #tpu.memory_space<hbm>>)
      tpu.yield
    }) : () -> ()
    %dma_wait3A_304 = arith.constant 0 : i32
    %dma_wait3A_305 = tpu.memref_slice %arg4[%dma_wait3A_304] : memref<1000000xf32, #tpu.memory_space<hbm>> -> memref<1000000xf32, #tpu.memory_space<hbm>>
    tpu.wait_indirect_dma semaphore(%arg11 : memref<!tpu.dma_semaphore, #tpu.memory_space<semaphore_mem>>) src(%dma_wait3A_305 : memref<1000000xf32, #tpu.memory_space<hbm>>) dst(%arg10 : memref<512xf32, #tpu.memory_space<vmem>>)
    "tpu.region"() ({
      %run_scoped3A = tpu.sem_alloc : memref<!tpu.dma_semaphore, #tpu.memory_space<semaphore_mem>>
      %dma_start3A_306 = tpu.memref_slice %arg6[%mul3A_2] : memref<16384xf32, #tpu.memory_space<hbm>> -> memref<512xf32, #tpu.memory_space<hbm>>
      %dma_start3A_307 = tpu.memref_slice %arg6[%mul3A_2] : memref<16384xf32, #tpu.memory_space<hbm>> -> memref<512xf32, #tpu.memory_space<hbm>>
      tpu.enqueue_dma source(%arg10 : memref<512xf32, #tpu.memory_space<vmem>>) target(%dma_start3A_307 : memref<512xf32, #tpu.memory_space<hbm>>) target_semaphore(%run_scoped3A : memref<!tpu.dma_semaphore, #tpu.memory_space<semaphore_mem>>)
      %dma_wait3A_308 = tpu.memref_slice %arg6[%mul3A_2] : memref<16384xf32, #tpu.memory_space<hbm>> -> memref<512xf32, #tpu.memory_space<hbm>>
      %dma_wait3A_309 = tpu.memref_slice %arg6[%mul3A_2] : memref<16384xf32, #tpu.memory_space<hbm>> -> memref<512xf32, #tpu.memory_space<hbm>>
      tpu.wait_dma2 semaphore(%run_scoped3A : memref<!tpu.dma_semaphore, #tpu.memory_space<semaphore_mem>>) src(%arg10 : memref<512xf32, #tpu.memory_space<vmem>>) dst(%dma_wait3A_309 : memref<512xf32, #tpu.memory_space<hbm>>)
      tpu.yield
    }) : () -> ()
    return
  }
}

</mosaic_0001>

<sc_bundles>
// kernel: kernel.3.cloned.1.call-start
scs
__scs_entry_jumppad:
0x0: {  	(pc) =	sbr.rel $0x88, $3  }
0x1: {  	(tag) =	ssettag $0x0;
	lr =	simm.s32 $0x1  }
0x2: {  	[smem:$0x3F9E] =	sst lr;
	_ =	strace $0xD0000000  }
0x3: {  	_ = 	snop  }
0x4: {  	_ = 	snop  }
0x5: {  	_ = 	snop  }
0x6: {  	_ = 	snop  }
0x7: {  	_ = 	snop  }
__scs_overlays_trampoline_lowered:
0x8: {  	[smem:$0x3FAD] =	sst s0  }
0x9: {  	[smem:$0x3FAE] =	sst s1  }
0xa: {  	[smem:$0x3FAF] =	sst s2  }
0xb: {  	[smem:$0x3FB0] =	sst s3  }
0xc: {  	[smem:$0x3FB1] =	sst s4  }
0xd: {  	[smem:$0x3FB2] =	sst s5  }
0xe: {  	[smem:$0x3FB3] =	sst s6  }
0xf: {  	[smem:$0x3FB4] =	sst s7  }
0x10: {  	[smem:$0x3FB5] =	sst s8  }
0x11: {  	[smem:$0x3FB6] =	sst s9;
	s0 =	simm.s32 @!p0 $0x0  }
0x12: {  	s1 =	sld [smem:$0x3F9C];
	s0 =	simm.s32 @p0 $0x1  }
0x13: {  	[smem:$0x3FB7] =	sst s0;
	s0 =	simm.s32 @!p1 $0x0  }
0x14: {  	s2 =	sld [smem:$0x3F9B];
	s0 =	simm.s32 @p1 $0x1  }
0x15: {  	[smem:$0x3FB8] =	sst s0;
	s0 =	simm.s32 @!p2 $0x0  }
0x16: {  	s3 =	sld [smem:$0x3FDB];
	s0 =	simm.s32 @p2 $0x1  }
0x17: {  	s4 =	simm.s32 $0x1BF5;
	[smem:$0x3FBA] =	sst s0  }
0x18: {  	s0 =	sld [smem:$0x3F9D];
	_ =	swait.ge [sflag:s4], $0x0  }
0x19: {  	s7 =	sld [smem:$0x3F9E]  }
0x1a: {  	s8 =	sadd.s32 $0xFFFFE003, lr  }
0x1b: {  	s9 =	sadd.s32 $0xFFFFFEF7, lr;
	s5 =	simm.s32 $0xFFFFFFFF;
	p2 =	slt.u32 s8, $0xFFFFF086  }
0x1c: {  	p1 =	slt.u32 s9, $0xF7A;
	s5 =	simm.s32 @!p2 $0x0  }
0x1d: {  	s5 =	simm.s32 @p1 $0x1;
	p0 =	seq.s32 s7, s2  }
0x1e: {  	s7 =	smul.u32 @!p0 $0xF7A, s2;
	p2 =	seq.s32 @!p0 s5, $0x0  }
0x1f: {  	s9 =	smul.u32 $0xF7A, s1;
	s8 =	simm.s32 @!p0 $0x1BF5;
	p2 =	por !p2, p0  }
0x20: {  	[sflag:s8] =	ssyncset.s32 @!p0 $0xFFFFF086;
	s6 =	sadd.s32 @!p0 s3, s7;
	s7 =	simm.s32 @!p0 $0x108  }
0x21: {  	s3 =	sadd.s32 s3, s9;
	s6 =	sadd.s32 @!p0 $0x88, s6;
	s7 =	simm.s32 @p2 $0x1082  }
0x22: {  	[simem:s7], [sflag:s8] =	dma.local @!p0 [hbm:s6], $0xF7A  }
0x23: {  	s9 =	sor.u32 $0xD0000000, s2;
	s6 =	simm.s32 $0x108;
	_ =	swait.ge @!p0 [sflag:s8], $0x0  }
0x24: {  	s3 =	sadd.s32 $0x88, s3;
	s6 =	simm.s32 @!p1 $0x1082;
	[sflag:s4] =	ssyncset.s32 $0xFFFFF086  }
0x25: {  	[simem:s6], [sflag:s4] =	dma.local [hbm:s3], $0xF7A  }
0x26: {  	[smem:$0x3F9E] =	sst s1;
	(tag) =	ssettag s2;
	_ =	strace s9  }
0x27: {  	s1 =	sld [smem:$0x3FAE]  }
0x28: {  	s2 =	sld [smem:$0x3FAF]  }
0x29: {  	s4 =	sld [smem:$0x3FB1]  }
0x2a: {  	p0 =	seq.s32 s5, $0x0;
	s5 =	sld [smem:$0x3FB2]  }
0x2b: {  	s6 =	sld [smem:$0x3FB3]  }
0x2c: {  	s7 =	sld [smem:$0x3FB4]  }
0x2d: {  	s3 =	simm.s32 $0x108;
	s8 =	sld [smem:$0x3FB5]  }
0x2e: {  	s3 =	simm.s32 @!p0 $0x1082;
	s9 =	sld [smem:$0x3FB6]  }
0x2f: {  	lr =	sadd.s32 s0, s3;
	s0 =	sld [smem:$0x3FAD]  }
0x30: {  	s3 =	sld [smem:$0x3FB0]  }
0x31: {  	[smem:$0x3FB9] =	sst s10  }
0x32: {  	s10 =	sld [smem:$0x3FB7];
	_ =	sdelay $0x3  }
0x33: {  	p0 =	seq.s32 s10, $0x1;
	s10 =	sld [smem:$0x3FB9];
	_ =	sdelay $0x3  }
0x34: {  	[smem:$0x3FB9] =	sst s10  }
0x35: {  	s10 =	sld [smem:$0x3FB8];
	_ =	sdelay $0x3  }
0x36: {  	p1 =	seq.s32 s10, $0x1;
	s10 =	sld [smem:$0x3FB9];
	_ =	sdelay $0x3  }
0x37: {  	[smem:$0x3FB9] =	sst s10  }
0x38: {  	s10 =	sld [smem:$0x3FBA]  }
0x39: {  	_ = 	snop;
	(pc) =	sbr.ind lr, $3  }
0x3a: {  	_ = 	snop  }
0x3b: {  	_ = 	snop  }
0x3c: {  	p2 =	seq.s32 s10, $0x1;
	s10 =	sld [smem:$0x3FB9]  }
0x3d: {  	_ =	shalt  }
0x3e: {  	_ =	shalt  }
0x3f: {  	_ =	shalt  }
0x40: {  	_ =	shalt  }
0x41: {  	_ =	shalt  }
0x42: {  	_ =	shalt  }
0x43: {  	_ =	shalt  }
0x44: {  	_ =	shalt  }
0x45: {  	_ =	shalt  }
0x46: {  	_ =	shalt  }
0x47: {  	_ =	shalt  }
0x48: {  	_ =	shalt  }
0x49: {  	_ =	shalt  }
0x4a: {  	_ =	shalt  }
0x4b: {  	_ =	shalt  }
0x4c: {  	_ =	shalt  }
0x4d: {  	_ =	shalt  }
0x4e: {  	_ =	shalt  }
0x4f: {  	_ =	shalt  }
0x50: {  	_ =	shalt  }
0x51: {  	_ =	shalt  }
0x52: {  	_ =	shalt  }
0x53: {  	_ =	shalt  }
0x54: {  	_ =	shalt  }
0x55: {  	_ =	shalt  }
0x56: {  	_ =	shalt  }
0x57: {  	_ =	shalt  }
0x58: {  	_ =	shalt  }
0x59: {  	_ =	shalt  }
0x5a: {  	_ =	shalt  }
0x5b: {  	_ =	shalt  }
0x5c: {  	_ =	shalt  }
0x5d: {  	_ =	shalt  }
0x5e: {  	_ =	shalt  }
0x5f: {  	_ =	shalt  }
0x60: {  	_ =	shalt  }
0x61: {  	_ =	shalt  }
0x62: {  	_ =	shalt  }
0x63: {  	_ =	shalt  }
0x64: {  	_ =	shalt  }
0x65: {  	_ =	shalt  }
0x66: {  	_ =	shalt  }
0x67: {  	_ =	shalt  }
0x68: {  	_ =	shalt  }
0x69: {  	_ =	shalt  }
0x6a: {  	_ =	shalt  }
0x6b: {  	_ =	shalt  }
0x6c: {  	_ =	shalt  }
0x6d: {  	_ =	shalt  }
0x6e: {  	_ =	shalt  }
0x6f: {  	_ =	shalt  }
0x70: {  	_ =	shalt  }
0x71: {  	_ =	shalt  }
0x72: {  	_ =	shalt  }
0x73: {  	_ =	shalt  }
0x74: {  	_ =	shalt  }
0x75: {  	_ =	shalt  }
0x76: {  	_ =	shalt  }
0x77: {  	_ =	shalt  }
0x78: {  	_ =	shalt  }
0x79: {  	_ =	shalt  }
0x7a: {  	_ =	shalt  }
0x7b: {  	_ =	shalt  }
0x7c: {  	_ =	shalt  }
0x7d: {  	_ =	shalt  }
0x7e: {  	_ =	shalt  }
0x7f: {  	_ =	shalt  }
0x80: {  	_ =	shalt  }
0x81: {  	_ =	shalt  }
0x82: {  	_ =	shalt  }
0x83: {  	_ =	shalt  }
0x84: {  	_ =	shalt  }
0x85: {  	_ =	shalt  }
0x86: {  	_ =	shalt  }
0x87: {  	_ =	shalt  }
.Lfunc_end0:
.L_simem_size_0:
called_computation_lowered:
.L_overlay_start_0:
0x88: {  	s2 =	sld [smem:$0x3FD9]  }
0x89: {  	s3 =	sld [smem:$0x3FFE];
	_ =	sdelay $0x1  }
0x8a: {  	s1 =	srdreg.scid  }
0x8b: {  	s0 =	sand.u32 $0x1, s1  }
0x8c: {  	s14 =	sshll.u32 s0, $0xA;
	s2 =	sadd.s32 s3, s2  }
0x8d: {  	s2 =	sadd.s32 s2, s14  }
0x8e: {  	[smem:$0x3FC5] =	sst s2  }
0x8f: {  	_ = 	snop  }
0x90: {  	s2 =	sld [smem:$0x3FD0];
	_ =	sdelay $0x1  }
0x91: {  	s15 =	sld [smem:$0x3FC9]  }
0x92: {  	s5 =	simm.s32 $0xA;
	s6 =	simm.s32 $0x10;
	s4 =	sld [smem:$0x3FC8]  }
0x93: {  	[smem:s6], [sflag:s5] =	dma.local [hbm:s2], $0x1  }
0x94: {  	_ =	swait.eq [sflag:s5], $0x1  }
0x95: {  	[sflag:s5] =	ssyncset.done $0x0  }
0x96: {  	s16 =	sld [smem:$0x10];
	[sflag:s5] =	ssyncadd.s32 $0xFFFFFFFF  }
0x97: {  	s17 =	sld [smem:$0x11];
	(tm) =	ssettm $0x1  }
0x98: {  	s18 =	sld [smem:$0x3FFB];
	_ =	sdelay $0x3  }
0x99: {  	_ =	strace s18  }
0x9a: {  	s6 =	sld [smem:$0x3FFC];
	_ =	sdelay $0x3  }
0x9b: {  	_ =	strace s6  }
0x9c: {  	s6 =	sld [smem:$0x3FFD];
	_ =	sdelay $0x3  }
0x9d: {  	_ =	strace s6  }
0x9e: {  	_ =	strace $0x8FFFFFFF  }
0x9f: {  	s19 =	sld [smem:$0x3FDB];
	_ =	sdelay $0x1  }
0xa0: {  	s7 =	simm.s32 $_scs_section_size  }
0xa1: {  	s8 =	simm.s32 $_size__tile_overlayer_lowered;
	s9 =	simm.s32 $_tile_overlayer_lowered  }
0xa2: {  	s22 =	simm.s32 $0x1BFF;
	s21 =	sshll.u32 s9, $0x1;
	s6 =	sadd.s32 s7, s19  }
0xa3: {  	s10 =	simm.s32 $0x0;
	s20 =	sshll.u32 s8, $0x1;
	s8 =	sadd.s32 s21, s6  }
0xa4: {  	[timem:s10], [sflag:s22] =	dma.local [hbm:s8], s20  }
0xa5: {  	_ =	swait.ge [sflag:s22], s20  }
0xa6: {  	s7 =	ssub.s32 $0x0, s20;
	[sflag:s22] =	ssyncset.done $0x0  }
0xa7: {  	[sflag:s22] =	ssyncadd.s32 s7;
	_ =	sdelay $0x1  }
0xa8: {  	s23 =	simm.s32 $0x1B8B  }
0xa9: {  	_ =	swait.ge [sflag:s23], $0x1  }
0xaa: {  	[sflag:s23] =	ssyncset.done $0x0  }
0xab: {  	s25 =	simm.s32 $0x1B8E;
	s24 =	sld [smem:$0x3FFE];
	[sflag:s23] =	ssyncadd.s32 $0xFFFFFFFF  }
0xac: {  	s26 =	simm.s32 $execute0_lowered;
	[smem:$0x3FD2] =	sst s25  }
0xad: {  	s8 =	sshll.u32 s26, $0x1;
	_ =	strace $0x80000046;
	[dreg:$0x1] =	wrdreg $0xFFFFFFFF  }
0xae: {  	s28 =	simm.s32 $_size_execute0_lowered;
	s6 =	sadd.s32 s6, s8;
	[dreg:$0x0] =	wrdreg $0x0  }
0xaf: {  	s8 =	sshll.u32 s28, $0x1;
	[dreg:$0x2] =	wrdreg s6  }
0xb0: {  	[dreg:$0x3] =	wrdreg s8  }
0xb1: {  	[dreg:$0x4] =	wrdreg $0xC0  }
0xb2: {  	_ =	task [dreg:s10], $0x5FFFF  }
0xb3: {  	[dreg:$0x1] =	wrdreg $0xFFFFFFFF  }
0xb4: {  	[dreg:$0x0] =	wrdreg $0x60  }
0xb5: {  	[dreg:$0x2] =	wrdreg s15  }
0xb6: {  	[dreg:$0x3] =	wrdreg s4  }
0xb7: {  	[dreg:$0x4] =	wrdreg s24  }
0xb8: {  	[dreg:$0x5] =	wrdreg s16  }
0xb9: {  	[dreg:$0x6] =	wrdreg s17  }
0xba: {  	[dreg:$0x7] =	wrdreg $0x9  }
0xbb: {  	_ =	task.clear_ibuf [dreg:s10], $0x8FFFF;
	_ =	strace $0x90000046  }
0xbc: {  	s29 =	simm.s32 $0x9;
	_ =	strace $0x80000048  }
0xbd: {  	_ =	swait.ge [sflag:s29], $0x1  }
0xbe: {  	[sflag:s29] =	ssyncadd.s32 $0xFFFFFFFF  }
0xbf: {  	_ =	strace $0x90000048  }
0xc0: {  	_ =	sfence  }
0xc1: {  	s30 =	sld [smem:$0x0];
	_ =	sdelay $0x2  }
0xc2: {  	s31 =	sshll.u32 s1, $0xD;
	s1 =	sshrl.u32 s1, $0x2  }
0xc3: {  	s3 =	sand.u32 $0x4000, s31;
	s1 =	sadd.s32 s1, s30  }
0xc4: {  	s0 =	sor.u32 s3, s0;
	s1 =	sshll.u32 s1, $0x11  }
0xc5: {  	s0 =	sor.u32 s1, s0  }
0xc6: {  	s0 =	sadd.s32 $0x8F2B, s0  }
0xc7: {  	[sflag:s0] =	ssyncadd.remote.s32 $0x1  }
0xc8: {  	_ =	sfence.sel $0xFFFF  }
0xc9: {  	[dreg:$0x0] =	wrdreg $0xFFFFFFFF;
	(pc) =	sbr.abs _section_cstart, $3  }
0xca: {  	[dreg:$0x1] =	wrdreg $0xFFFFFFFF  }
0xcb: {  	_ =	task.clear_ibuf [dreg:s10], $0x2FFFF;
	_ =	strace $0x9FFFFFFF  }
0xcc: {  	(tm) =	ssettm $0x7FFFFFFF  }
0xcd: {  	_ =	shalt  }
tec
execute0_lowered:
.L_overlay_start_1:
0x0: {  	(tag) =	ssettag $0x1  }
0x1: {  	v0 =	vimm.s32 $0x1380;
	vm14 =	vcmask $0x300;
	vm13 =	vcmask $0x704  }
0x2: {  	vm12 =	vcmask $0xB08;
	vm11 =	vcmask $0xF0C;
	vm10 =	vcmask $0x1310  }
0x3: {  	vm9 =	vcmask $0x1714;
	vm8 =	vcmask $0x1B18;
	vm7 =	vcmask $0x1F1C  }
0x4: {  	vm6 =	vcmask $0x2320;
	vm5 =	vcmask $0x2724;
	vm4 =	vcmask $0x2B28  }
0x5: {  	vm3 =	vcmask $0x2F2C;
	v1 =	vlaneseq.u32;
	vm2 =	vcmask $0x3330  }
0x6: {  	vm1 =	vcmask $0x3734;
	vm0 =	vcmask $0x3B38;
	v3 =	vimm.s32 $0x3380  }
0x7: {  	v4 =	vimm.s32 $0x5380;
	v5 =	vimm.s32 $0x7380;
	v0 =	vsel vm14, $0x0, v0  }
0x8: {  	v3 =	vsel vm14, $0x2000, v3;
	v4 =	vsel vm14, $0x4000, v4;
	v5 =	vsel vm14, $0x6000, v5  }
0x9: {  	v0 =	vsel vm13, $0x80, v0;
	v3 =	vsel vm13, $0x2080, v3;
	v4 =	vsel vm13, $0x4080, v4  }
0xa: {  	s1 =	rddreg [dreg:$0x0];
	v5 =	vsel vm13, $0x6080, v5;
	v0 =	vsel vm12, $0x100, v0;
	v3 =	vsel vm12, $0x2100, v3  }
0xb: {  	s0 =	rddreg [dreg:$0x1];
	v4 =	vsel vm12, $0x4100, v4;
	v5 =	vsel vm12, $0x6100, v5;
	v0 =	vsel vm11, $0x180, v0  }
0xc: {  	s2 =	rddreg [dreg:$0x2];
	v3 =	vsel vm11, $0x2180, v3;
	v4 =	vsel vm11, $0x4180, v4;
	v5 =	vsel vm11, $0x6180, v5  }
0xd: {  	s4 =	rddreg [dreg:$0x3];
	v0 =	vsel vm10, $0x200, v0;
	v3 =	vsel vm10, $0x2200, v3;
	v4 =	vsel vm10, $0x4200, v4  }
0xe: {  	s7 =	rddreg [dreg:$0x4];
	s5 =	srdreg.scid;
	s3 =	simm.s32 $0x0;
	v5 =	vsel vm10, $0x6200, v5;
	v0 =	vsel vm9, $0x280, v0;
	v3 =	vsel vm9, $0x2280, v3  }
0xf: {  	s6 =	stileid.u32;
	s9 =	simm.s32 $0x200;
	s12 =	simm.s32 $0x7A1400;
	v4 =	vsel vm9, $0x4280, v4;
	v5 =	vsel vm9, $0x6280, v5;
	v0 =	vsel vm8, $0x300, v0  }
0x10: {  	s11 =	simm.s32 $0x18200;
	s13 =	simm.s32 $0x400;
	s14 =	simm.s32 $0x2200;
	v3 =	vsel vm8, $0x2300, v3;
	v4 =	vsel vm8, $0x4300, v4;
	v5 =	vsel vm8, $0x6300, v5  }
0x11: {  	s15 =	simm.s32 $0x4200;
	s16 =	simm.s32 $0x6200;
	s17 =	simm.s32 $0x8200;
	v0 =	vsel vm7, $0x380, v0;
	v3 =	vsel vm7, $0x2380, v3;
	v4 =	vsel vm7, $0x4380, v4  }
0x12: {  	s18 =	simm.s32 $0xA200;
	s19 =	simm.s32 $0xC200;
	s20 =	simm.s32 $0xE200;
	v5 =	vsel vm7, $0x6380, v5;
	v0 =	vsel vm6, $0x1000, v0;
	v3 =	vsel vm6, $0x3000, v3  }
0x13: {  	s21 =	simm.s32 $0x2;
	s22 =	simm.s32 $0x10200;
	s23 =	simm.s32 $0x3;
	v4 =	vsel vm6, $0x5000, v4;
	v5 =	vsel vm6, $0x7000, v5;
	v0 =	vsel vm5, $0x1080, v0  }
0x14: {  	s24 =	simm.s32 $0x4;
	s28 =	simm.s32 $0x7;
	s29 =	simm.s32 $0x8;
	v3 =	vsel vm5, $0x3080, v3;
	v4 =	vsel vm5, $0x5080, v4;
	v5 =	vsel vm5, $0x7080, v5  }
0x15: {  	s30 =	simm.s32 $0x9;
	s31 =	simm.s32 $0x0;
	s5 =	sand.u32 $0x1, s5;
	v0 =	vsel vm4, $0x1100, v0;
	v3 =	vsel vm4, $0x3100, v3;
	v4 =	vsel vm4, $0x5100, v4  }
0x16: {  	[smem:$0x7FF] =	sst s3;
	s6 =	sshll.u32 s6, $0xA;
	s2 =	sadd.s32 $0x400, s2;
	v5 =	vsel vm4, $0x7100, v5;
	v2 =	vsel vm3, $0x1180, v0;
	v0 =	vmul.u32 $0x80, v1  }
0x17: {  	s8 =	sshll.u32 s5, $0x9;
	_ =	strace $0x80000047;
	s5 =	ssub.s32 $0x2, s5;
	v3 =	vsel vm3, $0x3180, v3;
	v4 =	vsel vm3, $0x5180, v4;
	v5 =	vsel vm3, $0x7180, v5  }
0x18: {  	[dreg:$0x6] =	wrdreg s2;
	s6 =	sor.u32 s8, s6;
	s25 =	sshrl.u32 s5, $0x1;
	v1 =	vsel vm2, $0x1200, v2;
	v3 =	vsel vm2, $0x3200, v3;
	v6 =	vsel vm2, $0x5200, v4  }
0x19: {  	s8 =	sshrl.u32 s6, $0x3;
	s2 =	ssub.s32 s5, s25;
	s26 =	sadd.s32 s4, s6;
	v5 =	vsel vm2, $0x7200, v5;
	v1 =	vsel vm1, $0x1280, v1;
	v2 =	vor.u32 $0x800, v0  }
0x1a: {  	s25 =	simm.s32 $0x5;
	s1 =	sadd.s32 s1, s8;
	[dreg:$0x8] =	wrdreg s26;
	v3 =	vsel vm1, $0x3280, v3;
	v4 =	vor.u32 $0x1000, v0;
	v6 =	vsel vm1, $0x5280, v6  }
0x1b: {  	s7 =	sadd.s32 s7, s8;
	s8 =	simm.s32 $0xA;
	s10 =	smax.u32 s2, $0x1;
	v7 =	vsel vm1, $0x7280, v5;
	v1 =	vsel vm0, $0x1300, v1;
	v3 =	vsel vm0, $0x3300, v3  }
0x1c: {  	s26 =	simm.s32 $0x6;
	s2 =	simm.s32 $0x1;
	[dreg:$0x7] =	wrdreg s1;
	v5 =	vsel vm0, $0x5300, v6;
	v6 =	vor.u32 $0x1800, v0;
	v7 =	vsel vm0, $0x7300, v7  }
.LBB2_1:
0x1d: {  	s1 =	rddreg [dreg:$0x7]  }
0x1e: {  	[tilespmem:s3], [sflag:$0xA] =	stream.linear.gather [hbm4b:s1+s3], $0x200, $0x38;
	[tilespmem:$0x18400] =	vst v63  }
0x1f: {  	_ =	swait.ge [sflag:s8], $0x200  }
0x20: {  	[sflag:s8] =	ssyncset.done $0x0  }
0x21: {  	s4 =	rddreg [dreg:$0x6];
	[sflag:s8] =	ssyncadd.s32 $0xFFFFFE00  }
0x22: {  	[tilespmem:s11], [sflag:$0x1] =	stream.indirect.gather [hbm4b:s4+s9], $0x1, s3, s9, $0xb8;
	[tilespmem:$0x18400] =	vst v63  }
0x23: {  	v8 =	vld [tilespmem:$0x0];
	_ =	sdelay $0x4  }
0x24: {  	v10 =	vand.u32 $0xFFFFFF80, v8  }
0x25: {  	v9 =	vadd.s32 s0, v10  }
0x26: {  	(v2sf) =	vpush v9, $0x0;
	_ =	sdelay $0x1  }
0x27: {  	(v2sf) =	vpush v9, $0x1;
	_ =	sdelay $0x1  }
0x28: {  	(v2sf) =	vpush v9, $0x2;
	_ =	sdelay $0x1  }
0x29: {  	(v2sf) =	vpush v9, $0x3;
	_ =	sdelay $0x1  }
0x2a: {  	(v2sf) =	vpush v9, $0x4;
	_ =	sdelay $0x1  }
0x2b: {  	(v2sf) =	vpush v9, $0x5;
	_ =	sdelay $0x1  }
0x2c: {  	(v2sf) =	vpush v9, $0x6;
	_ =	sdelay $0x1  }
0x2d: {  	(v2sf) =	vpush v9, $0x7  }
0x2e: {  	s5 =	spop (v2sf)  }
0x2f: {  	[tilespmem:s9], [sflag:$0x2] =	stream.strided.gather [hbm4b:s5+s13], $0x2000, s12, s13, $0x38;
	[tilespmem:$0x18400] =	vst v63  }
0x30: {  	s6 =	spop (v2sf)  }
0x31: {  	[tilespmem:s14], [sflag:$0x3] =	stream.strided.gather [hbm4b:s6+s13], $0x2000, s12, s13, $0x38;
	[tilespmem:$0x18400] =	vst v63  }
0x32: {  	s4 =	spop (v2sf)  }
0x33: {  	[tilespmem:s15], [sflag:$0x4] =	stream.strided.gather [hbm4b:s4+s13], $0x2000, s12, s13, $0x38;
	[tilespmem:$0x18400] =	vst v63  }
0x34: {  	s5 =	spop (v2sf)  }
0x35: {  	[tilespmem:s16], [sflag:$0x5] =	stream.strided.gather [hbm4b:s5+s13], $0x2000, s12, s13, $0x38;
	[tilespmem:$0x18400] =	vst v63  }
0x36: {  	s6 =	spop (v2sf)  }
0x37: {  	[tilespmem:s17], [sflag:$0x6] =	stream.strided.gather [hbm4b:s6+s13], $0x2000, s12, s13, $0x38;
	[tilespmem:$0x18400] =	vst v63  }
0x38: {  	s4 =	spop (v2sf)  }
0x39: {  	[tilespmem:s18], [sflag:$0x7] =	stream.strided.gather [hbm4b:s4+s13], $0x2000, s12, s13, $0x38;
	[tilespmem:$0x18400] =	vst v63  }
0x3a: {  	s5 =	spop (v2sf)  }
0x3b: {  	[tilespmem:s19], [sflag:$0x8] =	stream.strided.gather [hbm4b:s5+s13], $0x2000, s12, s13, $0x38;
	[tilespmem:$0x18400] =	vst v63  }
0x3c: {  	s1 =	simm.s32 $0x0;
	s6 =	spop (v2sf)  }
0x3d: {  	[tilespmem:s20], [sflag:$0x9] =	stream.strided.gather [hbm4b:s6+s13], $0x2000, s12, s13, $0x38;
	[tilespmem:$0x18400] =	vst v63  }
.LBB2_2:
0x3e: {  	v9 =	vand.u32 $0x7F, v8  }
0x3f: {  	v11 =	vbroadcast v9, $0x0;
	_ =	sdelay $0x1  }
0x40: {  	s4 =	sadd.s32 $0x10, s1;
	v12 =	vor.u32 v0, v11  }
0x41: {  	v13 =	vmov s1;
	s5 =	smin.u32 s4, $0x1F0  }
0x42: {  	v14 =	vshll.u32 v13, $0x3;
	v8 =	vld [tilespmem:s5+$0x0];
	_ =	swait.ge [sflag:s21], $0x2000  }
0x43: {  	v13 =	vand.u32 $0x70, v13;
	v14 =	vand.u32 $0xC00, v14;
	[sflag:s21] =	ssyncset.done $0x0  }
0x44: {  	v13 =	vor.u32 v13, v14;
	[sflag:s21] =	ssyncadd.s32 $0xFFFFE000  }
0x45: {  	v14 =	vor.u32 v1, v13;
	v12 =	vld.idx.msk [tilespmem:v12+s9+$0x0], $0xffff  }
0x46: {  	v15 =	vor.u32 v2, v11;
	_ =	sdelay $0x3  }
0x47: {  	[tilespmem:v14+s22+$0x0] =	vst.idx.msk $0xffff, v12  }
0x48: {  	v45 =	vor.u32 v3, v13;
	v12 =	vld.idx.msk [tilespmem:v15+s9+$0x0], $0xffff  }
0x49: {  	v10 =	vadd.s32 s0, v10;
	v46 =	vor.u32 v4, v11  }
0x4a: {  	(v2sf) =	vpush v10, $0x8;
	_ =	sdelay $0x2  }
0x4b: {  	[tilespmem:v45+s22+$0x0] =	vst.idx.msk $0xffff, v12  }
0x4c: {  	v47 =	vor.u32 v5, v13;
	v12 =	vld.idx.msk [tilespmem:v46+s9+$0x0], $0xffff  }
0x4d: {  	v11 =	vor.u32 v6, v11;
	_ =	sdelay $0x3  }
0x4e: {  	[tilespmem:v47+s22+$0x0] =	vst.idx.msk $0xffff, v12  }
0x4f: {  	v48 =	vor.u32 v7, v13;
	v11 =	vld.idx.msk [tilespmem:v11+s9+$0x0], $0xffff;
	_ =	sdelay $0x2  }
0x50: {  	v49 =	vbroadcast v9, $0x1;
	_ =	sdelay $0x1  }
0x51: {  	s6 =	sadd.s32 $0x1, s1;
	s5 =	spop (v2sf);
	[tilespmem:v48+s22+$0x0] =	vst.idx.msk $0xffff, v11;
	v11 =	vor.u32 v0, v49  }
0x52: {  	v50 =	vmov s6;
	[tilespmem:s9], [sflag:$0x2] =	stream.strided.gather [hbm4b:s5+s13], $0x2000, s12, s13, $0x38;
	[tilespmem:$0x18400] =	vst v63  }
0x53: {  	v51 =	vshll.u32 v50, $0x3;
	_ =	swait.ge [sflag:s23], $0x2000  }
0x54: {  	v14 =	vand.u32 $0xC00, v51;
	v12 =	vand.u32 $0x71, v50;
	[sflag:s23] =	ssyncset.done $0x0  }
0x55: {  	v12 =	vor.u32 v12, v14;
	[sflag:s23] =	ssyncadd.s32 $0xFFFFE000  }
0x56: {  	v14 =	vor.u32 v1, v12;
	v11 =	vld.idx.msk [tilespmem:v11+s14+$0x0], $0xffff  }
0x57: {  	v52 =	vor.u32 v2, v49;
	_ =	sdelay $0x3  }
0x58: {  	[tilespmem:v14+s22+$0x0] =	vst.idx.msk $0xffff, v11  }
0x59: {  	v53 =	vor.u32 v3, v12;
	v11 =	vld.idx.msk [tilespmem:v52+s14+$0x0], $0xffff  }
0x5a: {  	v54 =	vor.u32 v4, v49  }
0x5b: {  	(v2sf) =	vpush v10, $0x9;
	_ =	sdelay $0x2  }
0x5c: {  	[tilespmem:v53+s22+$0x0] =	vst.idx.msk $0xffff, v11  }
0x5d: {  	v55 =	vor.u32 v5, v12;
	v11 =	vld.idx.msk [tilespmem:v54+s14+$0x0], $0xffff  }
0x5e: {  	v13 =	vor.u32 v6, v49;
	_ =	sdelay $0x3  }
0x5f: {  	[tilespmem:v55+s22+$0x0] =	vst.idx.msk $0xffff, v11  }
0x60: {  	v12 =	vor.u32 v7, v12;
	v11 =	vld.idx.msk [tilespmem:v13+s14+$0x0], $0xffff;
	_ =	sdelay $0x2  }
0x61: {  	v56 =	vbroadcast v9, $0x2;
	_ =	sdelay $0x1  }
0x62: {  	s6 =	sadd.s32 $0x2, s1;
	s5 =	spop (v2sf);
	[tilespmem:v12+s22+$0x0] =	vst.idx.msk $0xffff, v11;
	v11 =	vor.u32 v0, v56  }
0x63: {  	v57 =	vmov s6;
	[tilespmem:s14], [sflag:$0x3] =	stream.strided.gather [hbm4b:s5+s13], $0x2000, s12, s13, $0x38;
	[tilespmem:$0x18400] =	vst v63  }
0x64: {  	v58 =	vshll.u32 v57, $0x3;
	_ =	swait.ge [sflag:s24], $0x2000  }
0x65: {  	v14 =	vand.u32 $0xC00, v58;
	v12 =	vand.u32 $0x72, v57;
	[sflag:s24] =	ssyncset.done $0x0  }
0x66: {  	v12 =	vor.u32 v12, v14;
	[sflag:s24] =	ssyncadd.s32 $0xFFFFE000  }
0x67: {  	v14 =	vor.u32 v1, v12;
	v11 =	vld.idx.msk [tilespmem:v11+s15+$0x0], $0xffff  }
0x68: {  	v59 =	vor.u32 v2, v56;
	_ =	sdelay $0x3  }
0x69: {  	[tilespmem:v14+s22+$0x0] =	vst.idx.msk $0xffff, v11  }
0x6a: {  	v60 =	vor.u32 v3, v12;
	v11 =	vld.idx.msk [tilespmem:v59+s15+$0x0], $0xffff  }
0x6b: {  	v61 =	vor.u32 v4, v56  }
0x6c: {  	(v2sf) =	vpush v10, $0xA;
	_ =	sdelay $0x2  }
0x6d: {  	[tilespmem:v60+s22+$0x0] =	vst.idx.msk $0xffff, v11  }
0x6e: {  	v62 =	vor.u32 v5, v12;
	v11 =	vld.idx.msk [tilespmem:v61+s15+$0x0], $0xffff  }
0x6f: {  	v13 =	vor.u32 v6, v56;
	_ =	sdelay $0x3  }
0x70: {  	[tilespmem:v62+s22+$0x0] =	vst.idx.msk $0xffff, v11  }
0x71: {  	v12 =	vor.u32 v7, v12;
	v11 =	vld.idx.msk [tilespmem:v13+s15+$0x0], $0xffff;
	_ =	sdelay $0x2  }
0x72: {  	v63 =	vbroadcast v9, $0x3;
	_ =	sdelay $0x1  }
0x73: {  	s6 =	sadd.s32 $0x3, s1;
	s5 =	spop (v2sf);
	[tilespmem:v12+s22+$0x0] =	vst.idx.msk $0xffff, v11;
	v11 =	vor.u32 v0, v63  }
0x74: {  	v17 =	vmov s6;
	[tilespmem:s15], [sflag:$0x4] =	stream.strided.gather [hbm4b:s5+s13], $0x2000, s12, s13, $0x38;
	[tilespmem:$0x18400] =	vst v63  }
0x75: {  	v18 =	vshll.u32 v17, $0x3;
	_ =	swait.ge [sflag:s25], $0x2000  }
0x76: {  	v14 =	vand.u32 $0xC00, v18;
	v12 =	vand.u32 $0x73, v17;
	[sflag:s25] =	ssyncset.done $0x0  }
0x77: {  	v12 =	vor.u32 v12, v14;
	[sflag:s25] =	ssyncadd.s32 $0xFFFFE000  }
0x78: {  	v14 =	vor.u32 v1, v12;
	v11 =	vld.idx.msk [tilespmem:v11+s16+$0x0], $0xffff  }
0x79: {  	v19 =	vor.u32 v2, v63;
	_ =	sdelay $0x3  }
0x7a: {  	[tilespmem:v14+s22+$0x0] =	vst.idx.msk $0xffff, v11  }
0x7b: {  	v20 =	vor.u32 v3, v12;
	v11 =	vld.idx.msk [tilespmem:v19+s16+$0x0], $0xffff  }
0x7c: {  	v21 =	vor.u32 v4, v63  }
0x7d: {  	(v2sf) =	vpush v10, $0xB;
	_ =	sdelay $0x2  }
0x7e: {  	[tilespmem:v20+s22+$0x0] =	vst.idx.msk $0xffff, v11  }
0x7f: {  	v22 =	vor.u32 v5, v12;
	v11 =	vld.idx.msk [tilespmem:v21+s16+$0x0], $0xffff  }
0x80: {  	v13 =	vor.u32 v6, v63;
	_ =	sdelay $0x3  }
0x81: {  	[tilespmem:v22+s22+$0x0] =	vst.idx.msk $0xffff, v11  }
0x82: {  	v12 =	vor.u32 v7, v12;
	v11 =	vld.idx.msk [tilespmem:v13+s16+$0x0], $0xffff;
	_ =	sdelay $0x2  }
0x83: {  	v23 =	vbroadcast v9, $0x4;
	_ =	sdelay $0x1  }
0x84: {  	s6 =	sadd.s32 $0x4, s1;
	s5 =	spop (v2sf);
	[tilespmem:v12+s22+$0x0] =	vst.idx.msk $0xffff, v11;
	v11 =	vor.u32 v0, v23  }
0x85: {  	v24 =	vmov s6;
	[tilespmem:s16], [sflag:$0x5] =	stream.strided.gather [hbm4b:s5+s13], $0x2000, s12, s13, $0x38;
	[tilespmem:$0x18400] =	vst v63  }
0x86: {  	v25 =	vshll.u32 v24, $0x3;
	_ =	swait.ge [sflag:s26], $0x2000  }
0x87: {  	v14 =	vand.u32 $0xC00, v25;
	v12 =	vand.u32 $0x74, v24;
	[sflag:s26] =	ssyncset.done $0x0  }
0x88: {  	v12 =	vor.u32 v12, v14;
	[sflag:s26] =	ssyncadd.s32 $0xFFFFE000  }
0x89: {  	v14 =	vor.u32 v1, v12;
	v11 =	vld.idx.msk [tilespmem:v11+s17+$0x0], $0xffff  }
0x8a: {  	v26 =	vor.u32 v2, v23;
	_ =	sdelay $0x3  }
0x8b: {  	[tilespmem:v14+s22+$0x0] =	vst.idx.msk $0xffff, v11  }
0x8c: {  	v27 =	vor.u32 v3, v12;
	v11 =	vld.idx.msk [tilespmem:v26+s17+$0x0], $0xffff  }
0x8d: {  	v28 =	vor.u32 v4, v23  }
0x8e: {  	(v2sf) =	vpush v10, $0xC;
	_ =	sdelay $0x2  }
0x8f: {  	[tilespmem:v27+s22+$0x0] =	vst.idx.msk $0xffff, v11  }
0x90: {  	v29 =	vor.u32 v5, v12;
	v11 =	vld.idx.msk [tilespmem:v28+s17+$0x0], $0xffff  }
0x91: {  	v13 =	vor.u32 v6, v23;
	_ =	sdelay $0x3  }
0x92: {  	[tilespmem:v29+s22+$0x0] =	vst.idx.msk $0xffff, v11  }
0x93: {  	v12 =	vor.u32 v7, v12;
	v11 =	vld.idx.msk [tilespmem:v13+s17+$0x0], $0xffff;
	_ =	sdelay $0x2  }
0x94: {  	v30 =	vbroadcast v9, $0x5;
	_ =	sdelay $0x1  }
0x95: {  	s6 =	sadd.s32 $0x5, s1;
	s5 =	spop (v2sf);
	[tilespmem:v12+s22+$0x0] =	vst.idx.msk $0xffff, v11;
	v11 =	vor.u32 v0, v30  }
0x96: {  	v31 =	vmov s6;
	[tilespmem:s17], [sflag:$0x6] =	stream.strided.gather [hbm4b:s5+s13], $0x2000, s12, s13, $0x38;
	[tilespmem:$0x18400] =	vst v63  }
0x97: {  	v32 =	vshll.u32 v31, $0x3;
	_ =	swait.ge [sflag:s28], $0x2000  }
0x98: {  	v14 =	vand.u32 $0xC00, v32;
	v12 =	vand.u32 $0x75, v31;
	[sflag:s28] =	ssyncset.done $0x0  }
0x99: {  	v12 =	vor.u32 v12, v14;
	[sflag:s28] =	ssyncadd.s32 $0xFFFFE000  }
0x9a: {  	v14 =	vor.u32 v1, v12;
	v11 =	vld.idx.msk [tilespmem:v11+s18+$0x0], $0xffff  }
0x9b: {  	v33 =	vor.u32 v2, v30;
	_ =	sdelay $0x3  }
0x9c: {  	[tilespmem:v14+s22+$0x0] =	vst.idx.msk $0xffff, v11  }
0x9d: {  	v34 =	vor.u32 v3, v12;
	v11 =	vld.idx.msk [tilespmem:v33+s18+$0x0], $0xffff  }
0x9e: {  	v35 =	vor.u32 v4, v30  }
0x9f: {  	(v2sf) =	vpush v10, $0xD;
	_ =	sdelay $0x2  }
0xa0: {  	[tilespmem:v34+s22+$0x0] =	vst.idx.msk $0xffff, v11  }
0xa1: {  	v36 =	vor.u32 v5, v12;
	v11 =	vld.idx.msk [tilespmem:v35+s18+$0x0], $0xffff  }
0xa2: {  	v13 =	vor.u32 v6, v30;
	_ =	sdelay $0x3  }
0xa3: {  	[tilespmem:v36+s22+$0x0] =	vst.idx.msk $0xffff, v11  }
0xa4: {  	v12 =	vor.u32 v7, v12;
	v11 =	vld.idx.msk [tilespmem:v13+s18+$0x0], $0xffff;
	_ =	sdelay $0x2  }
0xa5: {  	v37 =	vbroadcast v9, $0x6;
	_ =	sdelay $0x1  }
0xa6: {  	s6 =	sadd.s32 $0x6, s1;
	s5 =	spop (v2sf);
	[tilespmem:v12+s22+$0x0] =	vst.idx.msk $0xffff, v11;
	v11 =	vor.u32 v0, v37  }
0xa7: {  	v38 =	vmov s6;
	[tilespmem:s18], [sflag:$0x7] =	stream.strided.gather [hbm4b:s5+s13], $0x2000, s12, s13, $0x38;
	[tilespmem:$0x18400] =	vst v63  }
0xa8: {  	v39 =	vshll.u32 v38, $0x3;
	_ =	swait.ge [sflag:s29], $0x2000  }
0xa9: {  	v14 =	vand.u32 $0xC00, v39;
	v12 =	vand.u32 $0x76, v38;
	[sflag:s29] =	ssyncset.done $0x0  }
0xaa: {  	v12 =	vor.u32 v12, v14;
	[sflag:s29] =	ssyncadd.s32 $0xFFFFE000  }
0xab: {  	v14 =	vor.u32 v1, v12;
	v11 =	vld.idx.msk [tilespmem:v11+s19+$0x0], $0xffff  }
0xac: {  	v40 =	vor.u32 v2, v37;
	_ =	sdelay $0x3  }
0xad: {  	[tilespmem:v14+s22+$0x0] =	vst.idx.msk $0xffff, v11  }
0xae: {  	v41 =	vor.u32 v3, v12;
	v11 =	vld.idx.msk [tilespmem:v40+s19+$0x0], $0xffff  }
0xaf: {  	v42 =	vor.u32 v4, v37  }
0xb0: {  	(v2sf) =	vpush v10, $0xE;
	_ =	sdelay $0x2  }
0xb1: {  	[tilespmem:v41+s22+$0x0] =	vst.idx.msk $0xffff, v11  }
0xb2: {  	v43 =	vor.u32 v5, v12;
	v11 =	vld.idx.msk [tilespmem:v42+s19+$0x0], $0xffff  }
0xb3: {  	v13 =	vor.u32 v6, v37;
	_ =	sdelay $0x3  }
0xb4: {  	[tilespmem:v43+s22+$0x0] =	vst.idx.msk $0xffff, v11  }
0xb5: {  	v12 =	vor.u32 v7, v12;
	v11 =	vld.idx.msk [tilespmem:v13+s19+$0x0], $0xffff;
	_ =	sdelay $0x2  }
0xb6: {  	v44 =	vbroadcast v9, $0x7;
	_ =	sdelay $0x1  }
0xb7: {  	s6 =	sadd.s32 $0x7, s1;
	s5 =	spop (v2sf);
	[tilespmem:v12+s22+$0x0] =	vst.idx.msk $0xffff, v11;
	v11 =	vor.u32 v0, v44  }
0xb8: {  	v45 =	vmov s6;
	[tilespmem:s19], [sflag:$0x8] =	stream.strided.gather [hbm4b:s5+s13], $0x2000, s12, s13, $0x38;
	[tilespmem:$0x18400] =	vst v63  }
0xb9: {  	v46 =	vshll.u32 v45, $0x3;
	_ =	swait.ge [sflag:s30], $0x2000  }
0xba: {  	v14 =	vand.u32 $0xC00, v46;
	v12 =	vand.u32 $0x77, v45;
	[sflag:s30] =	ssyncset.done $0x0  }
0xbb: {  	v12 =	vor.u32 v12, v14;
	[sflag:s30] =	ssyncadd.s32 $0xFFFFE000  }
0xbc: {  	v14 =	vor.u32 v1, v12;
	v11 =	vld.idx.msk [tilespmem:v11+s20+$0x0], $0xffff  }
0xbd: {  	v47 =	vor.u32 v2, v44;
	_ =	sdelay $0x3  }
0xbe: {  	[tilespmem:v14+s22+$0x0] =	vst.idx.msk $0xffff, v11  }
0xbf: {  	v48 =	vor.u32 v3, v12;
	v11 =	vld.idx.msk [tilespmem:v47+s20+$0x0], $0xffff  }
0xc0: {  	v49 =	vor.u32 v4, v44  }
0xc1: {  	(v2sf) =	vpush v10, $0xF;
	_ =	sdelay $0x2  }
0xc2: {  	[tilespmem:v48+s22+$0x0] =	vst.idx.msk $0xffff, v11  }
0xc3: {  	v11 =	vor.u32 v5, v12;
	v10 =	vld.idx.msk [tilespmem:v49+s20+$0x0], $0xffff  }
0xc4: {  	v13 =	vor.u32 v6, v44;
	_ =	sdelay $0x3  }
0xc5: {  	[tilespmem:v11+s22+$0x0] =	vst.idx.msk $0xffff, v10  }
0xc6: {  	v11 =	vor.u32 v7, v12;
	v10 =	vld.idx.msk [tilespmem:v13+s20+$0x0], $0xffff;
	_ =	sdelay $0x2  }
0xc7: {  	v50 =	vbroadcast v9, $0x8;
	_ =	sdelay $0x1  }
0xc8: {  	s6 =	sadd.s32 $0x8, s1;
	s5 =	spop (v2sf);
	[tilespmem:v11+s22+$0x0] =	vst.idx.msk $0xffff, v10;
	v10 =	vor.u32 v0, v50  }
0xc9: {  	v11 =	vmov s6;
	[tilespmem:s20], [sflag:$0x9] =	stream.strided.gather [hbm4b:s5+s13], $0x2000, s12, s13, $0x38;
	[tilespmem:$0x18400] =	vst v63  }
0xca: {  	v51 =	vshll.u32 v11, $0x3;
	_ =	swait.ge [sflag:s21], $0x2000  }
0xcb: {  	v11 =	vand.u32 $0x78, v11;
	v13 =	vand.u32 $0xC00, v51;
	[sflag:s21] =	ssyncset.done $0x0  }
0xcc: {  	v13 =	vor.u32 v11, v13;
	[sflag:s21] =	ssyncadd.s32 $0xFFFFE000  }
0xcd: {  	v11 =	vor.u32 v1, v13;
	v10 =	vld.idx.msk [tilespmem:v10+s9+$0x0], $0xffff  }
0xce: {  	v52 =	vor.u32 v2, v50;
	_ =	sdelay $0x3  }
0xcf: {  	[tilespmem:v11+s22+$0x0] =	vst.idx.msk $0xffff, v10  }
0xd0: {  	v53 =	vor.u32 v3, v13;
	v10 =	vand.u32 $0xFFFFFF80, v8;
	v14 =	vld.idx.msk [tilespmem:v52+s9+$0x0], $0xffff  }
0xd1: {  	v16 =	vor.u32 v4, v50;
	v11 =	vadd.s32 s0, v10  }
0xd2: {  	(v2sf) =	vpush v11, $0x0;
	_ =	sdelay $0x2  }
0xd3: {  	[tilespmem:v53+s22+$0x0] =	vst.idx.msk $0xffff, v14  }
0xd4: {  	v54 =	vor.u32 v5, v13;
	v14 =	vld.idx.msk [tilespmem:v16+s9+$0x0], $0xffff  }
0xd5: {  	v12 =	vor.u32 v6, v50;
	_ =	sdelay $0x3  }
0xd6: {  	[tilespmem:v54+s22+$0x0] =	vst.idx.msk $0xffff, v14  }
0xd7: {  	v13 =	vor.u32 v7, v13;
	v12 =	vld.idx.msk [tilespmem:v12+s9+$0x0], $0xffff;
	_ =	sdelay $0x2  }
0xd8: {  	v55 =	vbroadcast v9, $0x9;
	_ =	sdelay $0x1  }
0xd9: {  	v56 =	vor.u32 v0, v55;
	s6 =	sadd.s32 $0x9, s1;
	s5 =	spop (v2sf);
	[tilespmem:v13+s22+$0x0] =	vst.idx.msk $0xffff, v12  }
0xda: {  	v57 =	vmov s6;
	[tilespmem:s9], [sflag:$0x2] =	stream.strided.gather [hbm4b:s5+s13], $0x2000, s12, s13, $0x38;
	[tilespmem:$0x18400] =	vst v63  }
0xdb: {  	v58 =	vshll.u32 v57, $0x3;
	_ =	swait.ge [sflag:s23], $0x2000  }
0xdc: {  	v15 =	vand.u32 $0xC00, v58;
	v13 =	vand.u32 $0x79, v57;
	[sflag:s23] =	ssyncset.done $0x0  }
0xdd: {  	v13 =	vor.u32 v13, v15;
	[sflag:s23] =	ssyncadd.s32 $0xFFFFE000  }
0xde: {  	v15 =	vor.u32 v1, v13;
	v12 =	vld.idx.msk [tilespmem:v56+s14+$0x0], $0xffff  }
0xdf: {  	v59 =	vor.u32 v2, v55;
	_ =	sdelay $0x3  }
0xe0: {  	[tilespmem:v15+s22+$0x0] =	vst.idx.msk $0xffff, v12  }
0xe1: {  	v60 =	vor.u32 v3, v13;
	v12 =	vld.idx.msk [tilespmem:v59+s14+$0x0], $0xffff  }
0xe2: {  	v61 =	vor.u32 v4, v55  }
0xe3: {  	(v2sf) =	vpush v11, $0x1;
	_ =	sdelay $0x2  }
0xe4: {  	[tilespmem:v60+s22+$0x0] =	vst.idx.msk $0xffff, v12  }
0xe5: {  	v62 =	vor.u32 v5, v13;
	v12 =	vld.idx.msk [tilespmem:v61+s14+$0x0], $0xffff  }
0xe6: {  	v14 =	vor.u32 v6, v55;
	_ =	sdelay $0x3  }
0xe7: {  	[tilespmem:v62+s22+$0x0] =	vst.idx.msk $0xffff, v12  }
0xe8: {  	v13 =	vor.u32 v7, v13;
	v12 =	vld.idx.msk [tilespmem:v14+s14+$0x0], $0xffff;
	_ =	sdelay $0x2  }
0xe9: {  	v63 =	vbroadcast v9, $0xA;
	_ =	sdelay $0x1  }
0xea: {  	v18 =	vor.u32 v0, v63;
	s6 =	sadd.s32 $0xA, s1;
	s5 =	spop (v2sf);
	[tilespmem:v13+s22+$0x0] =	vst.idx.msk $0xffff, v12  }
0xeb: {  	v19 =	vmov s6;
	[tilespmem:s14], [sflag:$0x3] =	stream.strided.gather [hbm4b:s5+s13], $0x2000, s12, s13, $0x38;
	[tilespmem:$0x18400] =	vst v63  }
0xec: {  	v20 =	vshll.u32 v19, $0x3;
	_ =	swait.ge [sflag:s24], $0x2000  }
0xed: {  	v15 =	vand.u32 $0xC00, v20;
	v13 =	vand.u32 $0x7A, v19;
	[sflag:s24] =	ssyncset.done $0x0  }
0xee: {  	v13 =	vor.u32 v13, v15;
	[sflag:s24] =	ssyncadd.s32 $0xFFFFE000  }
0xef: {  	v15 =	vor.u32 v1, v13;
	v12 =	vld.idx.msk [tilespmem:v18+s15+$0x0], $0xffff  }
0xf0: {  	v21 =	vor.u32 v2, v63;
	_ =	sdelay $0x3  }
0xf1: {  	[tilespmem:v15+s22+$0x0] =	vst.idx.msk $0xffff, v12  }
0xf2: {  	v22 =	vor.u32 v3, v13;
	v12 =	vld.idx.msk [tilespmem:v21+s15+$0x0], $0xffff  }
0xf3: {  	v23 =	vor.u32 v4, v63  }
0xf4: {  	(v2sf) =	vpush v11, $0x2;
	_ =	sdelay $0x2  }
0xf5: {  	[tilespmem:v22+s22+$0x0] =	vst.idx.msk $0xffff, v12  }
0xf6: {  	v24 =	vor.u32 v5, v13;
	v12 =	vld.idx.msk [tilespmem:v23+s15+$0x0], $0xffff  }
0xf7: {  	v14 =	vor.u32 v6, v63;
	_ =	sdelay $0x3  }
0xf8: {  	[tilespmem:v24+s22+$0x0] =	vst.idx.msk $0xffff, v12  }
0xf9: {  	v13 =	vor.u32 v7, v13;
	v12 =	vld.idx.msk [tilespmem:v14+s15+$0x0], $0xffff;
	_ =	sdelay $0x2  }
0xfa: {  	v25 =	vbroadcast v9, $0xB;
	_ =	sdelay $0x1  }
0xfb: {  	v26 =	vor.u32 v0, v25;
	s6 =	sadd.s32 $0xB, s1;
	s5 =	spop (v2sf);
	[tilespmem:v13+s22+$0x0] =	vst.idx.msk $0xffff, v12  }
0xfc: {  	v27 =	vmov s6;
	[tilespmem:s15], [sflag:$0x4] =	stream.strided.gather [hbm4b:s5+s13], $0x2000, s12, s13, $0x38;
	[tilespmem:$0x18400] =	vst v63  }
0xfd: {  	v28 =	vshll.u32 v27, $0x3;
	_ =	swait.ge [sflag:s25], $0x2000  }
0xfe: {  	v15 =	vand.u32 $0xC00, v28;
	v13 =	vand.u32 $0x7B, v27;
	[sflag:s25] =	ssyncset.done $0x0  }
0xff: {  	v13 =	vor.u32 v13, v15;
	[sflag:s25] =	ssyncadd.s32 $0xFFFFE000  }
0x100: {  	v15 =	vor.u32 v1, v13;
	v12 =	vld.idx.msk [tilespmem:v26+s16+$0x0], $0xffff  }
0x101: {  	v29 =	vor.u32 v2, v25;
	_ =	sdelay $0x3  }
0x102: {  	[tilespmem:v15+s22+$0x0] =	vst.idx.msk $0xffff, v12  }
0x103: {  	v30 =	vor.u32 v3, v13;
	v12 =	vld.idx.msk [tilespmem:v29+s16+$0x0], $0xffff  }
0x104: {  	v31 =	vor.u32 v4, v25  }
0x105: {  	(v2sf) =	vpush v11, $0x3;
	_ =	sdelay $0x2  }
0x106: {  	[tilespmem:v30+s22+$0x0] =	vst.idx.msk $0xffff, v12  }
0x107: {  	v32 =	vor.u32 v5, v13;
	v12 =	vld.idx.msk [tilespmem:v31+s16+$0x0], $0xffff  }
0x108: {  	v14 =	vor.u32 v6, v25;
	_ =	sdelay $0x3  }
0x109: {  	[tilespmem:v32+s22+$0x0] =	vst.idx.msk $0xffff, v12  }
0x10a: {  	v13 =	vor.u32 v7, v13;
	v12 =	vld.idx.msk [tilespmem:v14+s16+$0x0], $0xffff;
	_ =	sdelay $0x2  }
0x10b: {  	v33 =	vbroadcast v9, $0xC;
	_ =	sdelay $0x1  }
0x10c: {  	v34 =	vor.u32 v0, v33;
	s6 =	sadd.s32 $0xC, s1;
	s5 =	spop (v2sf);
	[tilespmem:v13+s22+$0x0] =	vst.idx.msk $0xffff, v12  }
0x10d: {  	v35 =	vmov s6;
	[tilespmem:s16], [sflag:$0x5] =	stream.strided.gather [hbm4b:s5+s13], $0x2000, s12, s13, $0x38;
	[tilespmem:$0x18400] =	vst v63  }
0x10e: {  	v36 =	vshll.u32 v35, $0x3;
	_ =	swait.ge [sflag:s26], $0x2000  }
0x10f: {  	v15 =	vand.u32 $0xC00, v36;
	v13 =	vand.u32 $0x7C, v35;
	[sflag:s26] =	ssyncset.done $0x0  }
0x110: {  	v13 =	vor.u32 v13, v15;
	[sflag:s26] =	ssyncadd.s32 $0xFFFFE000  }
0x111: {  	v15 =	vor.u32 v1, v13;
	v12 =	vld.idx.msk [tilespmem:v34+s17+$0x0], $0xffff  }
0x112: {  	v37 =	vor.u32 v2, v33;
	_ =	sdelay $0x3  }
0x113: {  	[tilespmem:v15+s22+$0x0] =	vst.idx.msk $0xffff, v12  }
0x114: {  	v38 =	vor.u32 v3, v13;
	v12 =	vld.idx.msk [tilespmem:v37+s17+$0x0], $0xffff  }
0x115: {  	v39 =	vor.u32 v4, v33  }
0x116: {  	(v2sf) =	vpush v11, $0x4;
	_ =	sdelay $0x2  }
0x117: {  	[tilespmem:v38+s22+$0x0] =	vst.idx.msk $0xffff, v12  }
0x118: {  	v40 =	vor.u32 v5, v13;
	v12 =	vld.idx.msk [tilespmem:v39+s17+$0x0], $0xffff  }
0x119: {  	v14 =	vor.u32 v6, v33;
	_ =	sdelay $0x3  }
0x11a: {  	[tilespmem:v40+s22+$0x0] =	vst.idx.msk $0xffff, v12  }
0x11b: {  	v13 =	vor.u32 v7, v13;
	v12 =	vld.idx.msk [tilespmem:v14+s17+$0x0], $0xffff;
	_ =	sdelay $0x2  }
0x11c: {  	v41 =	vbroadcast v9, $0xD;
	_ =	sdelay $0x1  }
0x11d: {  	v42 =	vor.u32 v0, v41;
	s6 =	sadd.s32 $0xD, s1;
	s5 =	spop (v2sf);
	[tilespmem:v13+s22+$0x0] =	vst.idx.msk $0xffff, v12  }
0x11e: {  	v43 =	vmov s6;
	[tilespmem:s17], [sflag:$0x6] =	stream.strided.gather [hbm4b:s5+s13], $0x2000, s12, s13, $0x38;
	[tilespmem:$0x18400] =	vst v63  }
0x11f: {  	v44 =	vshll.u32 v43, $0x3;
	_ =	swait.ge [sflag:s28], $0x2000  }
0x120: {  	v15 =	vand.u32 $0xC00, v44;
	v13 =	vand.u32 $0x7D, v43;
	[sflag:s28] =	ssyncset.done $0x0  }
0x121: {  	v13 =	vor.u32 v13, v15;
	[sflag:s28] =	ssyncadd.s32 $0xFFFFE000  }
0x122: {  	v15 =	vor.u32 v1, v13;
	v12 =	vld.idx.msk [tilespmem:v42+s18+$0x0], $0xffff  }
0x123: {  	v45 =	vor.u32 v2, v41;
	_ =	sdelay $0x3  }
0x124: {  	[tilespmem:v15+s22+$0x0] =	vst.idx.msk $0xffff, v12  }
0x125: {  	v46 =	vor.u32 v3, v13;
	v12 =	vld.idx.msk [tilespmem:v45+s18+$0x0], $0xffff  }
0x126: {  	v47 =	vor.u32 v4, v41  }
0x127: {  	(v2sf) =	vpush v11, $0x5;
	_ =	sdelay $0x2  }
0x128: {  	[tilespmem:v46+s22+$0x0] =	vst.idx.msk $0xffff, v12  }
0x129: {  	v48 =	vor.u32 v5, v13;
	v12 =	vld.idx.msk [tilespmem:v47+s18+$0x0], $0xffff  }
0x12a: {  	v14 =	vor.u32 v6, v41;
	_ =	sdelay $0x3  }
0x12b: {  	[tilespmem:v48+s22+$0x0] =	vst.idx.msk $0xffff, v12  }
0x12c: {  	v13 =	vor.u32 v7, v13;
	v12 =	vld.idx.msk [tilespmem:v14+s18+$0x0], $0xffff;
	_ =	sdelay $0x2  }
0x12d: {  	v49 =	vbroadcast v9, $0xE;
	_ =	sdelay $0x1  }
0x12e: {  	v50 =	vor.u32 v0, v49;
	s6 =	sadd.s32 $0xE, s1;
	s5 =	spop (v2sf);
	[tilespmem:v13+s22+$0x0] =	vst.idx.msk $0xffff, v12  }
0x12f: {  	v51 =	vmov s6;
	[tilespmem:s18], [sflag:$0x7] =	stream.strided.gather [hbm4b:s5+s13], $0x2000, s12, s13, $0x38;
	[tilespmem:$0x18400] =	vst v63  }
0x130: {  	v52 =	vshll.u32 v51, $0x3;
	_ =	swait.ge [sflag:s29], $0x2000  }
0x131: {  	v15 =	vand.u32 $0xC00, v52;
	v13 =	vand.u32 $0x7E, v51;
	[sflag:s29] =	ssyncset.done $0x0  }
0x132: {  	v13 =	vor.u32 v13, v15;
	[sflag:s29] =	ssyncadd.s32 $0xFFFFE000  }
0x133: {  	v15 =	vor.u32 v1, v13;
	v12 =	vld.idx.msk [tilespmem:v50+s19+$0x0], $0xffff  }
0x134: {  	v53 =	vor.u32 v2, v49;
	_ =	sdelay $0x3  }
0x135: {  	[tilespmem:v15+s22+$0x0] =	vst.idx.msk $0xffff, v12  }
0x136: {  	v54 =	vor.u32 v3, v13;
	v12 =	vld.idx.msk [tilespmem:v53+s19+$0x0], $0xffff  }
0x137: {  	v55 =	vor.u32 v4, v49  }
0x138: {  	(v2sf) =	vpush v11, $0x6;
	_ =	sdelay $0x2  }
0x139: {  	[tilespmem:v54+s22+$0x0] =	vst.idx.msk $0xffff, v12  }
0x13a: {  	v56 =	vor.u32 v5, v13;
	v12 =	vld.idx.msk [tilespmem:v55+s19+$0x0], $0xffff  }
0x13b: {  	v14 =	vor.u32 v6, v49;
	_ =	sdelay $0x3  }
0x13c: {  	[tilespmem:v56+s22+$0x0] =	vst.idx.msk $0xffff, v12  }
0x13d: {  	v13 =	vor.u32 v7, v13;
	v12 =	vld.idx.msk [tilespmem:v14+s19+$0x0], $0xffff;
	_ =	sdelay $0x2  }
0x13e: {  	v9 =	vbroadcast v9, $0xF;
	_ =	sdelay $0x1  }
0x13f: {  	s6 =	sadd.s32 $0xF, s1;
	v57 =	vor.u32 v0, v9;
	s5 =	spop (v2sf);
	[tilespmem:v13+s22+$0x0] =	vst.idx.msk $0xffff, v12  }
0x140: {  	v58 =	vmov s6;
	[tilespmem:s19], [sflag:$0x8] =	stream.strided.gather [hbm4b:s5+s13], $0x2000, s12, s13, $0x38;
	[tilespmem:$0x18400] =	vst v63  }
0x141: {  	v59 =	vshll.u32 v58, $0x3;
	_ =	swait.ge [sflag:s30], $0x2000  }
0x142: {  	v14 =	vand.u32 $0xC00, v59;
	v13 =	vand.u32 $0x7F, v58;
	[sflag:s30] =	ssyncset.done $0x0  }
0x143: {  	v13 =	vor.u32 v13, v14;
	[sflag:s30] =	ssyncadd.s32 $0xFFFFE000  }
0x144: {  	v14 =	vor.u32 v1, v13;
	v12 =	vld.idx.msk [tilespmem:v57+s20+$0x0], $0xffff  }
0x145: {  	v60 =	vor.u32 v2, v9;
	_ =	sdelay $0x3  }
0x146: {  	[tilespmem:v14+s22+$0x0] =	vst.idx.msk $0xffff, v12  }
0x147: {  	v61 =	vor.u32 v3, v13;
	v12 =	vld.idx.msk [tilespmem:v60+s20+$0x0], $0xffff  }
0x148: {  	v62 =	vor.u32 v4, v9  }
0x149: {  	(v2sf) =	vpush v11, $0x7;
	_ =	sdelay $0x2  }
0x14a: {  	[tilespmem:v61+s22+$0x0] =	vst.idx.msk $0xffff, v12  }
0x14b: {  	v63 =	vor.u32 v5, v13;
	v11 =	vld.idx.msk [tilespmem:v62+s20+$0x0], $0xffff  }
0x14c: {  	v9 =	vor.u32 v6, v9;
	_ =	sdelay $0x3  }
0x14d: {  	[tilespmem:v63+s22+$0x0] =	vst.idx.msk $0xffff, v11  }
0x14e: {  	v11 =	vor.u32 v7, v13;
	v9 =	vld.idx.msk [tilespmem:v9+s20+$0x0], $0xffff  }
0x14f: {  	p0 =	sne.s32 s1, $0x1F0  }
.Ltmp0:
0x150: {  	_ = 	snop;
	(pc) =	sbr.rel @p0 .LBB2_2-.Ltmp0, $3  }
0x151: {  	_ =	sdelay $0x1  }
0x152: {  	s1 =	smov.u32 s4;
	s6 =	spop (v2sf);
	[tilespmem:v11+s22+$0x0] =	vst.idx.msk $0xffff, v9  }
0x153: {  	[tilespmem:s20], [sflag:$0x9] =	stream.strided.gather [hbm4b:s6+s13], $0x2000, s12, s13, $0x38;
	[tilespmem:$0x18400] =	vst v63  }
0x154: {  	_ =	swait.ge [sflag:s21], $0x2000  }
0x155: {  	[sflag:s21] =	ssyncset.done $0x0  }
0x156: {  	[sflag:s21] =	ssyncadd.s32 $0xFFFFE000  }
0x157: {  	_ =	swait.ge [sflag:s23], $0x2000  }
0x158: {  	[sflag:s23] =	ssyncset.done $0x0  }
0x159: {  	[sflag:s23] =	ssyncadd.s32 $0xFFFFE000  }
0x15a: {  	_ =	swait.ge [sflag:s24], $0x2000  }
0x15b: {  	[sflag:s24] =	ssyncset.done $0x0  }
0x15c: {  	[sflag:s24] =	ssyncadd.s32 $0xFFFFE000  }
0x15d: {  	_ =	swait.ge [sflag:s25], $0x2000  }
0x15e: {  	[sflag:s25] =	ssyncset.done $0x0  }
0x15f: {  	[sflag:s25] =	ssyncadd.s32 $0xFFFFE000  }
0x160: {  	_ =	swait.ge [sflag:s26], $0x2000  }
0x161: {  	[sflag:s26] =	ssyncset.done $0x0  }
0x162: {  	[sflag:s26] =	ssyncadd.s32 $0xFFFFE000  }
0x163: {  	_ =	swait.ge [sflag:s28], $0x2000  }
0x164: {  	[sflag:s28] =	ssyncset.done $0x0  }
0x165: {  	[sflag:s28] =	ssyncadd.s32 $0xFFFFE000  }
0x166: {  	_ =	swait.ge [sflag:s29], $0x2000  }
0x167: {  	[sflag:s29] =	ssyncset.done $0x0  }
0x168: {  	[sflag:s29] =	ssyncadd.s32 $0xFFFFE000  }
0x169: {  	_ =	swait.ge [sflag:s30], $0x2000  }
0x16a: {  	s4 =	simm.s32 $0x1000;
	[sflag:s30] =	ssyncset.done $0x0  }
0x16b: {  	s5 =	simm.s32 $0x20000;
	s1 =	rddreg [dreg:$0x8];
	[sflag:s30] =	ssyncadd.s32 $0xFFFFE000  }
0x16c: {  	[hbm4b:s1+s4] =	stream.strided.scatter [tilespmem:s22], [sflag:$0xA], $0x8000, s5, s4, $0x38;
	[tilespmem:$0x18400] =	vst v63  }
0x16d: {  	_ =	swait.ge [sflag:s8], $0x8000  }
0x16e: {  	[sflag:s8] =	ssyncset.done $0x0  }
0x16f: {  	[sflag:s8] =	ssyncadd.s32 $0xFFFF8000  }
0x170: {  	s31 =	sadd.s32 $0x1, s31;
	_ =	swait.ge [sflag:s2], $0x200  }
0x171: {  	p0 =	sne.s32 s31, s10;
	[sflag:s2] =	ssyncset.done $0x0  }
.Ltmp1:
0x172: {  	[sflag:s2] =	ssyncadd.s32 $0xFFFFFE00;
	(pc) =	sbr.rel @p0 .LBB2_1-.Ltmp1, $4  }
0x173: {  	[hbm4b:s7+s3] =	stream.linear.scatter [tilespmem:s11], [sflag:$0xA], $0x200, $0x38;
	[tilespmem:$0x18400] =	vst v63  }
0x174: {  	_ =	swait.ge [sflag:s8], $0x200  }
0x175: {  	[sflag:s8] =	ssyncset.done $0x0  }
0x176: {  	[sflag:s8] =	ssyncadd.s32 $0xFFFFFE00  }
0x177: {  	_ =	sfence.sel $0x180000  }
0x178: {  	[bflag:$0x0] =	sbarrier.arrive $0xFFFF  }
0x179: {  	_ =	strace $0x90000047  }
0x17a: {  	s0 =	stileid.u32;
	[bflag:$0x2] =	sbarrier.arrive $0xFFFF  }
0x17b: {  	p0 =	sne.s32 s0, $0x0;
	s0 =	rddreg [dreg:$0x5]  }
0x17c: {  	s0 =	sadd.s32 @!p0 $0x100000, s0  }
0x17d: {  	[sflag:s0] =	ssyncadd.tile.s32 @!p0 $0x1;
	_ =	shalt  }
.Lfunc_end2:
_tile_overlayer_lowered:
.L_overlay_start_2:
0x17e: {  	(tag) =	ssettag $0x2  }
0x17f: {  	s0 =	rddreg [dreg:$0x0];
	s2 =	stileid.u32  }
0x180: {  	s1 =	rddreg [dreg:$0x1];
	p0 =	sne.s32 s2, $0x0  }
0x181: {  	s3 =	rddreg [dreg:$0x2];
	[bflag:$0x3] =	sbarrier.arrive $0xFFFF;
	s2 =	simm.s32 @!p0 $0x1C0A  }
0x182: {  	[timem:s3], [sflag:s2] =	dma.local @!p0 [hbm:s0], s1  }
0x183: {  	s0 =	simm.s32 @!p0 $0xA  }
0x184: {  	_ =	swait.ge @!p0 [sflag:s0], s1  }
0x185: {  	s1 =	ssub.s32 @!p0 $0x0, s1;
	[sflag:s0] =	ssyncset.done @!p0 $0x0  }
0x186: {  	[sflag:s0] =	ssyncadd.s32 @!p0 s1  }
0x187: {  	[bflag:$0x3] =	sbarrier.arrive $0xFFFF  }
0x188: {  	_ =	shalt  }

</sc_bundles>
